<compile_context>
chip_gen: v7x
topology: tpu7x:2x2x1
jax: 0.10.2.dev20260603
libtpu: 0.0.44.dev20260713+nightly
codegen_flags: <defaults>
</compile_context>

<pallas_src>
import functools

import jax
import jax.numpy as jnp
import numpy as np
from jax import lax
from jax.experimental import pallas as pl
from jax.experimental.pallas import tpu as pltpu
from jax.experimental.pallas import tpu_sc as plsc

_NC = 2
_NS = 16
_NW = _NC * _NS

_N = 10000
_E = 160000
_D = 128
_T = 2
_RING_DIM = 10
_HID = 128


_A_ROWS = 1000


def _proj_body(x_ref, w_ref, p0_ref, p1_ref, p2_ref, rp_ref):
    acc = jnp.dot(x_ref[...], w_ref[...], preferred_element_type=jnp.float32)
    p0_ref[...] = acc[:, 0:128]
    p1_ref[...] = acc[:, 128:256]
    p2_ref[...] = acc[:, 256:384]
    rp_ref[...] = acc[:, 384:512]


def _project_tables(x, wall):
    n = x.shape[0]
    grid = n // _A_ROWS
    out = jax.ShapeDtypeStruct((n, 128), jnp.float32)
    return pl.pallas_call(
        _proj_body,
        grid=(grid,),
        in_specs=[
            pl.BlockSpec((_A_ROWS, 144), lambda i: (i, 0)),
            pl.BlockSpec((144, 512), lambda i: (0, 0)),
        ],
        out_specs=[pl.BlockSpec((_A_ROWS, 128), lambda i: (i, 0))] * 4,
        out_shape=[out, out, out, out],
    )(x, wall)



_GCH = 64
_GTASKS = _E // _GCH
_GIT = -(-_GTASKS // _NW)


def _gather_chunk_start(p0, p1, p2, rp, bufs, sem):
    i0, i1, i2, i3, g0, g1, g2, g3 = bufs
    return (pltpu.async_copy(p0.at[i0], g0, sem),
            pltpu.async_copy(p1.at[i1], g1, sem),
            pltpu.async_copy(p2.at[i2], g2, sem),
            pltpu.async_copy(rp.at[i3], g3, sem))


def _gather_chunk_finish(q, descs, bufs, cv, dr, s_out, dr_out):
    i0, i1, i2, i3, g0, g1, g2, g3 = bufs
    base = q * _GCH
    lanes = lax.iota(jnp.int32, 16)
    for g in range(_GCH // 16):
        off = g * 16
        n0 = i0[pl.ds(off, 16)]
        n2 = i2[pl.ds(off, 16)]
        rows = (lanes + off) * 16
        for k in range(3):
            x0 = plsc.load_gather(cv, [n0 + k * _N])
            x2 = plsc.load_gather(cv, [n2 + k * _N])
            plsc.store_scatter(dr, [rows + k], x0 - x2)
    pltpu.sync_copy(dr, dr_out.at[pl.ds(base * 16, _GCH * 16)])
    for d in descs:
        d.wait()

    def row(i, _):
        for j in range(8):
            sl = pl.ds(j * 16, 16)
            g0[i, sl] = g0[i, sl] + g1[i, sl] + g2[i, sl] + g3[i, sl]
        return 0

    lax.fori_loop(0, _GCH, row, 0, unroll=False)
    pltpu.sync_copy(g0, s_out.at[pl.ds(base, _GCH)])


def _make_gather_body(ne):
    ntasks = ne // _GCH
    nit = -(-ntasks // _NW)

    def body(p0, p1, p2, rp, coords_t, cat4,
             s_out, dr_out,
             bufa, bufb, cv, dr, sem, isem):
        wid = lax.axis_index("s") * _NC + lax.axis_index("c")

        pltpu.sync_copy(coords_t, cv)

        def zrow(i, _):
            dr[pl.ds(i * 16, 16)] = jnp.zeros((16,), jnp.float32)
            return 0

        lax.fori_loop(0, _GCH, zrow, 0, unroll=False)

        def qof(it):
            return wid + _NW * it

        def idx_load(q, bufs):
            return [pltpu.async_copy(
                cat4.at[pl.ds(k * ne + q * _GCH, _GCH)], bufs[k], isem)
                for k in range(4)]

        def idx_wait(descs):
            for d in descs:
                d.wait()

        da = idx_load(qof(0), bufa)

        def pair(k, _):
            it0 = 2 * k

            @pl.when(qof(it0) < ntasks)
            def _():
                idx_wait(da)

                @pl.when(qof(it0 + 1) < ntasks)
                def _():
                    idx_wait(idx_load(qof(it0 + 1), bufb))

                dsc_a = _gather_chunk_start(p0, p1, p2, rp, bufa, sem)

                @pl.when(qof(it0 + 1) < ntasks)
                def _():
                    dsc_b = _gather_chunk_start(p0, p1, p2, rp, bufb, sem)

                    _gather_chunk_finish(qof(it0), dsc_a, bufa, cv, dr,
                                         s_out, dr_out)

                    @pl.when(qof(it0 + 2) < ntasks)
                    def _():
                        idx_load(qof(it0 + 2), bufa)

                    _gather_chunk_finish(qof(it0 + 1), dsc_b, bufb, cv, dr,
                                         s_out, dr_out)

                @pl.when(qof(it0 + 1) >= ntasks)
                def _():
                    _gather_chunk_finish(qof(it0), dsc_a, bufa, cv, dr,
                                         s_out, dr_out)

            return 0

        lax.fori_loop(0, -(-nit // 2), pair, 0, unroll=False)

    return body


def _gather_stage(p0, p1, p2, rp, coords_t, cat4):
    mesh = plsc.VectorSubcoreMesh(core_axis_name="c", subcore_axis_name="s")
    f32 = jnp.float32
    i32 = jnp.int32
    ne = cat4.shape[0] // 4

    def gbufs():
        return ([pltpu.VMEM((_GCH,), i32) for _ in range(4)]
                + [pltpu.VMEM((_GCH, 128), f32) for _ in range(4)])

    kern = functools.partial(
        pl.kernel,
        out_type=[
            jax.ShapeDtypeStruct((ne, 128), f32),
            jax.ShapeDtypeStruct((ne * 16,), f32),
        ],
        mesh=mesh,
        scratch_types=[
            gbufs(),
            gbufs(),
            pltpu.VMEM((3 * _N,), f32),
            pltpu.VMEM((_GCH * 16,), f32),
            pltpu.SemaphoreType.DMA,
            pltpu.SemaphoreType.DMA,
        ],
        compiler_params=pltpu.CompilerParams(needs_layout_passes=False),
    )(_make_gather_body(ne))
    return kern(p0, p1, p2, rp, coords_t, cat4)



_BE = 3200


def _leaky(x):
    return jnp.where(x >= 0, x, 0.001 * x)


def _mlp_body(s_ref, dr_ref, b0t_ref, wdl_ref, w1h_ref, b1_ref,
              w2h_ref, b2_ref, w3_ref, b3_ref, pay_ref):
    s = s_ref[...]
    dr = dr_ref[...]
    dl2 = jnp.sum(dr * dr, axis=1, keepdims=True)
    dl = jnp.sqrt(jnp.maximum(dl2, 1e-12))
    dh = dr * (1.0 / dl)
    base = s + dl * wdl_ref[...]
    u = []
    for ti in range(_T):
        h = _leaky(base + b0t_ref[ti:ti + 1, :])
        h = _leaky(jnp.dot(h, w1h_ref[...],
                           preferred_element_type=jnp.float32) + b1_ref[...])
        h = _leaky(jnp.dot(h, w2h_ref[...],
                           preferred_element_type=jnp.float32) + b2_ref[...])
        d = (jnp.dot(h, w3_ref[...],
                     preferred_element_type=jnp.float32) + b3_ref[...])
        u0 = (-0.5 * d[:, 0:1]) * dh
        u2 = (0.5 * d[:, 1:2]) * dh
        u.append((u0, u2))
    pay_ref[0] = jnp.concatenate([u[0][0][:, 0:4], u[1][0][:, 0:4]], axis=1)
    pay_ref[1] = jnp.concatenate([u[0][1][:, 0:4], u[1][1][:, 0:4]], axis=1)


def _mlp_stage(s, dr, b0t, wdl, w1, b1, w2, b2, w3p, b3p):
    ne = s.shape[0]
    return pl.pallas_call(
        _mlp_body,
        grid=(ne // _BE,),
        in_specs=[
            pl.BlockSpec((_BE, 128), lambda i: (i, 0)),
            pl.BlockSpec((_BE, 16), lambda i: (i, 0)),
            pl.BlockSpec((2, 128), lambda i: (0, 0)),
            pl.BlockSpec((1, 128), lambda i: (0, 0)),
            pl.BlockSpec((128, 128), lambda i: (0, 0)),
            pl.BlockSpec((1, 128), lambda i: (0, 0)),
            pl.BlockSpec((128, 128), lambda i: (0, 0)),
            pl.BlockSpec((1, 128), lambda i: (0, 0)),
            pl.BlockSpec((128, 8), lambda i: (0, 0)),
            pl.BlockSpec((1, 8), lambda i: (0, 0)),
        ],
        out_specs=pl.BlockSpec((2, _BE, 8), lambda i: (0, i, 0)),
        out_shape=jax.ShapeDtypeStruct((2, ne, 8), jnp.float32),
    )(s, dr, b0t, wdl, w1, b1, w2, b2, w3p, b3p)



_ACC = _N * 8
_ZLEN = _ACC // _NS


def _make_scatter_body(ntasks):
    def body(pay2d, idx2d, out, idx_v, pay_v, stage_v, acc, lsem, ssem):
        c = lax.axis_index("c")
        s = lax.axis_index("s")
        wid = s * _NC + c

        def zvec(i, _):
            stage_v[pl.ds(i * 16, 16)] = jnp.zeros((16,), jnp.float32)
            return 0

        lax.fori_loop(0, _ZLEN // 16, zvec, 0, unroll=False)
        if _ZLEN % 16:
            stage_v[pl.ds(_ZLEN - 16, 16)] = jnp.zeros((16,), jnp.float32)
        pltpu.sync_copy(stage_v, acc.at[pl.ds(s * _ZLEN, _ZLEN)])
        plsc.subcore_barrier()

        def task(it, _):
            q = wid + _NW * it

            @pl.when(q < ntasks)
            def _():
                r = q * 8
                di = pltpu.async_copy(idx2d.at[pl.ds(r, 8)], idx_v, lsem)
                dp = pltpu.async_copy(pay2d.at[pl.ds(r, 8)], pay_v, lsem)
                di.wait()
                dp.wait()
                descs = [pltpu.async_copy(pay_v.at[j], acc.at[idx_v.at[j]],
                                          ssem, add=True) for j in range(8)]
                for d in descs:
                    d.wait()

            return 0

        lax.fori_loop(0, (ntasks + _NW - 1) // _NW, task, 0, unroll=False)
        plsc.subcore_barrier()
        pltpu.sync_copy(acc.at[pl.ds(s * _ZLEN, _ZLEN)], stage_v)
        pltpu.sync_copy(stage_v, out.at[pl.ds(c * _ACC + s * _ZLEN, _ZLEN)])

    return body


def _scatter_stage(pay2d, idx2d):
    mesh = plsc.VectorSubcoreMesh(core_axis_name="c", subcore_axis_name="s")
    f32 = jnp.float32
    kern = functools.partial(
        pl.kernel,
        out_type=jax.ShapeDtypeStruct((_NC * _ACC,), f32),
        mesh=mesh,
        scratch_types=[
            pltpu.VMEM((8, 128), jnp.int32),
            pltpu.VMEM((8, 128), f32),
            pltpu.VMEM((_ZLEN,), f32),
            pltpu.VMEM_SHARED((_ACC,), f32),
            pltpu.SemaphoreType.DMA,
            pltpu.SemaphoreType.DMA,
        ],
        compiler_params=pltpu.CompilerParams(needs_layout_passes=False),
    )(_make_scatter_body(pay2d.shape[0] // 8))
    return kern(pay2d, idx2d)



def _combine_body(x_ref, a_ref, o_ref):
    acc = a_ref[...]
    for i in range(x_ref.shape[0]):
        acc = acc + x_ref[i]
    o_ref[...] = acc


def _combine_stage(partials, ans_pad):
    return pl.pallas_call(
        _combine_body,
        out_shape=jax.ShapeDtypeStruct((625, 128), jnp.float32),
    )(partials, ans_pad)



def kernel(coords, angles, encoded, t, answer, ring_table,
           W0, b0, W1, b1, W2, b2, W3, b3):
    assert coords.shape == (_N, 3) and angles.shape == (_E, 4)
    ring_norm = 1.0 / np.sqrt(float(_RING_DIM))

    x = jnp.concatenate(
        [encoded, jnp.pad(ring_table, ((0, 0), (0, 16 - _RING_DIM)))], axis=1)
    wall = jnp.zeros((144, 512), jnp.float32)
    wall = wall.at[0:128, 0:384].set(W0[0:384].reshape(3, 128, 128)
                                     .transpose(1, 0, 2).reshape(128, 384))
    wall = wall.at[128:128 + _RING_DIM, 384:512].set(W0[384:384 + _RING_DIM] * ring_norm)
    coords_t = coords.T.reshape(3 * _N)
    b0t = b0[None, :] + t[:, None] * W0[384 + _RING_DIM][None, :]
    wdl = W0[384 + _RING_DIM + 1][None, :]
    w3p = jnp.pad(W3, ((0, 0), (0, 6)))
    b3p = jnp.pad(b3, (0, 6))[None, :]

    a0 = angles[:, 0]
    a1 = angles[:, 1]
    a2 = angles[:, 2]
    ring = angles[:, 3]
    cat4 = jnp.concatenate([a0, a1, a2, ring])

    srows = 2 * _E * 8 // 128
    cat16 = jnp.concatenate([a0, a2]).reshape(srows, 16)
    idx2d = (jnp.repeat(cat16 * 8, 8, axis=1)
             + jnp.tile(jnp.arange(8, dtype=jnp.int32), 16)[None, :])

    p0, p1, p2, rp = _project_tables(x, wall)
    s, dr = _gather_stage(p0, p1, p2, rp, coords_t, cat4)
    dr = dr.reshape(_E, 16)
    pay = _mlp_stage(s, dr, b0t, wdl, W1, b1[None, :], W2, b2[None, :],
                     w3p, b3p)
    part = _scatter_stage(pay.reshape(srows, 128), idx2d)

    ans_pad = jnp.pad(answer, ((0, 0), (0, 0), (0, 1))).reshape(625, 128)
    comb = _combine_stage(part.reshape(_NC, 625, 128), ans_pad)
    return comb.reshape(_N, _T, 4)[:, :, :3]

# --- scband reference (transcript-rebuilt; emitter-appended) ---
"""Pipeline reference for scband-diffusion-bends-82841329205438 (READ-ONLY COPY).

The authoritative reference and input builder live on the scoring server;
editing this copy changes nothing except your own understanding.
"""

import jax, jax.numpy as jnp
import numpy as np

N = 10000
E = 160000
D = 128
T = 2
RING_TOKENS = 10000
RING_DIM = 10
HID = 128
DIM_IN = 3 * D + RING_DIM + 2


def _leaky(x):
    return jnp.where(x >= 0, x, 0.001 * x)


def setup_inputs(seed: int = 0) -> dict:
    key = jax.random.key(seed)
    ks = jax.random.split(key, 16)
    coords = jax.random.normal(ks[0], (N, 3), dtype=jnp.float32)
    angles = jax.random.randint(ks[1], (E, 4), 0, N, dtype=jnp.int32)
    encoded = jax.random.normal(ks[2], (N, D), dtype=jnp.float32)
    t = jax.random.uniform(ks[3], (T,), dtype=jnp.float32)
    answer = jnp.zeros((N, T, 3), dtype=jnp.float32)
    ring_table = jax.random.normal(ks[4], (RING_TOKENS, RING_DIM), dtype=jnp.float32) * 0.02
    W0 = jax.random.normal(ks[5], (DIM_IN, HID), dtype=jnp.float32) / np.sqrt(DIM_IN)
    b0 = jnp.zeros((HID,), dtype=jnp.float32)
    W1 = jax.random.normal(ks[6], (HID, HID), dtype=jnp.float32) / np.sqrt(HID)
    b1 = jnp.zeros((HID,), dtype=jnp.float32)
    W2 = jax.random.normal(ks[7], (HID, HID), dtype=jnp.float32) / np.sqrt(HID)
    b2 = jnp.zeros((HID,), dtype=jnp.float32)
    W3 = jax.random.normal(ks[8], (HID, 2), dtype=jnp.float32) / np.sqrt(HID)
    b3 = jnp.zeros((2,), dtype=jnp.float32)
    return {"coords": coords, "angles": angles, "encoded": encoded, "t": t, "answer": answer,
            "ring_table": ring_table, "W0": W0, "b0": b0, "W1": W1, "b1": b1,
            "W2": W2, "b2": b2, "W3": W3, "b3": b3}


def _mlp(feat, W0, b0, W1, b1, W2, b2, W3, b3):
    h = _leaky(feat @ W0 + b0)
    h = _leaky(h @ W1 + b1)
    h = _leaky(h @ W2 + b2)
    return h @ W3 + b3


def reference(coords, angles, encoded, t, answer, ring_table, W0, b0, W1, b1, W2, b2, W3, b3):
    a0 = angles[:, 0]
    a1 = angles[:, 1]
    a2 = angles[:, 2]
    ring = angles[:, 3]
    # DiffusionBendsGeometry
    dr = jnp.take(coords, a0, axis=0) - jnp.take(coords, a2, axis=0)
    dl = jnp.sqrt(jnp.clip(jnp.sum(dr * dr, axis=-1), 1e-12, None))
    dh = dr / dl[:, None]
    En = angles.shape[0]
    Tn = t.shape[0]
    ring_norm = 1.0 / np.sqrt(float(RING_DIM))
    e0 = jnp.broadcast_to(jnp.take(encoded, a0, axis=0)[:, None, :], (En, Tn, D))
    e1 = jnp.broadcast_to(jnp.take(encoded, a1, axis=0)[:, None, :], (En, Tn, D))
    e2 = jnp.broadcast_to(jnp.take(encoded, a2, axis=0)[:, None, :], (En, Tn, D))
    rg = jnp.broadcast_to((jnp.take(ring_table, ring, axis=0) * ring_norm)[:, None, :], (En, Tn, RING_DIM))
    tt = jnp.broadcast_to(t[None, :, None], (En, Tn, 1))
    dlb = jnp.broadcast_to(dl[:, None, None], (En, Tn, 1))
    feat = jnp.concatenate([e0, e1, e2, rg, tt, dlb], axis=-1)
    delta = _mlp(feat, W0, b0, W1, b1, W2, b2, W3, b3)  # [E, T, 2]
    upd0 = -0.5 * delta[..., 0:1] * dh[:, None, :]  # [E, T, 3]
    upd2 = 0.5 * delta[..., 1:2] * dh[:, None, :]
    out = answer.at[a0].add(upd0)
    out = out.at[a2].add(upd2)
    return out

if __name__ == "__main__":
    import jax
    _d = setup_inputs()
    print(jax.jit(kernel)(*tuple(_d.values())))

</pallas_src>

<mosaic_0001>
#map = affine_map<(d0, d1) -> (0, 0)>
#map1 = affine_map<(d0, d1) -> (0)>
module attributes {stable_mosaic.version = 14 : i64} {
  func.func @body(%arg0: i32, %arg1: i32, %arg2: memref<20000x128xf32, #tpu.memory_space<hbm>>, %arg3: memref<20000x128xi32, #tpu.memory_space<hbm>>, %arg4: memref<160000xf32, #tpu.memory_space<hbm>>, %arg5: memref<8x128xi32, #tpu.memory_space<vmem>>, %arg6: memref<8x128xf32, #tpu.memory_space<vmem>>, %arg7: memref<5000xf32, #tpu.memory_space<vmem>>, %arg8: memref<80000xf32, #tpu.memory_space<vmem_shared>>, %arg9: memref<!tpu.dma_semaphore, #tpu.memory_space<semaphore_mem>>, %arg10: memref<!tpu.dma_semaphore, #tpu.memory_space<semaphore_mem>>) attributes {dimension_semantics = [#tpu.dimension_semantics<core_parallel>, #tpu.dimension_semantics<subcore_parallel>], iteration_bounds = array<i64: 2, 16>, scalar_prefetch = 0 : i64, scratch_operands = 6 : i64, tpu.core_type = #tpu.core_type<sc_vector_subcore>, window_params = [{transform_indices = #map}, {transform_indices = #map}, {transform_indices = #map1}]} {
    %mul3A = arith.constant 2 : i32
    %mul3A_0 = arith.muli %arg1, %mul3A : i32
    %add3A = arith.addi %mul3A_0, %arg0 : i32
    %scan3A = arith.constant 0 : i32
    %scan3A_1 = arith.constant 0 : i32
    %scan3A_2 = arith.constant 312 : i32
    %scan3A_3 = arith.addi %scan3A_1, %scan3A_2 : i32
    %scan3A_4 = arith.constant 1 : i32
    %scan3A_5 = scf.for %scan3A_26 = %scan3A_1 to %scan3A_3 step %scan3A_4 iter_args(%scan3A_27 = %scan3A) -> (i32)  : i32 {
      %broadcast_in_dim3A_28 = arith.constant 0.000000e+00 : f32
      %broadcast_in_dim3A_29 = vector.broadcast %broadcast_in_dim3A_28 : f32 to vector<16xf32>
      %mul3A_30 = arith.constant 16 : i32
      %mul3A_31 = arith.muli %scan3A_26, %mul3A_30 : i32
      %swap3A_32 = arith.index_cast %mul3A_31 : i32 to index
      %swap3A_33 = tpu.vector_load %arg7[%swap3A_32] {strides = array<i32>} : memref<5000xf32, #tpu.memory_space<vmem>>, vector<16xf32>,
      tpu.vector_store %arg7[%swap3A_32], %broadcast_in_dim3A_29 {strides = array<i32>} : memref<5000xf32, #tpu.memory_space<vmem>>, vector<16xf32>,
      %scan3A_34 = arith.constant 0 : i32
      scf.yield %scan3A_34 : i32
    }
    %scan3A_6 = arith.constant 312 : i32
    %broadcast_in_dim3A = arith.constant 0.000000e+00 : f32
    %broadcast_in_dim3A_7 = vector.broadcast %broadcast_in_dim3A : f32 to vector<16xf32>
    %swap3A = arith.constant 4984 : index
    %swap3A_8 = tpu.vector_load %arg7[%swap3A] {strides = array<i32>} : memref<5000xf32, #tpu.memory_space<vmem>>, vector<16xf32>,
    tpu.vector_store %arg7[%swap3A], %broadcast_in_dim3A_7 {strides = array<i32>} : memref<5000xf32, #tpu.memory_space<vmem>>, vector<16xf32>,
    %mul3A_9 = arith.constant 5000 : i32
    %mul3A_10 = arith.muli %arg1, %mul3A_9 : i32
    "tpu.region"() ({
      %run_scoped3A = tpu.sem_alloc : memref<!tpu.dma_semaphore, #tpu.memory_space<semaphore_mem>>
      %dma_start3A = tpu.memref_slice %arg8[%mul3A_10] : memref<80000xf32, #tpu.memory_space<vmem_shared>> -> memref<5000xf32, #tpu.memory_space<vmem_shared>>
      %dma_start3A_26 = tpu.memref_slice %arg8[%mul3A_10] : memref<80000xf32, #tpu.memory_space<vmem_shared>> -> memref<5000xf32, #tpu.memory_space<vmem_shared>>
      tpu.enqueue_dma source(%arg7 : memref<5000xf32, #tpu.memory_space<vmem>>) target(%dma_start3A_26 : memref<5000xf32, #tpu.memory_space<vmem_shared>>) target_semaphore(%run_scoped3A : memref<!tpu.dma_semaphore, #tpu.memory_space<semaphore_mem>>)
      %dma_wait3A = tpu.memref_slice %arg8[%mul3A_10] : memref<80000xf32, #tpu.memory_space<vmem_shared>> -> memref<5000xf32, #tpu.memory_space<vmem_shared>>
      %dma_wait3A_27 = tpu.memref_slice %arg8[%mul3A_10] : memref<80000xf32, #tpu.memory_space<vmem_shared>> -> memref<5000xf32, #tpu.memory_space<vmem_shared>>
      tpu.wait_dma2 semaphore(%run_scoped3A : memref<!tpu.dma_semaphore, #tpu.memory_space<semaphore_mem>>) src(%arg7 : memref<5000xf32, #tpu.memory_space<vmem>>) dst(%dma_wait3A_27 : memref<5000xf32, #tpu.memory_space<vmem_shared>>)
      tpu.yield
    }) : () -> ()
    %barrier3A = arith.constant 0 : index
    tpu.barrier barrier_id(%barrier3A)
    %scan3A_11 = arith.constant 0 : i32
    %scan3A_12 = arith.constant 0 : i32
    %scan3A_13 = arith.constant 79 : i32
    %scan3A_14 = arith.addi %scan3A_12, %scan3A_13 : i32
    %scan3A_15 = arith.constant 1 : i32
    %scan3A_16 = scf.for %scan3A_26 = %scan3A_12 to %scan3A_14 step %scan3A_15 iter_args(%scan3A_27 = %scan3A_11) -> (i32)  : i32 {
      %mul3A_28 = arith.constant 32 : i32
      %mul3A_29 = arith.muli %mul3A_28, %scan3A_26 : i32
      %add3A_30 = arith.addi %add3A, %mul3A_29 : i32
      %lt3A = arith.constant 2500 : i32
      %lt3A_31 = arith.cmpi slt, %add3A_30, %lt3A : i32
      %convert_element_type3A = arith.extui %lt3A_31 : i1 to i32
      %cond3A = arith.constant 0 : i32
      %cond3A_32 = arith.cmpi ne, %convert_element_type3A, %cond3A : i32
      scf.if %cond3A_32 {
        %mul3A_34 = arith.constant 8 : i32
        %mul3A_35 = arith.muli %add3A_30, %mul3A_34 : i32
        %dma_start3A = arith.constant 0 : i32
        %dma_start3A_36 = tpu.memref_slice %arg3[%mul3A_35, %dma_start3A] : memref<20000x128xi32, #tpu.memory_space<hbm>> -> memref<8x128xi32, #tpu.memory_space<hbm>>
        %dma_start3A_37 = arith.constant 0 : i32
        %dma_start3A_38 = tpu.memref_slice %arg3[%mul3A_35, %dma_start3A_37] : memref<20000x128xi32, #tpu.memory_space<hbm>> -> memref<8x128xi32, #tpu.memory_space<hbm>>
        tpu.enqueue_dma source(%dma_start3A_38 : memref<8x128xi32, #tpu.memory_space<hbm>>) target(%arg5 : memref<8x128xi32, #tpu.memory_space<vmem>>) target_semaphore(%arg9 : memref<!tpu.dma_semaphore, #tpu.memory_space<semaphore_mem>>)
        %dma_start3A_39 = arith.constant 0 : i32
        %dma_start3A_40 = tpu.memref_slice %arg2[%mul3A_35, %dma_start3A_39] : memref<20000x128xf32, #tpu.memory_space<hbm>> -> memref<8x128xf32, #tpu.memory_space<hbm>>
        %dma_start3A_41 = arith.constant 0 : i32
        %dma_start3A_42 = tpu.memref_slice %arg2[%mul3A_35, %dma_start3A_41] : memref<20000x128xf32, #tpu.memory_space<hbm>> -> memref<8x128xf32, #tpu.memory_space<hbm>>
        tpu.enqueue_dma source(%dma_start3A_42 : memref<8x128xf32, #tpu.memory_space<hbm>>) target(%arg6 : memref<8x128xf32, #tpu.memory_space<vmem>>) target_semaphore(%arg9 : memref<!tpu.dma_semaphore, #tpu.memory_space<semaphore_mem>>)
        %dma_wait3A = arith.constant 0 : i32
        %dma_wait3A_43 = tpu.memref_slice %arg3[%mul3A_35, %dma_wait3A] : memref<20000x128xi32, #tpu.memory_space<hbm>> -> memref<8x128xi32, #tpu.memory_space<hbm>>
        %dma_wait3A_44 = arith.constant 0 : i32
        %dma_wait3A_45 = tpu.memref_slice %arg3[%mul3A_35, %dma_wait3A_44] : memref<20000x128xi32, #tpu.memory_space<hbm>> -> memref<8x128xi32, #tpu.memory_space<hbm>>
        tpu.wait_dma2 semaphore(%arg9 : memref<!tpu.dma_semaphore, #tpu.memory_space<semaphore_mem>>) src(%dma_wait3A_45 : memref<8x128xi32, #tpu.memory_space<hbm>>) dst(%arg5 : memref<8x128xi32, #tpu.memory_space<vmem>>)
        %dma_wait3A_46 = arith.constant 0 : i32
        %dma_wait3A_47 = tpu.memref_slice %arg2[%mul3A_35, %dma_wait3A_46] : memref<20000x128xf32, #tpu.memory_space<hbm>> -> memref<8x128xf32, #tpu.memory_space<hbm>>
        %dma_wait3A_48 = arith.constant 0 : i32
        %dma_wait3A_49 = tpu.memref_slice %arg2[%mul3A_35, %dma_wait3A_48] : memref<20000x128xf32, #tpu.memory_space<hbm>> -> memref<8x128xf32, #tpu.memory_space<hbm>>
        tpu.wait_dma2 semaphore(%arg9 : memref<!tpu.dma_semaphore, #tpu.memory_space<semaphore_mem>>) src(%dma_wait3A_49 : memref<8x128xf32, #tpu.memory_space<hbm>>) dst(%arg6 : memref<8x128xf32, #tpu.memory_space<vmem>>)
        %dma_start3A_50 = arith.constant 0 : i32
        %dma_start3A_51 = arith.constant 0 : i32
        %dma_start3A_52 = arith.constant 0 : i32
        %dma_start3A_53 = tpu.memref_slice %arg6[%dma_start3A_50, %dma_start3A_52] : memref<8x128xf32, #tpu.memory_space<vmem>> -> memref<1x128xf32, #tpu.memory_space<vmem>>
        %dma_start3A_54 = tpu.memref_squeeze %dma_start3A_53 : memref<1x128xf32, #tpu.memory_space<vmem>> -> memref<128xf32, #tpu.memory_space<vmem>>
        %dma_start3A_55 = arith.constant 0 : i32
        %dma_start3A_56 = tpu.memref_slice %arg5[%dma_start3A_51, %dma_start3A_55] : memref<8x128xi32, #tpu.memory_space<vmem>> -> memref<1x128xi32, #tpu.memory_space<vmem>>
        %dma_start3A_57 = tpu.memref_squeeze %dma_start3A_56 : memref<1x128xi32, #tpu.memory_space<vmem>> -> memref<128xi32, #tpu.memory_space<vmem>>
        %dma_start3A_58 = arith.constant 0 : i32
        %dma_start3A_59 = tpu.memref_slice %arg8[%dma_start3A_58] : memref<80000xf32, #tpu.memory_space<vmem_shared>> -> memref<80000xf32, #tpu.memory_space<vmem_shared>>
        tpu.enqueue_indirect_dma source(%dma_start3A_54 : memref<128xf32, #tpu.memory_space<vmem>>) target(%dma_start3A_59 : memref<80000xf32, #tpu.memory_space<vmem_shared>>) offsets(%dma_start3A_57 : memref<128xi32, #tpu.memory_space<vmem>>) semaphore(%arg10 : memref<!tpu.dma_semaphore, #tpu.memory_space<semaphore_mem>>) {add = true}
        %dma_start3A_60 = arith.constant 1 : i32
        %dma_start3A_61 = arith.constant 1 : i32
        %dma_start3A_62 = arith.constant 0 : i32
        %dma_start3A_63 = tpu.memref_slice %arg6[%dma_start3A_60, %dma_start3A_62] : memref<8x128xf32, #tpu.memory_space<vmem>> -> memref<1x128xf32, #tpu.memory_space<vmem>>
        %dma_start3A_64 = tpu.memref_squeeze %dma_start3A_63 : memref<1x128xf32, #tpu.memory_space<vmem>> -> memref<128xf32, #tpu.memory_space<vmem>>
        %dma_start3A_65 = arith.constant 0 : i32
        %dma_start3A_66 = tpu.memref_slice %arg5[%dma_start3A_61, %dma_start3A_65] : memref<8x128xi32, #tpu.memory_space<vmem>> -> memref<1x128xi32, #tpu.memory_space<vmem>>
        %dma_start3A_67 = tpu.memref_squeeze %dma_start3A_66 : memref<1x128xi32, #tpu.memory_space<vmem>> -> memref<128xi32, #tpu.memory_space<vmem>>
        %dma_start3A_68 = arith.constant 0 : i32
        %dma_start3A_69 = tpu.memref_slice %arg8[%dma_start3A_68] : memref<80000xf32, #tpu.memory_space<vmem_shared>> -> memref<80000xf32, #tpu.memory_space<vmem_shared>>
        tpu.enqueue_indirect_dma source(%dma_start3A_64 : memref<128xf32, #tpu.memory_space<vmem>>) target(%dma_start3A_69 : memref<80000xf32, #tpu.memory_space<vmem_shared>>) offsets(%dma_start3A_67 : memref<128xi32, #tpu.memory_space<vmem>>) semaphore(%arg10 : memref<!tpu.dma_semaphore, #tpu.memory_space<semaphore_mem>>) {add = true}
        %dma_start3A_70 = arith.constant 2 : i32
        %dma_start3A_71 = arith.constant 2 : i32
        %dma_start3A_72 = arith.constant 0 : i32
        %dma_start3A_73 = tpu.memref_slice %arg6[%dma_start3A_70, %dma_start3A_72] : memref<8x128xf32, #tpu.memory_space<vmem>> -> memref<1x128xf32, #tpu.memory_space<vmem>>
        %dma_start3A_74 = tpu.memref_squeeze %dma_start3A_73 : memref<1x128xf32, #tpu.memory_space<vmem>> -> memref<128xf32, #tpu.memory_space<vmem>>
        %dma_start3A_75 = arith.constant 0 : i32
        %dma_start3A_76 = tpu.memref_slice %arg5[%dma_start3A_71, %dma_start3A_75] : memref<8x128xi32, #tpu.memory_space<vmem>> -> memref<1x128xi32, #tpu.memory_space<vmem>>
        %dma_start3A_77 = tpu.memref_squeeze %dma_start3A_76 : memref<1x128xi32, #tpu.memory_space<vmem>> -> memref<128xi32, #tpu.memory_space<vmem>>
        %dma_start3A_78 = arith.constant 0 : i32
        %dma_start3A_79 = tpu.memref_slice %arg8[%dma_start3A_78] : memref<80000xf32, #tpu.memory_space<vmem_shared>> -> memref<80000xf32, #tpu.memory_space<vmem_shared>>
        tpu.enqueue_indirect_dma source(%dma_start3A_74 : memref<128xf32, #tpu.memory_space<vmem>>) target(%dma_start3A_79 : memref<80000xf32, #tpu.memory_space<vmem_shared>>) offsets(%dma_start3A_77 : memref<128xi32, #tpu.memory_space<vmem>>) semaphore(%arg10 : memref<!tpu.dma_semaphore, #tpu.memory_space<semaphore_mem>>) {add = true}
        %dma_start3A_80 = arith.constant 3 : i32
        %dma_start3A_81 = arith.constant 3 : i32
        %dma_start3A_82 = arith.constant 0 : i32
        %dma_start3A_83 = tpu.memref_slice %arg6[%dma_start3A_80, %dma_start3A_82] : memref<8x128xf32, #tpu.memory_space<vmem>> -> memref<1x128xf32, #tpu.memory_space<vmem>>
        %dma_start3A_84 = tpu.memref_squeeze %dma_start3A_83 : memref<1x128xf32, #tpu.memory_space<vmem>> -> memref<128xf32, #tpu.memory_space<vmem>>
        %dma_start3A_85 = arith.constant 0 : i32
        %dma_start3A_86 = tpu.memref_slice %arg5[%dma_start3A_81, %dma_start3A_85] : memref<8x128xi32, #tpu.memory_space<vmem>> -> memref<1x128xi32, #tpu.memory_space<vmem>>
        %dma_start3A_87 = tpu.memref_squeeze %dma_start3A_86 : memref<1x128xi32, #tpu.memory_space<vmem>> -> memref<128xi32, #tpu.memory_space<vmem>>
        %dma_start3A_88 = arith.constant 0 : i32
        %dma_start3A_89 = tpu.memref_slice %arg8[%dma_start3A_88] : memref<80000xf32, #tpu.memory_space<vmem_shared>> -> memref<80000xf32, #tpu.memory_space<vmem_shared>>
        tpu.enqueue_indirect_dma source(%dma_start3A_84 : memref<128xf32, #tpu.memory_space<vmem>>) target(%dma_start3A_89 : memref<80000xf32, #tpu.memory_space<vmem_shared>>) offsets(%dma_start3A_87 : memref<128xi32, #tpu.memory_space<vmem>>) semaphore(%arg10 : memref<!tpu.dma_semaphore, #tpu.memory_space<semaphore_mem>>) {add = true}
        %dma_start3A_90 = arith.constant 4 : i32
        %dma_start3A_91 = arith.constant 4 : i32
        %dma_start3A_92 = arith.constant 0 : i32
        %dma_start3A_93 = tpu.memref_slice %arg6[%dma_start3A_90, %dma_start3A_92] : memref<8x128xf32, #tpu.memory_space<vmem>> -> memref<1x128xf32, #tpu.memory_space<vmem>>
        %dma_start3A_94 = tpu.memref_squeeze %dma_start3A_93 : memref<1x128xf32, #tpu.memory_space<vmem>> -> memref<128xf32, #tpu.memory_space<vmem>>
        %dma_start3A_95 = arith.constant 0 : i32
        %dma_start3A_96 = tpu.memref_slice %arg5[%dma_start3A_91, %dma_start3A_95] : memref<8x128xi32, #tpu.memory_space<vmem>> -> memref<1x128xi32, #tpu.memory_space<vmem>>
        %dma_start3A_97 = tpu.memref_squeeze %dma_start3A_96 : memref<1x128xi32, #tpu.memory_space<vmem>> -> memref<128xi32, #tpu.memory_space<vmem>>
        %dma_start3A_98 = arith.constant 0 : i32
        %dma_start3A_99 = tpu.memref_slice %arg8[%dma_start3A_98] : memref<80000xf32, #tpu.memory_space<vmem_shared>> -> memref<80000xf32, #tpu.memory_space<vmem_shared>>
        tpu.enqueue_indirect_dma source(%dma_start3A_94 : memref<128xf32, #tpu.memory_space<vmem>>) target(%dma_start3A_99 : memref<80000xf32, #tpu.memory_space<vmem_shared>>) offsets(%dma_start3A_97 : memref<128xi32, #tpu.memory_space<vmem>>) semaphore(%arg10 : memref<!tpu.dma_semaphore, #tpu.memory_space<semaphore_mem>>) {add = true}
        %dma_start3A_100 = arith.constant 5 : i32
        %dma_start3A_101 = arith.constant 5 : i32
        %dma_start3A_102 = arith.constant 0 : i32
        %dma_start3A_103 = tpu.memref_slice %arg6[%dma_start3A_100, %dma_start3A_102] : memref<8x128xf32, #tpu.memory_space<vmem>> -> memref<1x128xf32, #tpu.memory_space<vmem>>
        %dma_start3A_104 = tpu.memref_squeeze %dma_start3A_103 : memref<1x128xf32, #tpu.memory_space<vmem>> -> memref<128xf32, #tpu.memory_space<vmem>>
        %dma_start3A_105 = arith.constant 0 : i32
        %dma_start3A_106 = tpu.memref_slice %arg5[%dma_start3A_101, %dma_start3A_105] : memref<8x128xi32, #tpu.memory_space<vmem>> -> memref<1x128xi32, #tpu.memory_space<vmem>>
        %dma_start3A_107 = tpu.memref_squeeze %dma_start3A_106 : memref<1x128xi32, #tpu.memory_space<vmem>> -> memref<128xi32, #tpu.memory_space<vmem>>
        %dma_start3A_108 = arith.constant 0 : i32
        %dma_start3A_109 = tpu.memref_slice %arg8[%dma_start3A_108] : memref<80000xf32, #tpu.memory_space<vmem_shared>> -> memref<80000xf32, #tpu.memory_space<vmem_shared>>
        tpu.enqueue_indirect_dma source(%dma_start3A_104 : memref<128xf32, #tpu.memory_space<vmem>>) target(%dma_start3A_109 : memref<80000xf32, #tpu.memory_space<vmem_shared>>) offsets(%dma_start3A_107 : memref<128xi32, #tpu.memory_space<vmem>>) semaphore(%arg10 : memref<!tpu.dma_semaphore, #tpu.memory_space<semaphore_mem>>) {add = true}
        %dma_start3A_110 = arith.constant 6 : i32
        %dma_start3A_111 = arith.constant 6 : i32
        %dma_start3A_112 = arith.constant 0 : i32
        %dma_start3A_113 = tpu.memref_slice %arg6[%dma_start3A_110, %dma_start3A_112] : memref<8x128xf32, #tpu.memory_space<vmem>> -> memref<1x128xf32, #tpu.memory_space<vmem>>
        %dma_start3A_114 = tpu.memref_squeeze %dma_start3A_113 : memref<1x128xf32, #tpu.memory_space<vmem>> -> memref<128xf32, #tpu.memory_space<vmem>>
        %dma_start3A_115 = arith.constant 0 : i32
        %dma_start3A_116 = tpu.memref_slice %arg5[%dma_start3A_111, %dma_start3A_115] : memref<8x128xi32, #tpu.memory_space<vmem>> -> memref<1x128xi32, #tpu.memory_space<vmem>>
        %dma_start3A_117 = tpu.memref_squeeze %dma_start3A_116 : memref<1x128xi32, #tpu.memory_space<vmem>> -> memref<128xi32, #tpu.memory_space<vmem>>
        %dma_start3A_118 = arith.constant 0 : i32
        %dma_start3A_119 = tpu.memref_slice %arg8[%dma_start3A_118] : memref<80000xf32, #tpu.memory_space<vmem_shared>> -> memref<80000xf32, #tpu.memory_space<vmem_shared>>
        tpu.enqueue_indirect_dma source(%dma_start3A_114 : memref<128xf32, #tpu.memory_space<vmem>>) target(%dma_start3A_119 : memref<80000xf32, #tpu.memory_space<vmem_shared>>) offsets(%dma_start3A_117 : memref<128xi32, #tpu.memory_space<vmem>>) semaphore(%arg10 : memref<!tpu.dma_semaphore, #tpu.memory_space<semaphore_mem>>) {add = true}
        %dma_start3A_120 = arith.constant 7 : i32
        %dma_start3A_121 = arith.constant 7 : i32
        %dma_start3A_122 = arith.constant 0 : i32
        %dma_start3A_123 = tpu.memref_slice %arg6[%dma_start3A_120, %dma_start3A_122] : memref<8x128xf32, #tpu.memory_space<vmem>> -> memref<1x128xf32, #tpu.memory_space<vmem>>
        %dma_start3A_124 = tpu.memref_squeeze %dma_start3A_123 : memref<1x128xf32, #tpu.memory_space<vmem>> -> memref<128xf32, #tpu.memory_space<vmem>>
        %dma_start3A_125 = arith.constant 0 : i32
        %dma_start3A_126 = tpu.memref_slice %arg5[%dma_start3A_121, %dma_start3A_125] : memref<8x128xi32, #tpu.memory_space<vmem>> -> memref<1x128xi32, #tpu.memory_space<vmem>>
        %dma_start3A_127 = tpu.memref_squeeze %dma_start3A_126 : memref<1x128xi32, #tpu.memory_space<vmem>> -> memref<128xi32, #tpu.memory_space<vmem>>
        %dma_start3A_128 = arith.constant 0 : i32
        %dma_start3A_129 = tpu.memref_slice %arg8[%dma_start3A_128] : memref<80000xf32, #tpu.memory_space<vmem_shared>> -> memref<80000xf32, #tpu.memory_space<vmem_shared>>
        tpu.enqueue_indirect_dma source(%dma_start3A_124 : memref<128xf32, #tpu.memory_space<vmem>>) target(%dma_start3A_129 : memref<80000xf32, #tpu.memory_space<vmem_shared>>) offsets(%dma_start3A_127 : memref<128xi32, #tpu.memory_space<vmem>>) semaphore(%arg10 : memref<!tpu.dma_semaphore, #tpu.memory_space<semaphore_mem>>) {add = true}
        %dma_wait3A_130 = arith.constant 0 : i32
        %dma_wait3A_131 = arith.constant 0 : i32
        %dma_wait3A_132 = arith.constant 0 : i32
        %dma_wait3A_133 = tpu.memref_slice %arg6[%dma_wait3A_130, %dma_wait3A_132] : memref<8x128xf32, #tpu.memory_space<vmem>> -> memref<1x128xf32, #tpu.memory_space<vmem>>
        %dma_wait3A_134 = tpu.memref_squeeze %dma_wait3A_133 : memref<1x128xf32, #tpu.memory_space<vmem>> -> memref<128xf32, #tpu.memory_space<vmem>>
        %dma_wait3A_135 = arith.constant 0 : i32
        %dma_wait3A_136 = tpu.memref_slice %arg5[%dma_wait3A_131, %dma_wait3A_135] : memref<8x128xi32, #tpu.memory_space<vmem>> -> memref<1x128xi32, #tpu.memory_space<vmem>>
        %dma_wait3A_137 = tpu.memref_squeeze %dma_wait3A_136 : memref<1x128xi32, #tpu.memory_space<vmem>> -> memref<128xi32, #tpu.memory_space<vmem>>
        %dma_wait3A_138 = arith.constant 0 : i32
        %dma_wait3A_139 = tpu.memref_slice %arg8[%dma_wait3A_138] : memref<80000xf32, #tpu.memory_space<vmem_shared>> -> memref<80000xf32, #tpu.memory_space<vmem_shared>>
        tpu.wait_indirect_dma semaphore(%arg10 : memref<!tpu.dma_semaphore, #tpu.memory_space<semaphore_mem>>) src(%dma_wait3A_134 : memref<128xf32, #tpu.memory_space<vmem>>) dst(%dma_wait3A_139 : memref<80000xf32, #tpu.memory_space<vmem_shared>>)
        %dma_wait3A_140 = arith.constant 1 : i32
        %dma_wait3A_141 = arith.constant 1 : i32
        %dma_wait3A_142 = arith.constant 0 : i32
        %dma_wait3A_143 = tpu.memref_slice %arg6[%dma_wait3A_140, %dma_wait3A_142] : memref<8x128xf32, #tpu.memory_space<vmem>> -> memref<1x128xf32, #tpu.memory_space<vmem>>
        %dma_wait3A_144 = tpu.memref_squeeze %dma_wait3A_143 : memref<1x128xf32, #tpu.memory_space<vmem>> -> memref<128xf32, #tpu.memory_space<vmem>>
        %dma_wait3A_145 = arith.constant 0 : i32
        %dma_wait3A_146 = tpu.memref_slice %arg5[%dma_wait3A_141, %dma_wait3A_145] : memref<8x128xi32, #tpu.memory_space<vmem>> -> memref<1x128xi32, #tpu.memory_space<vmem>>
        %dma_wait3A_147 = tpu.memref_squeeze %dma_wait3A_146 : memref<1x128xi32, #tpu.memory_space<vmem>> -> memref<128xi32, #tpu.memory_space<vmem>>
        %dma_wait3A_148 = arith.constant 0 : i32
        %dma_wait3A_149 = tpu.memref_slice %arg8[%dma_wait3A_148] : memref<80000xf32, #tpu.memory_space<vmem_shared>> -> memref<80000xf32, #tpu.memory_space<vmem_shared>>
        tpu.wait_indirect_dma semaphore(%arg10 : memref<!tpu.dma_semaphore, #tpu.memory_space<semaphore_mem>>) src(%dma_wait3A_144 : memref<128xf32, #tpu.memory_space<vmem>>) dst(%dma_wait3A_149 : memref<80000xf32, #tpu.memory_space<vmem_shared>>)
        %dma_wait3A_150 = arith.constant 2 : i32
        %dma_wait3A_151 = arith.constant 2 : i32
        %dma_wait3A_152 = arith.constant 0 : i32
        %dma_wait3A_153 = tpu.memref_slice %arg6[%dma_wait3A_150, %dma_wait3A_152] : memref<8x128xf32, #tpu.memory_space<vmem>> -> memref<1x128xf32, #tpu.memory_space<vmem>>
        %dma_wait3A_154 = tpu.memref_squeeze %dma_wait3A_153 : memref<1x128xf32, #tpu.memory_space<vmem>> -> memref<128xf32, #tpu.memory_space<vmem>>
        %dma_wait3A_155 = arith.constant 0 : i32
        %dma_wait3A_156 = tpu.memref_slice %arg5[%dma_wait3A_151, %dma_wait3A_155] : memref<8x128xi32, #tpu.memory_space<vmem>> -> memref<1x128xi32, #tpu.memory_space<vmem>>
        %dma_wait3A_157 = tpu.memref_squeeze %dma_wait3A_156 : memref<1x128xi32, #tpu.memory_space<vmem>> -> memref<128xi32, #tpu.memory_space<vmem>>
        %dma_wait3A_158 = arith.constant 0 : i32
        %dma_wait3A_159 = tpu.memref_slice %arg8[%dma_wait3A_158] : memref<80000xf32, #tpu.memory_space<vmem_shared>> -> memref<80000xf32, #tpu.memory_space<vmem_shared>>
        tpu.wait_indirect_dma semaphore(%arg10 : memref<!tpu.dma_semaphore, #tpu.memory_space<semaphore_mem>>) src(%dma_wait3A_154 : memref<128xf32, #tpu.memory_space<vmem>>) dst(%dma_wait3A_159 : memref<80000xf32, #tpu.memory_space<vmem_shared>>)
        %dma_wait3A_160 = arith.constant 3 : i32
        %dma_wait3A_161 = arith.constant 3 : i32
        %dma_wait3A_162 = arith.constant 0 : i32
        %dma_wait3A_163 = tpu.memref_slice %arg6[%dma_wait3A_160, %dma_wait3A_162] : memref<8x128xf32, #tpu.memory_space<vmem>> -> memref<1x128xf32, #tpu.memory_space<vmem>>
        %dma_wait3A_164 = tpu.memref_squeeze %dma_wait3A_163 : memref<1x128xf32, #tpu.memory_space<vmem>> -> memref<128xf32, #tpu.memory_space<vmem>>
        %dma_wait3A_165 = arith.constant 0 : i32
        %dma_wait3A_166 = tpu.memref_slice %arg5[%dma_wait3A_161, %dma_wait3A_165] : memref<8x128xi32, #tpu.memory_space<vmem>> -> memref<1x128xi32, #tpu.memory_space<vmem>>
        %dma_wait3A_167 = tpu.memref_squeeze %dma_wait3A_166 : memref<1x128xi32, #tpu.memory_space<vmem>> -> memref<128xi32, #tpu.memory_space<vmem>>
        %dma_wait3A_168 = arith.constant 0 : i32
        %dma_wait3A_169 = tpu.memref_slice %arg8[%dma_wait3A_168] : memref<80000xf32, #tpu.memory_space<vmem_shared>> -> memref<80000xf32, #tpu.memory_space<vmem_shared>>
        tpu.wait_indirect_dma semaphore(%arg10 : memref<!tpu.dma_semaphore, #tpu.memory_space<semaphore_mem>>) src(%dma_wait3A_164 : memref<128xf32, #tpu.memory_space<vmem>>) dst(%dma_wait3A_169 : memref<80000xf32, #tpu.memory_space<vmem_shared>>)
        %dma_wait3A_170 = arith.constant 4 : i32
        %dma_wait3A_171 = arith.constant 4 : i32
        %dma_wait3A_172 = arith.constant 0 : i32
        %dma_wait3A_173 = tpu.memref_slice %arg6[%dma_wait3A_170, %dma_wait3A_172] : memref<8x128xf32, #tpu.memory_space<vmem>> -> memref<1x128xf32, #tpu.memory_space<vmem>>
        %dma_wait3A_174 = tpu.memref_squeeze %dma_wait3A_173 : memref<1x128xf32, #tpu.memory_space<vmem>> -> memref<128xf32, #tpu.memory_space<vmem>>
        %dma_wait3A_175 = arith.constant 0 : i32
        %dma_wait3A_176 = tpu.memref_slice %arg5[%dma_wait3A_171, %dma_wait3A_175] : memref<8x128xi32, #tpu.memory_space<vmem>> -> memref<1x128xi32, #tpu.memory_space<vmem>>
        %dma_wait3A_177 = tpu.memref_squeeze %dma_wait3A_176 : memref<1x128xi32, #tpu.memory_space<vmem>> -> memref<128xi32, #tpu.memory_space<vmem>>
        %dma_wait3A_178 = arith.constant 0 : i32
        %dma_wait3A_179 = tpu.memref_slice %arg8[%dma_wait3A_178] : memref<80000xf32, #tpu.memory_space<vmem_shared>> -> memref<80000xf32, #tpu.memory_space<vmem_shared>>
        tpu.wait_indirect_dma semaphore(%arg10 : memref<!tpu.dma_semaphore, #tpu.memory_space<semaphore_mem>>) src(%dma_wait3A_174 : memref<128xf32, #tpu.memory_space<vmem>>) dst(%dma_wait3A_179 : memref<80000xf32, #tpu.memory_space<vmem_shared>>)
        %dma_wait3A_180 = arith.constant 5 : i32
        %dma_wait3A_181 = arith.constant 5 : i32
        %dma_wait3A_182 = arith.constant 0 : i32
        %dma_wait3A_183 = tpu.memref_slice %arg6[%dma_wait3A_180, %dma_wait3A_182] : memref<8x128xf32, #tpu.memory_space<vmem>> -> memref<1x128xf32, #tpu.memory_space<vmem>>
        %dma_wait3A_184 = tpu.memref_squeeze %dma_wait3A_183 : memref<1x128xf32, #tpu.memory_space<vmem>> -> memref<128xf32, #tpu.memory_space<vmem>>
        %dma_wait3A_185 = arith.constant 0 : i32
        %dma_wait3A_186 = tpu.memref_slice %arg5[%dma_wait3A_181, %dma_wait3A_185] : memref<8x128xi32, #tpu.memory_space<vmem>> -> memref<1x128xi32, #tpu.memory_space<vmem>>
        %dma_wait3A_187 = tpu.memref_squeeze %dma_wait3A_186 : memref<1x128xi32, #tpu.memory_space<vmem>> -> memref<128xi32, #tpu.memory_space<vmem>>
        %dma_wait3A_188 = arith.constant 0 : i32
        %dma_wait3A_189 = tpu.memref_slice %arg8[%dma_wait3A_188] : memref<80000xf32, #tpu.memory_space<vmem_shared>> -> memref<80000xf32, #tpu.memory_space<vmem_shared>>
        tpu.wait_indirect_dma semaphore(%arg10 : memref<!tpu.dma_semaphore, #tpu.memory_space<semaphore_mem>>) src(%dma_wait3A_184 : memref<128xf32, #tpu.memory_space<vmem>>) dst(%dma_wait3A_189 : memref<80000xf32, #tpu.memory_space<vmem_shared>>)
        %dma_wait3A_190 = arith.constant 6 : i32
        %dma_wait3A_191 = arith.constant 6 : i32
        %dma_wait3A_192 = arith.constant 0 : i32
        %dma_wait3A_193 = tpu.memref_slice %arg6[%dma_wait3A_190, %dma_wait3A_192] : memref<8x128xf32, #tpu.memory_space<vmem>> -> memref<1x128xf32, #tpu.memory_space<vmem>>
        %dma_wait3A_194 = tpu.memref_squeeze %dma_wait3A_193 : memref<1x128xf32, #tpu.memory_space<vmem>> -> memref<128xf32, #tpu.memory_space<vmem>>
        %dma_wait3A_195 = arith.constant 0 : i32
        %dma_wait3A_196 = tpu.memref_slice %arg5[%dma_wait3A_191, %dma_wait3A_195] : memref<8x128xi32, #tpu.memory_space<vmem>> -> memref<1x128xi32, #tpu.memory_space<vmem>>
        %dma_wait3A_197 = tpu.memref_squeeze %dma_wait3A_196 : memref<1x128xi32, #tpu.memory_space<vmem>> -> memref<128xi32, #tpu.memory_space<vmem>>
        %dma_wait3A_198 = arith.constant 0 : i32
        %dma_wait3A_199 = tpu.memref_slice %arg8[%dma_wait3A_198] : memref<80000xf32, #tpu.memory_space<vmem_shared>> -> memref<80000xf32, #tpu.memory_space<vmem_shared>>
        tpu.wait_indirect_dma semaphore(%arg10 : memref<!tpu.dma_semaphore, #tpu.memory_space<semaphore_mem>>) src(%dma_wait3A_194 : memref<128xf32, #tpu.memory_space<vmem>>) dst(%dma_wait3A_199 : memref<80000xf32, #tpu.memory_space<vmem_shared>>)
        %dma_wait3A_200 = arith.constant 7 : i32
        %dma_wait3A_201 = arith.constant 7 : i32
        %dma_wait3A_202 = arith.constant 0 : i32
        %dma_wait3A_203 = tpu.memref_slice %arg6[%dma_wait3A_200, %dma_wait3A_202] : memref<8x128xf32, #tpu.memory_space<vmem>> -> memref<1x128xf32, #tpu.memory_space<vmem>>
        %dma_wait3A_204 = tpu.memref_squeeze %dma_wait3A_203 : memref<1x128xf32, #tpu.memory_space<vmem>> -> memref<128xf32, #tpu.memory_space<vmem>>
        %dma_wait3A_205 = arith.constant 0 : i32
        %dma_wait3A_206 = tpu.memref_slice %arg5[%dma_wait3A_201, %dma_wait3A_205] : memref<8x128xi32, #tpu.memory_space<vmem>> -> memref<1x128xi32, #tpu.memory_space<vmem>>
        %dma_wait3A_207 = tpu.memref_squeeze %dma_wait3A_206 : memref<1x128xi32, #tpu.memory_space<vmem>> -> memref<128xi32, #tpu.memory_space<vmem>>
        %dma_wait3A_208 = arith.constant 0 : i32
        %dma_wait3A_209 = tpu.memref_slice %arg8[%dma_wait3A_208] : memref<80000xf32, #tpu.memory_space<vmem_shared>> -> memref<80000xf32, #tpu.memory_space<vmem_shared>>
        tpu.wait_indirect_dma semaphore(%arg10 : memref<!tpu.dma_semaphore, #tpu.memory_space<semaphore_mem>>) src(%dma_wait3A_204 : memref<128xf32, #tpu.memory_space<vmem>>) dst(%dma_wait3A_209 : memref<80000xf32, #tpu.memory_space<vmem_shared>>)
      } else {
      }
      %scan3A_33 = arith.constant 0 : i32
      scf.yield %scan3A_33 : i32
    }
    %scan3A_17 = arith.constant 79 : i32
    %barrier3A_18 = arith.constant 0 : index
    tpu.barrier barrier_id(%barrier3A_18)
    %mul3A_19 = arith.constant 5000 : i32
    %mul3A_20 = arith.muli %arg1, %mul3A_19 : i32
    "tpu.region"() ({
      %run_scoped3A = tpu.sem_alloc : memref<!tpu.dma_semaphore, #tpu.memory_space<semaphore_mem>>
      %dma_start3A = tpu.memref_slice %arg8[%mul3A_20] : memref<80000xf32, #tpu.memory_space<vmem_shared>> -> memref<5000xf32, #tpu.memory_space<vmem_shared>>
      %dma_start3A_26 = tpu.memref_slice %arg8[%mul3A_20] : memref<80000xf32, #tpu.memory_space<vmem_shared>> -> memref<5000xf32, #tpu.memory_space<vmem_shared>>
      tpu.enqueue_dma source(%dma_start3A_26 : memref<5000xf32, #tpu.memory_space<vmem_shared>>) target(%arg7 : memref<5000xf32, #tpu.memory_space<vmem>>) target_semaphore(%run_scoped3A : memref<!tpu.dma_semaphore, #tpu.memory_space<semaphore_mem>>)
      %dma_wait3A = tpu.memref_slice %arg8[%mul3A_20] : memref<80000xf32, #tpu.memory_space<vmem_shared>> -> memref<5000xf32, #tpu.memory_space<vmem_shared>>
      %dma_wait3A_27 = tpu.memref_slice %arg8[%mul3A_20] : memref<80000xf32, #tpu.memory_space<vmem_shared>> -> memref<5000xf32, #tpu.memory_space<vmem_shared>>
      tpu.wait_dma2 semaphore(%run_scoped3A : memref<!tpu.dma_semaphore, #tpu.memory_space<semaphore_mem>>) src(%dma_wait3A_27 : memref<5000xf32, #tpu.memory_space<vmem_shared>>) dst(%arg7 : memref<5000xf32, #tpu.memory_space<vmem>>)
      tpu.yield
    }) : () -> ()
    %mul3A_21 = arith.constant 80000 : i32
    %mul3A_22 = arith.muli %arg0, %mul3A_21 : i32
    %mul3A_23 = arith.constant 5000 : i32
    %mul3A_24 = arith.muli %arg1, %mul3A_23 : i32
    %add3A_25 = arith.addi %mul3A_22, %mul3A_24 : i32
    "tpu.region"() ({
      %run_scoped3A = tpu.sem_alloc : memref<!tpu.dma_semaphore, #tpu.memory_space<semaphore_mem>>
      %dma_start3A = tpu.memref_slice %arg4[%add3A_25] : memref<160000xf32, #tpu.memory_space<hbm>> -> memref<5000xf32, #tpu.memory_space<hbm>>
      %dma_start3A_26 = tpu.memref_slice %arg4[%add3A_25] : memref<160000xf32, #tpu.memory_space<hbm>> -> memref<5000xf32, #tpu.memory_space<hbm>>
      tpu.enqueue_dma source(%arg7 : memref<5000xf32, #tpu.memory_space<vmem>>) target(%dma_start3A_26 : memref<5000xf32, #tpu.memory_space<hbm>>) target_semaphore(%run_scoped3A : memref<!tpu.dma_semaphore, #tpu.memory_space<semaphore_mem>>)
      %dma_wait3A = tpu.memref_slice %arg4[%add3A_25] : memref<160000xf32, #tpu.memory_space<hbm>> -> memref<5000xf32, #tpu.memory_space<hbm>>
      %dma_wait3A_27 = tpu.memref_slice %arg4[%add3A_25] : memref<160000xf32, #tpu.memory_space<hbm>> -> memref<5000xf32, #tpu.memory_space<hbm>>
      tpu.wait_dma2 semaphore(%run_scoped3A : memref<!tpu.dma_semaphore, #tpu.memory_space<semaphore_mem>>) src(%arg7 : memref<5000xf32, #tpu.memory_space<vmem>>) dst(%dma_wait3A_27 : memref<5000xf32, #tpu.memory_space<hbm>>)
      tpu.yield
    }) : () -> ()
    return
  }
}

#map = affine_map<(d0, d1) -> (0, 0)>
#map1 = affine_map<(d0, d1) -> (0)>
module attributes {stable_mosaic.version = 14 : i64} {
  func.func @body(%arg0: i32, %arg1: i32, %arg2: memref<10000x128xf32, #tpu.memory_space<hbm>>, %arg3: memref<10000x128xf32, #tpu.memory_space<hbm>>, %arg4: memref<10000x128xf32, #tpu.memory_space<hbm>>, %arg5: memref<10000x128xf32, #tpu.memory_space<hbm>>, %arg6: memref<30000xf32, #tpu.memory_space<hbm>>, %arg7: memref<640000xi32, #tpu.memory_space<hbm>>, %arg8: memref<160000x128xf32, #tpu.memory_space<hbm>>, %arg9: memref<2560000xf32, #tpu.memory_space<hbm>>, %arg10: memref<64xi32, #tpu.memory_space<vmem>>, %arg11: memref<64xi32, #tpu.memory_space<vmem>>, %arg12: memref<64xi32, #tpu.memory_space<vmem>>, %arg13: memref<64xi32, #tpu.memory_space<vmem>>, %arg14: memref<64x128xf32, #tpu.memory_space<vmem>>, %arg15: memref<64x128xf32, #tpu.memory_space<vmem>>, %arg16: memref<64x128xf32, #tpu.memory_space<vmem>>, %arg17: memref<64x128xf32, #tpu.memory_space<vmem>>, %arg18: memref<64xi32, #tpu.memory_space<vmem>>, %arg19: memref<64xi32, #tpu.memory_space<vmem>>, %arg20: memref<64xi32, #tpu.memory_space<vmem>>, %arg21: memref<64xi32, #tpu.memory_space<vmem>>, %arg22: memref<64x128xf32, #tpu.memory_space<vmem>>, %arg23: memref<64x128xf32, #tpu.memory_space<vmem>>, %arg24: memref<64x128xf32, #tpu.memory_space<vmem>>, %arg25: memref<64x128xf32, #tpu.memory_space<vmem>>, %arg26: memref<30000xf32, #tpu.memory_space<vmem>>, %arg27: memref<1024xf32, #tpu.memory_space<vmem>>, %arg28: memref<!tpu.dma_semaphore, #tpu.memory_space<semaphore_mem>>, %arg29: memref<!tpu.dma_semaphore, #tpu.memory_space<semaphore_mem>>) attributes {dimension_semantics = [#tpu.dimension_semantics<core_parallel>, #tpu.dimension_semantics<subcore_parallel>], iteration_bounds = array<i64: 2, 16>, scalar_prefetch = 0 : i64, scratch_operands = 20 : i64, tpu.core_type = #tpu.core_type<sc_vector_subcore>, window_params = [{transform_indices = #map}, {transform_indices = #map}, {transform_indices = #map}, {transform_indices = #map}, {transform_indices = #map1}, {transform_indices = #map1}, {transform_indices = #map}, {transform_indices = #map1}]} {
    %mul3A = arith.constant 2 : i32
    %mul3A_0 = arith.muli %arg1, %mul3A : i32
    %add3A = arith.addi %mul3A_0, %arg0 : i32
    "tpu.region"() ({
      %run_scoped3A = tpu.sem_alloc : memref<!tpu.dma_semaphore, #tpu.memory_space<semaphore_mem>>
      tpu.enqueue_dma source(%arg6 : memref<30000xf32, #tpu.memory_space<hbm>>) target(%arg26 : memref<30000xf32, #tpu.memory_space<vmem>>) target_semaphore(%run_scoped3A : memref<!tpu.dma_semaphore, #tpu.memory_space<semaphore_mem>>)
      tpu.wait_dma2 semaphore(%run_scoped3A : memref<!tpu.dma_semaphore, #tpu.memory_space<semaphore_mem>>) src(%arg6 : memref<30000xf32, #tpu.memory_space<hbm>>) dst(%arg26 : memref<30000xf32, #tpu.memory_space<vmem>>)
      tpu.yield
    }) : () -> ()
    %scan3A = arith.constant 0 : i32
    %scan3A_1 = arith.constant 0 : i32
    %scan3A_2 = arith.constant 64 : i32
    %scan3A_3 = arith.addi %scan3A_1, %scan3A_2 : i32
    %scan3A_4 = arith.constant 1 : i32
    %scan3A_5 = scf.for %scan3A_39 = %scan3A_1 to %scan3A_3 step %scan3A_4 iter_args(%scan3A_40 = %scan3A) -> (i32)  : i32 {
      %broadcast_in_dim3A = arith.constant 0.000000e+00 : f32
      %broadcast_in_dim3A_41 = vector.broadcast %broadcast_in_dim3A : f32 to vector<16xf32>
      %mul3A_42 = arith.constant 16 : i32
      %mul3A_43 = arith.muli %scan3A_39, %mul3A_42 : i32
      %swap3A = arith.index_cast %mul3A_43 : i32 to index
      %swap3A_44 = tpu.vector_load %arg27[%swap3A] {strides = array<i32>} : memref<1024xf32, #tpu.memory_space<vmem>>, vector<16xf32>,
      tpu.vector_store %arg27[%swap3A], %broadcast_in_dim3A_41 {strides = array<i32>} : memref<1024xf32, #tpu.memory_space<vmem>>, vector<16xf32>,
      %scan3A_45 = arith.constant 0 : i32
      scf.yield %scan3A_45 : i32
    }
    %scan3A_6 = arith.constant 64 : i32
    %add3A_7 = arith.constant 0 : i32
    %add3A_8 = arith.addi %add3A, %add3A_7 : i32
    %mul3A_9 = arith.constant 64 : i32
    %mul3A_10 = arith.muli %add3A_8, %mul3A_9 : i32
    %add3A_11 = arith.constant 0 : i32
    %add3A_12 = arith.addi %add3A_11, %mul3A_10 : i32
    %dma_start3A = tpu.memref_slice %arg7[%add3A_12] : memref<640000xi32, #tpu.memory_space<hbm>> -> memref<64xi32, #tpu.memory_space<hbm>>
    %dma_start3A_13 = tpu.memref_slice %arg7[%add3A_12] : memref<640000xi32, #tpu.memory_space<hbm>> -> memref<64xi32, #tpu.memory_space<hbm>>
    tpu.enqueue_dma source(%dma_start3A_13 : memref<64xi32, #tpu.memory_space<hbm>>) target(%arg10 : memref<64xi32, #tpu.memory_space<vmem>>) target_semaphore(%arg29 : memref<!tpu.dma_semaphore, #tpu.memory_space<semaphore_mem>>)
    %mul3A_14 = arith.constant 64 : i32
    %mul3A_15 = arith.muli %add3A_8, %mul3A_14 : i32
    %add3A_16 = arith.constant 160000 : i32
    %add3A_17 = arith.addi %add3A_16, %mul3A_15 : i32
    %dma_start3A_18 = tpu.memref_slice %arg7[%add3A_17] : memref<640000xi32, #tpu.memory_space<hbm>> -> memref<64xi32, #tpu.memory_space<hbm>>
    %dma_start3A_19 = tpu.memref_slice %arg7[%add3A_17] : memref<640000xi32, #tpu.memory_space<hbm>> -> memref<64xi32, #tpu.memory_space<hbm>>
    tpu.enqueue_dma source(%dma_start3A_19 : memref<64xi32, #tpu.memory_space<hbm>>) target(%arg11 : memref<64xi32, #tpu.memory_space<vmem>>) target_semaphore(%arg29 : memref<!tpu.dma_semaphore, #tpu.memory_space<semaphore_mem>>)
    %mul3A_20 = arith.constant 64 : i32
    %mul3A_21 = arith.muli %add3A_8, %mul3A_20 : i32
    %add3A_22 = arith.constant 320000 : i32
    %add3A_23 = arith.addi %add3A_22, %mul3A_21 : i32
    %dma_start3A_24 = tpu.memref_slice %arg7[%add3A_23] : memref<640000xi32, #tpu.memory_space<hbm>> -> memref<64xi32, #tpu.memory_space<hbm>>
    %dma_start3A_25 = tpu.memref_slice %arg7[%add3A_23] : memref<640000xi32, #tpu.memory_space<hbm>> -> memref<64xi32, #tpu.memory_space<hbm>>
    tpu.enqueue_dma source(%dma_start3A_25 : memref<64xi32, #tpu.memory_space<hbm>>) target(%arg12 : memref<64xi32, #tpu.memory_space<vmem>>) target_semaphore(%arg29 : memref<!tpu.dma_semaphore, #tpu.memory_space<semaphore_mem>>)
    %mul3A_26 = arith.constant 64 : i32
    %mul3A_27 = arith.muli %add3A_8, %mul3A_26 : i32
    %add3A_28 = arith.constant 480000 : i32
    %add3A_29 = arith.addi %add3A_28, %mul3A_27 : i32
    %dma_start3A_30 = tpu.memref_slice %arg7[%add3A_29] : memref<640000xi32, #tpu.memory_space<hbm>> -> memref<64xi32, #tpu.memory_space<hbm>>
    %dma_start3A_31 = tpu.memref_slice %arg7[%add3A_29] : memref<640000xi32, #tpu.memory_space<hbm>> -> memref<64xi32, #tpu.memory_space<hbm>>
    tpu.enqueue_dma source(%dma_start3A_31 : memref<64xi32, #tpu.memory_space<hbm>>) target(%arg13 : memref<64xi32, #tpu.memory_space<vmem>>) target_semaphore(%arg29 : memref<!tpu.dma_semaphore, #tpu.memory_space<semaphore_mem>>)
    %scan3A_32 = arith.constant 0 : i32
    %scan3A_33 = arith.constant 0 : i32
    %scan3A_34 = arith.constant 40 : i32
    %scan3A_35 = arith.addi %scan3A_33, %scan3A_34 : i32
    %scan3A_36 = arith.constant 1 : i32
    %scan3A_37 = scf.for %scan3A_39 = %scan3A_33 to %scan3A_35 step %scan3A_36 iter_args(%scan3A_40 = %scan3A_32) -> (i32)  : i32 {
      %mul3A_41 = arith.constant 2 : i32
      %mul3A_42 = arith.muli %mul3A_41, %scan3A_39 : i32
      %mul3A_43 = arith.constant 32 : i32
      %mul3A_44 = arith.muli %mul3A_43, %mul3A_42 : i32
      %add3A_45 = arith.addi %add3A, %mul3A_44 : i32
      %lt3A = arith.constant 2500 : i32
      %lt3A_46 = arith.cmpi slt, %add3A_45, %lt3A : i32
      %convert_element_type3A = arith.extui %lt3A_46 : i1 to i32
      %cond3A = arith.constant 0 : i32
      %cond3A_47 = arith.cmpi ne, %convert_element_type3A, %cond3A : i32
      scf.if %cond3A_47 {
        %dma_wait3A = tpu.memref_slice %arg7[%add3A_12] : memref<640000xi32, #tpu.memory_space<hbm>> -> memref<64xi32, #tpu.memory_space<hbm>>
        %dma_wait3A_49 = tpu.memref_slice %arg7[%add3A_12] : memref<640000xi32, #tpu.memory_space<hbm>> -> memref<64xi32, #tpu.memory_space<hbm>>
        tpu.wait_dma2 semaphore(%arg29 : memref<!tpu.dma_semaphore, #tpu.memory_space<semaphore_mem>>) src(%dma_wait3A_49 : memref<64xi32, #tpu.memory_space<hbm>>) dst(%arg10 : memref<64xi32, #tpu.memory_space<vmem>>)
        %dma_wait3A_50 = tpu.memref_slice %arg7[%add3A_17] : memref<640000xi32, #tpu.memory_space<hbm>> -> memref<64xi32, #tpu.memory_space<hbm>>
        %dma_wait3A_51 = tpu.memref_slice %arg7[%add3A_17] : memref<640000xi32, #tpu.memory_space<hbm>> -> memref<64xi32, #tpu.memory_space<hbm>>
        tpu.wait_dma2 semaphore(%arg29 : memref<!tpu.dma_semaphore, #tpu.memory_space<semaphore_mem>>) src(%dma_wait3A_51 : memref<64xi32, #tpu.memory_space<hbm>>) dst(%arg11 : memref<64xi32, #tpu.memory_space<vmem>>)
        %dma_wait3A_52 = tpu.memref_slice %arg7[%add3A_23] : memref<640000xi32, #tpu.memory_space<hbm>> -> memref<64xi32, #tpu.memory_space<hbm>>
        %dma_wait3A_53 = tpu.memref_slice %arg7[%add3A_23] : memref<640000xi32, #tpu.memory_space<hbm>> -> memref<64xi32, #tpu.memory_space<hbm>>
        tpu.wait_dma2 semaphore(%arg29 : memref<!tpu.dma_semaphore, #tpu.memory_space<semaphore_mem>>) src(%dma_wait3A_53 : memref<64xi32, #tpu.memory_space<hbm>>) dst(%arg12 : memref<64xi32, #tpu.memory_space<vmem>>)
        %dma_wait3A_54 = tpu.memref_slice %arg7[%add3A_29] : memref<640000xi32, #tpu.memory_space<hbm>> -> memref<64xi32, #tpu.memory_space<hbm>>
        %dma_wait3A_55 = tpu.memref_slice %arg7[%add3A_29] : memref<640000xi32, #tpu.memory_space<hbm>> -> memref<64xi32, #tpu.memory_space<hbm>>
        tpu.wait_dma2 semaphore(%arg29 : memref<!tpu.dma_semaphore, #tpu.memory_space<semaphore_mem>>) src(%dma_wait3A_55 : memref<64xi32, #tpu.memory_space<hbm>>) dst(%arg13 : memref<64xi32, #tpu.memory_space<vmem>>)
        %add3A_56 = arith.constant 1 : i32
        %add3A_57 = arith.addi %mul3A_42, %add3A_56 : i32
        %mul3A_58 = arith.constant 32 : i32
        %mul3A_59 = arith.muli %mul3A_58, %add3A_57 : i32
        %add3A_60 = arith.addi %add3A, %mul3A_59 : i32
        %lt3A_61 = arith.constant 2500 : i32
        %lt3A_62 = arith.cmpi slt, %add3A_60, %lt3A_61 : i32
        %convert_element_type3A_63 = arith.extui %lt3A_62 : i1 to i32
        %cond3A_64 = arith.constant 0 : i32
        %cond3A_65 = arith.cmpi ne, %convert_element_type3A_63, %cond3A_64 : i32
        scf.if %cond3A_65 {
          %add3A_97 = arith.constant 1 : i32
          %add3A_98 = arith.addi %mul3A_42, %add3A_97 : i32
          %mul3A_99 = arith.constant 32 : i32
          %mul3A_100 = arith.muli %mul3A_99, %add3A_98 : i32
          %add3A_101 = arith.addi %add3A, %mul3A_100 : i32
          %mul3A_102 = arith.constant 64 : i32
          %mul3A_103 = arith.muli %add3A_101, %mul3A_102 : i32
          %add3A_104 = arith.constant 0 : i32
          %add3A_105 = arith.addi %add3A_104, %mul3A_103 : i32
          %dma_start3A_106 = tpu.memref_slice %arg7[%add3A_105] : memref<640000xi32, #tpu.memory_space<hbm>> -> memref<64xi32, #tpu.memory_space<hbm>>
          %dma_start3A_107 = tpu.memref_slice %arg7[%add3A_105] : memref<640000xi32, #tpu.memory_space<hbm>> -> memref<64xi32, #tpu.memory_space<hbm>>
          tpu.enqueue_dma source(%dma_start3A_107 : memref<64xi32, #tpu.memory_space<hbm>>) target(%arg18 : memref<64xi32, #tpu.memory_space<vmem>>) target_semaphore(%arg29 : memref<!tpu.dma_semaphore, #tpu.memory_space<semaphore_mem>>)
          %mul3A_108 = arith.constant 64 : i32
          %mul3A_109 = arith.muli %add3A_101, %mul3A_108 : i32
          %add3A_110 = arith.constant 160000 : i32
          %add3A_111 = arith.addi %add3A_110, %mul3A_109 : i32
          %dma_start3A_112 = tpu.memref_slice %arg7[%add3A_111] : memref<640000xi32, #tpu.memory_space<hbm>> -> memref<64xi32, #tpu.memory_space<hbm>>
          %dma_start3A_113 = tpu.memref_slice %arg7[%add3A_111] : memref<640000xi32, #tpu.memory_space<hbm>> -> memref<64xi32, #tpu.memory_space<hbm>>
          tpu.enqueue_dma source(%dma_start3A_113 : memref<64xi32, #tpu.memory_space<hbm>>) target(%arg19 : memref<64xi32, #tpu.memory_space<vmem>>) target_semaphore(%arg29 : memref<!tpu.dma_semaphore, #tpu.memory_space<semaphore_mem>>)
          %mul3A_114 = arith.constant 64 : i32
          %mul3A_115 = arith.muli %add3A_101, %mul3A_114 : i32
          %add3A_116 = arith.constant 320000 : i32
          %add3A_117 = arith.addi %add3A_116, %mul3A_115 : i32
          %dma_start3A_118 = tpu.memref_slice %arg7[%add3A_117] : memref<640000xi32, #tpu.memory_space<hbm>> -> memref<64xi32, #tpu.memory_space<hbm>>
          %dma_start3A_119 = tpu.memref_slice %arg7[%add3A_117] : memref<640000xi32, #tpu.memory_space<hbm>> -> memref<64xi32, #tpu.memory_space<hbm>>
          tpu.enqueue_dma source(%dma_start3A_119 : memref<64xi32, #tpu.memory_space<hbm>>) target(%arg20 : memref<64xi32, #tpu.memory_space<vmem>>) target_semaphore(%arg29 : memref<!tpu.dma_semaphore, #tpu.memory_space<semaphore_mem>>)
          %mul3A_120 = arith.constant 64 : i32
          %mul3A_121 = arith.muli %add3A_101, %mul3A_120 : i32
          %add3A_122 = arith.constant 480000 : i32
          %add3A_123 = arith.addi %add3A_122, %mul3A_121 : i32
          %dma_start3A_124 = tpu.memref_slice %arg7[%add3A_123] : memref<640000xi32, #tpu.memory_space<hbm>> -> memref<64xi32, #tpu.memory_space<hbm>>
          %dma_start3A_125 = tpu.memref_slice %arg7[%add3A_123] : memref<640000xi32, #tpu.memory_space<hbm>> -> memref<64xi32, #tpu.memory_space<hbm>>
          tpu.enqueue_dma source(%dma_start3A_125 : memref<64xi32, #tpu.memory_space<hbm>>) target(%arg21 : memref<64xi32, #tpu.memory_space<vmem>>) target_semaphore(%arg29 : memref<!tpu.dma_semaphore, #tpu.memory_space<semaphore_mem>>)
          %dma_wait3A_126 = tpu.memref_slice %arg7[%add3A_105] : memref<640000xi32, #tpu.memory_space<hbm>> -> memref<64xi32, #tpu.memory_space<hbm>>
          %dma_wait3A_127 = tpu.memref_slice %arg7[%add3A_105] : memref<640000xi32, #tpu.memory_space<hbm>> -> memref<64xi32, #tpu.memory_space<hbm>>
          tpu.wait_dma2 semaphore(%arg29 : memref<!tpu.dma_semaphore, #tpu.memory_space<semaphore_mem>>) src(%dma_wait3A_127 : memref<64xi32, #tpu.memory_space<hbm>>) dst(%arg18 : memref<64xi32, #tpu.memory_space<vmem>>)
          %dma_wait3A_128 = tpu.memref_slice %arg7[%add3A_111] : memref<640000xi32, #tpu.memory_space<hbm>> -> memref<64xi32, #tpu.memory_space<hbm>>
          %dma_wait3A_129 = tpu.memref_slice %arg7[%add3A_111] : memref<640000xi32, #tpu.memory_space<hbm>> -> memref<64xi32, #tpu.memory_space<hbm>>
          tpu.wait_dma2 semaphore(%arg29 : memref<!tpu.dma_semaphore, #tpu.memory_space<semaphore_mem>>) src(%dma_wait3A_129 : memref<64xi32, #tpu.memory_space<hbm>>) dst(%arg19 : memref<64xi32, #tpu.memory_space<vmem>>)
          %dma_wait3A_130 = tpu.memref_slice %arg7[%add3A_117] : memref<640000xi32, #tpu.memory_space<hbm>> -> memref<64xi32, #tpu.memory_space<hbm>>
          %dma_wait3A_131 = tpu.memref_slice %arg7[%add3A_117] : memref<640000xi32, #tpu.memory_space<hbm>> -> memref<64xi32, #tpu.memory_space<hbm>>
          tpu.wait_dma2 semaphore(%arg29 : memref<!tpu.dma_semaphore, #tpu.memory_space<semaphore_mem>>) src(%dma_wait3A_131 : memref<64xi32, #tpu.memory_space<hbm>>) dst(%arg20 : memref<64xi32, #tpu.memory_space<vmem>>)
          %dma_wait3A_132 = tpu.memref_slice %arg7[%add3A_123] : memref<640000xi32, #tpu.memory_space<hbm>> -> memref<64xi32, #tpu.memory_space<hbm>>
          %dma_wait3A_133 = tpu.memref_slice %arg7[%add3A_123] : memref<640000xi32, #tpu.memory_space<hbm>> -> memref<64xi32, #tpu.memory_space<hbm>>
          tpu.wait_dma2 semaphore(%arg29 : memref<!tpu.dma_semaphore, #tpu.memory_space<semaphore_mem>>) src(%dma_wait3A_133 : memref<64xi32, #tpu.memory_space<hbm>>) dst(%arg21 : memref<64xi32, #tpu.memory_space<vmem>>)
        } else {
        }
        %dma_start3A_66 = arith.constant 0 : i32
        %dma_start3A_67 = arith.constant 0 : i32
        %dma_start3A_68 = tpu.memref_slice %arg2[%dma_start3A_66, %dma_start3A_67] : memref<10000x128xf32, #tpu.memory_space<hbm>> -> memref<10000x128xf32, #tpu.memory_space<hbm>>
        tpu.enqueue_indirect_dma source(%dma_start3A_68 : memref<10000x128xf32, #tpu.memory_space<hbm>>) target(%arg14 : memref<64x128xf32, #tpu.memory_space<vmem>>) offsets(%arg10 : memref<64xi32, #tpu.memory_space<vmem>>) semaphore(%arg28 : memref<!tpu.dma_semaphore, #tpu.memory_space<semaphore_mem>>)
        %dma_start3A_69 = arith.constant 0 : i32
        %dma_start3A_70 = arith.constant 0 : i32
        %dma_start3A_71 = tpu.memref_slice %arg3[%dma_start3A_69, %dma_start3A_70] : memref<10000x128xf32, #tpu.memory_space<hbm>> -> memref<10000x128xf32, #tpu.memory_space<hbm>>
        tpu.enqueue_indirect_dma source(%dma_start3A_71 : memref<10000x128xf32, #tpu.memory_space<hbm>>) target(%arg15 : memref<64x128xf32, #tpu.memory_space<vmem>>) offsets(%arg11 : memref<64xi32, #tpu.memory_space<vmem>>) semaphore(%arg28 : memref<!tpu.dma_semaphore, #tpu.memory_space<semaphore_mem>>)
        %dma_start3A_72 = arith.constant 0 : i32
        %dma_start3A_73 = arith.constant 0 : i32
        %dma_start3A_74 = tpu.memref_slice %arg4[%dma_start3A_72, %dma_start3A_73] : memref<10000x128xf32, #tpu.memory_space<hbm>> -> memref<10000x128xf32, #tpu.memory_space<hbm>>
        tpu.enqueue_indirect_dma source(%dma_start3A_74 : memref<10000x128xf32, #tpu.memory_space<hbm>>) target(%arg16 : memref<64x128xf32, #tpu.memory_space<vmem>>) offsets(%arg12 : memref<64xi32, #tpu.memory_space<vmem>>) semaphore(%arg28 : memref<!tpu.dma_semaphore, #tpu.memory_space<semaphore_mem>>)
        %dma_start3A_75 = arith.constant 0 : i32
        %dma_start3A_76 = arith.constant 0 : i32
        %dma_start3A_77 = tpu.memref_slice %arg5[%dma_start3A_75, %dma_start3A_76] : memref<10000x128xf32, #tpu.memory_space<hbm>> -> memref<10000x128xf32, #tpu.memory_space<hbm>>
        tpu.enqueue_indirect_dma source(%dma_start3A_77 : memref<10000x128xf32, #tpu.memory_space<hbm>>) target(%arg17 : memref<64x128xf32, #tpu.memory_space<vmem>>) offsets(%arg13 : memref<64xi32, #tpu.memory_space<vmem>>) semaphore(%arg28 : memref<!tpu.dma_semaphore, #tpu.memory_space<semaphore_mem>>)
        %add3A_78 = arith.constant 1 : i32
        %add3A_79 = arith.addi %mul3A_42, %add3A_78 : i32
        %mul3A_80 = arith.constant 32 : i32
        %mul3A_81 = arith.muli %mul3A_80, %add3A_79 : i32
        %add3A_82 = arith.addi %add3A, %mul3A_81 : i32
        %lt3A_83 = arith.constant 2500 : i32
        %lt3A_84 = arith.cmpi slt, %add3A_82, %lt3A_83 : i32
        %convert_element_type3A_85 = arith.extui %lt3A_84 : i1 to i32
        %cond3A_86 = arith.constant 0 : i32
        %cond3A_87 = arith.cmpi ne, %convert_element_type3A_85, %cond3A_86 : i32
        scf.if %cond3A_87 {
          %dma_start3A_97 = arith.constant 0 : i32
          %dma_start3A_98 = arith.constant 0 : i32
          %dma_start3A_99 = tpu.memref_slice %arg2[%dma_start3A_97, %dma_start3A_98] : memref<10000x128xf32, #tpu.memory_space<hbm>> -> memref<10000x128xf32, #tpu.memory_space<hbm>>
          tpu.enqueue_indirect_dma source(%dma_start3A_99 : memref<10000x128xf32, #tpu.memory_space<hbm>>) target(%arg22 : memref<64x128xf32, #tpu.memory_space<vmem>>) offsets(%arg18 : memref<64xi32, #tpu.memory_space<vmem>>) semaphore(%arg28 : memref<!tpu.dma_semaphore, #tpu.memory_space<semaphore_mem>>)
          %dma_start3A_100 = arith.constant 0 : i32
          %dma_start3A_101 = arith.constant 0 : i32
          %dma_start3A_102 = tpu.memref_slice %arg3[%dma_start3A_100, %dma_start3A_101] : memref<10000x128xf32, #tpu.memory_space<hbm>> -> memref<10000x128xf32, #tpu.memory_space<hbm>>
          tpu.enqueue_indirect_dma source(%dma_start3A_102 : memref<10000x128xf32, #tpu.memory_space<hbm>>) target(%arg23 : memref<64x128xf32, #tpu.memory_space<vmem>>) offsets(%arg19 : memref<64xi32, #tpu.memory_space<vmem>>) semaphore(%arg28 : memref<!tpu.dma_semaphore, #tpu.memory_space<semaphore_mem>>)
          %dma_start3A_103 = arith.constant 0 : i32
          %dma_start3A_104 = arith.constant 0 : i32
          %dma_start3A_105 = tpu.memref_slice %arg4[%dma_start3A_103, %dma_start3A_104] : memref<10000x128xf32, #tpu.memory_space<hbm>> -> memref<10000x128xf32, #tpu.memory_space<hbm>>
          tpu.enqueue_indirect_dma source(%dma_start3A_105 : memref<10000x128xf32, #tpu.memory_space<hbm>>) target(%arg24 : memref<64x128xf32, #tpu.memory_space<vmem>>) offsets(%arg20 : memref<64xi32, #tpu.memory_space<vmem>>) semaphore(%arg28 : memref<!tpu.dma_semaphore, #tpu.memory_space<semaphore_mem>>)
          %dma_start3A_106 = arith.constant 0 : i32
          %dma_start3A_107 = arith.constant 0 : i32
          %dma_start3A_108 = tpu.memref_slice %arg5[%dma_start3A_106, %dma_start3A_107] : memref<10000x128xf32, #tpu.memory_space<hbm>> -> memref<10000x128xf32, #tpu.memory_space<hbm>>
          tpu.enqueue_indirect_dma source(%dma_start3A_108 : memref<10000x128xf32, #tpu.memory_space<hbm>>) target(%arg25 : memref<64x128xf32, #tpu.memory_space<vmem>>) offsets(%arg21 : memref<64xi32, #tpu.memory_space<vmem>>) semaphore(%arg28 : memref<!tpu.dma_semaphore, #tpu.memory_space<semaphore_mem>>)
          %mul3A_109 = arith.constant 32 : i32
          %mul3A_110 = arith.muli %mul3A_109, %mul3A_42 : i32
          %add3A_111 = arith.addi %add3A, %mul3A_110 : i32
          %mul3A_112 = arith.constant 64 : i32
          %mul3A_113 = arith.muli %add3A_111, %mul3A_112 : i32
          %iota3A = tpu.iota {dimensions = array<i32: 0>} : vector<16xi32>
          %get3A = arith.constant 0 : index
          %get3A_114 = tpu.vector_load %arg10[%get3A] {strides = array<i32>} : memref<64xi32, #tpu.memory_space<vmem>>, vector<16xi32>,
          %get3A_115 = arith.constant 0 : index
          %get3A_116 = tpu.vector_load %arg12[%get3A_115] {strides = array<i32>} : memref<64xi32, #tpu.memory_space<vmem>>, vector<16xi32>,
          %add3A_117 = arith.constant 0 : i32
          %add3A_118 = vector.broadcast %add3A_117 : i32 to vector<16xi32>
          %add3A_119 = arith.addi %iota3A, %add3A_118 : vector<16xi32>
          %mul3A_120 = arith.constant 16 : i32
          %mul3A_121 = vector.broadcast %mul3A_120 : i32 to vector<16xi32>
          %mul3A_122 = arith.muli %add3A_119, %mul3A_121 : vector<16xi32>
          %add3A_123 = arith.constant 0 : i32
          %add3A_124 = vector.broadcast %add3A_123 : i32 to vector<16xi32>
          %add3A_125 = arith.addi %get3A_114, %add3A_124 : vector<16xi32>
          %gather3A = tpu.vector_load_idx %arg26[%add3A_125] : memref<30000xf32, #tpu.memory_space<vmem>>[vector<16xi32>], vector<16xf32>,
          %add3A_126 = arith.constant 0 : i32
          %add3A_127 = vector.broadcast %add3A_126 : i32 to vector<16xi32>
          %add3A_128 = arith.addi %get3A_116, %add3A_127 : vector<16xi32>
          %gather3A_129 = tpu.vector_load_idx %arg26[%add3A_128] : memref<30000xf32, #tpu.memory_space<vmem>>[vector<16xi32>], vector<16xf32>,
          %add3A_130 = arith.constant 0 : i32
          %add3A_131 = vector.broadcast %add3A_130 : i32 to vector<16xi32>
          %add3A_132 = arith.addi %mul3A_122, %add3A_131 : vector<16xi32>
          %sub3A = arith.subf %gather3A, %gather3A_129 : vector<16xf32>
          tpu.vector_store_idx %arg27[%add3A_132], %sub3A : memref<1024xf32, #tpu.memory_space<vmem>>[vector<16xi32>], vector<16xf32>,
          %add3A_133 = arith.constant 10000 : i32
          %add3A_134 = vector.broadcast %add3A_133 : i32 to vector<16xi32>
          %add3A_135 = arith.addi %get3A_114, %add3A_134 : vector<16xi32>
          %gather3A_136 = tpu.vector_load_idx %arg26[%add3A_135] : memref<30000xf32, #tpu.memory_space<vmem>>[vector<16xi32>], vector<16xf32>,
          %add3A_137 = arith.constant 10000 : i32
          %add3A_138 = vector.broadcast %add3A_137 : i32 to vector<16xi32>
          %add3A_139 = arith.addi %get3A_116, %add3A_138 : vector<16xi32>
          %gather3A_140 = tpu.vector_load_idx %arg26[%add3A_139] : memref<30000xf32, #tpu.memory_space<vmem>>[vector<16xi32>], vector<16xf32>,
          %add3A_141 = arith.constant 1 : i32
          %add3A_142 = vector.broadcast %add3A_141 : i32 to vector<16xi32>
          %add3A_143 = arith.addi %mul3A_122, %add3A_142 : vector<16xi32>
          %sub3A_144 = arith.subf %gather3A_136, %gather3A_140 : vector<16xf32>
          tpu.vector_store_idx %arg27[%add3A_143], %sub3A_144 : memref<1024xf32, #tpu.memory_space<vmem>>[vector<16xi32>], vector<16xf32>,
          %add3A_145 = arith.constant 20000 : i32
          %add3A_146 = vector.broadcast %add3A_145 : i32 to vector<16xi32>
          %add3A_147 = arith.addi %get3A_114, %add3A_146 : vector<16xi32>
          %gather3A_148 = tpu.vector_load_idx %arg26[%add3A_147] : memref<30000xf32, #tpu.memory_space<vmem>>[vector<16xi32>], vector<16xf32>,
          %add3A_149 = arith.constant 20000 : i32
          %add3A_150 = vector.broadcast %add3A_149 : i32 to vector<16xi32>
          %add3A_151 = arith.addi %get3A_116, %add3A_150 : vector<16xi32>
          %gather3A_152 = tpu.vector_load_idx %arg26[%add3A_151] : memref<30000xf32, #tpu.memory_space<vmem>>[vector<16xi32>], vector<16xf32>,
          %add3A_153 = arith.constant 2 : i32
          %add3A_154 = vector.broadcast %add3A_153 : i32 to vector<16xi32>
          %add3A_155 = arith.addi %mul3A_122, %add3A_154 : vector<16xi32>
          %sub3A_156 = arith.subf %gather3A_148, %gather3A_152 : vector<16xf32>
          tpu.vector_store_idx %arg27[%add3A_155], %sub3A_156 : memref<1024xf32, #tpu.memory_space<vmem>>[vector<16xi32>], vector<16xf32>,
          %get3A_157 = arith.constant 16 : index
          %get3A_158 = tpu.vector_load %arg10[%get3A_157] {strides = array<i32>} : memref<64xi32, #tpu.memory_space<vmem>>, vector<16xi32>,
          %get3A_159 = arith.constant 16 : index
          %get3A_160 = tpu.vector_load %arg12[%get3A_159] {strides = array<i32>} : memref<64xi32, #tpu.memory_space<vmem>>, vector<16xi32>,
          %add3A_161 = arith.constant 16 : i32
          %add3A_162 = vector.broadcast %add3A_161 : i32 to vector<16xi32>
          %add3A_163 = arith.addi %iota3A, %add3A_162 : vector<16xi32>
          %mul3A_164 = arith.constant 16 : i32
          %mul3A_165 = vector.broadcast %mul3A_164 : i32 to vector<16xi32>
          %mul3A_166 = arith.muli %add3A_163, %mul3A_165 : vector<16xi32>
          %add3A_167 = arith.constant 0 : i32
          %add3A_168 = vector.broadcast %add3A_167 : i32 to vector<16xi32>
          %add3A_169 = arith.addi %get3A_158, %add3A_168 : vector<16xi32>
          %gather3A_170 = tpu.vector_load_idx %arg26[%add3A_169] : memref<30000xf32, #tpu.memory_space<vmem>>[vector<16xi32>], vector<16xf32>,
          %add3A_171 = arith.constant 0 : i32
          %add3A_172 = vector.broadcast %add3A_171 : i32 to vector<16xi32>
          %add3A_173 = arith.addi %get3A_160, %add3A_172 : vector<16xi32>
          %gather3A_174 = tpu.vector_load_idx %arg26[%add3A_173] : memref<30000xf32, #tpu.memory_space<vmem>>[vector<16xi32>], vector<16xf32>,
          %add3A_175 = arith.constant 0 : i32
          %add3A_176 = vector.broadcast %add3A_175 : i32 to vector<16xi32>
          %add3A_177 = arith.addi %mul3A_166, %add3A_176 : vector<16xi32>
          %sub3A_178 = arith.subf %gather3A_170, %gather3A_174 : vector<16xf32>
          tpu.vector_store_idx %arg27[%add3A_177], %sub3A_178 : memref<1024xf32, #tpu.memory_space<vmem>>[vector<16xi32>], vector<16xf32>,
          %add3A_179 = arith.constant 10000 : i32
          %add3A_180 = vector.broadcast %add3A_179 : i32 to vector<16xi32>
          %add3A_181 = arith.addi %get3A_158, %add3A_180 : vector<16xi32>
          %gather3A_182 = tpu.vector_load_idx %arg26[%add3A_181] : memref<30000xf32, #tpu.memory_space<vmem>>[vector<16xi32>], vector<16xf32>,
          %add3A_183 = arith.constant 10000 : i32
          %add3A_184 = vector.broadcast %add3A_183 : i32 to vector<16xi32>
          %add3A_185 = arith.addi %get3A_160, %add3A_184 : vector<16xi32>
          %gather3A_186 = tpu.vector_load_idx %arg26[%add3A_185] : memref<30000xf32, #tpu.memory_space<vmem>>[vector<16xi32>], vector<16xf32>,
          %add3A_187 = arith.constant 1 : i32
          %add3A_188 = vector.broadcast %add3A_187 : i32 to vector<16xi32>
          %add3A_189 = arith.addi %mul3A_166, %add3A_188 : vector<16xi32>
          %sub3A_190 = arith.subf %gather3A_182, %gather3A_186 : vector<16xf32>
          tpu.vector_store_idx %arg27[%add3A_189], %sub3A_190 : memref<1024xf32, #tpu.memory_space<vmem>>[vector<16xi32>], vector<16xf32>,
          %add3A_191 = arith.constant 20000 : i32
          %add3A_192 = vector.broadcast %add3A_191 : i32 to vector<16xi32>
          %add3A_193 = arith.addi %get3A_158, %add3A_192 : vector<16xi32>
          %gather3A_194 = tpu.vector_load_idx %arg26[%add3A_193] : memref<30000xf32, #tpu.memory_space<vmem>>[vector<16xi32>], vector<16xf32>,
          %add3A_195 = arith.constant 20000 : i32
          %add3A_196 = vector.broadcast %add3A_195 : i32 to vector<16xi32>
          %add3A_197 = arith.addi %get3A_160, %add3A_196 : vector<16xi32>
          %gather3A_198 = tpu.vector_load_idx %arg26[%add3A_197] : memref<30000xf32, #tpu.memory_space<vmem>>[vector<16xi32>], vector<16xf32>,
          %add3A_199 = arith.constant 2 : i32
          %add3A_200 = vector.broadcast %add3A_199 : i32 to vector<16xi32>
          %add3A_201 = arith.addi %mul3A_166, %add3A_200 : vector<16xi32>
          %sub3A_202 = arith.subf %gather3A_194, %gather3A_198 : vector<16xf32>
          tpu.vector_store_idx %arg27[%add3A_201], %sub3A_202 : memref<1024xf32, #tpu.memory_space<vmem>>[vector<16xi32>], vector<16xf32>,
          %get3A_203 = arith.constant 32 : index
          %get3A_204 = tpu.vector_load %arg10[%get3A_203] {strides = array<i32>} : memref<64xi32, #tpu.memory_space<vmem>>, vector<16xi32>,
          %get3A_205 = arith.constant 32 : index
          %get3A_206 = tpu.vector_load %arg12[%get3A_205] {strides = array<i32>} : memref<64xi32, #tpu.memory_space<vmem>>, vector<16xi32>,
          %add3A_207 = arith.constant 32 : i32
          %add3A_208 = vector.broadcast %add3A_207 : i32 to vector<16xi32>
          %add3A_209 = arith.addi %iota3A, %add3A_208 : vector<16xi32>
          %mul3A_210 = arith.constant 16 : i32
          %mul3A_211 = vector.broadcast %mul3A_210 : i32 to vector<16xi32>
          %mul3A_212 = arith.muli %add3A_209, %mul3A_211 : vector<16xi32>
          %add3A_213 = arith.constant 0 : i32
          %add3A_214 = vector.broadcast %add3A_213 : i32 to vector<16xi32>
          %add3A_215 = arith.addi %get3A_204, %add3A_214 : vector<16xi32>
          %gather3A_216 = tpu.vector_load_idx %arg26[%add3A_215] : memref<30000xf32, #tpu.memory_space<vmem>>[vector<16xi32>], vector<16xf32>,
          %add3A_217 = arith.constant 0 : i32
          %add3A_218 = vector.broadcast %add3A_217 : i32 to vector<16xi32>
          %add3A_219 = arith.addi %get3A_206, %add3A_218 : vector<16xi32>
          %gather3A_220 = tpu.vector_load_idx %arg26[%add3A_219] : memref<30000xf32, #tpu.memory_space<vmem>>[vector<16xi32>], vector<16xf32>,
          %add3A_221 = arith.constant 0 : i32
          %add3A_222 = vector.broadcast %add3A_221 : i32 to vector<16xi32>
          %add3A_223 = arith.addi %mul3A_212, %add3A_222 : vector<16xi32>
          %sub3A_224 = arith.subf %gather3A_216, %gather3A_220 : vector<16xf32>
          tpu.vector_store_idx %arg27[%add3A_223], %sub3A_224 : memref<1024xf32, #tpu.memory_space<vmem>>[vector<16xi32>], vector<16xf32>,
          %add3A_225 = arith.constant 10000 : i32
          %add3A_226 = vector.broadcast %add3A_225 : i32 to vector<16xi32>
          %add3A_227 = arith.addi %get3A_204, %add3A_226 : vector<16xi32>
          %gather3A_228 = tpu.vector_load_idx %arg26[%add3A_227] : memref<30000xf32, #tpu.memory_space<vmem>>[vector<16xi32>], vector<16xf32>,
          %add3A_229 = arith.constant 10000 : i32
          %add3A_230 = vector.broadcast %add3A_229 : i32 to vector<16xi32>
          %add3A_231 = arith.addi %get3A_206, %add3A_230 : vector<16xi32>
          %gather3A_232 = tpu.vector_load_idx %arg26[%add3A_231] : memref<30000xf32, #tpu.memory_space<vmem>>[vector<16xi32>], vector<16xf32>,
          %add3A_233 = arith.constant 1 : i32
          %add3A_234 = vector.broadcast %add3A_233 : i32 to vector<16xi32>
          %add3A_235 = arith.addi %mul3A_212, %add3A_234 : vector<16xi32>
          %sub3A_236 = arith.subf %gather3A_228, %gather3A_232 : vector<16xf32>
          tpu.vector_store_idx %arg27[%add3A_235], %sub3A_236 : memref<1024xf32, #tpu.memory_space<vmem>>[vector<16xi32>], vector<16xf32>,
          %add3A_237 = arith.constant 20000 : i32
          %add3A_238 = vector.broadcast %add3A_237 : i32 to vector<16xi32>
          %add3A_239 = arith.addi %get3A_204, %add3A_238 : vector<16xi32>
          %gather3A_240 = tpu.vector_load_idx %arg26[%add3A_239] : memref<30000xf32, #tpu.memory_space<vmem>>[vector<16xi32>], vector<16xf32>,
          %add3A_241 = arith.constant 20000 : i32
          %add3A_242 = vector.broadcast %add3A_241 : i32 to vector<16xi32>
          %add3A_243 = arith.addi %get3A_206, %add3A_242 : vector<16xi32>
          %gather3A_244 = tpu.vector_load_idx %arg26[%add3A_243] : memref<30000xf32, #tpu.memory_space<vmem>>[vector<16xi32>], vector<16xf32>,
          %add3A_245 = arith.constant 2 : i32
          %add3A_246 = vector.broadcast %add3A_245 : i32 to vector<16xi32>
          %add3A_247 = arith.addi %mul3A_212, %add3A_246 : vector<16xi32>
          %sub3A_248 = arith.subf %gather3A_240, %gather3A_244 : vector<16xf32>
          tpu.vector_store_idx %arg27[%add3A_247], %sub3A_248 : memref<1024xf32, #tpu.memory_space<vmem>>[vector<16xi32>], vector<16xf32>,
          %get3A_249 = arith.constant 48 : index
          %get3A_250 = tpu.vector_load %arg10[%get3A_249] {strides = array<i32>} : memref<64xi32, #tpu.memory_space<vmem>>, vector<16xi32>,
          %get3A_251 = arith.constant 48 : index
          %get3A_252 = tpu.vector_load %arg12[%get3A_251] {strides = array<i32>} : memref<64xi32, #tpu.memory_space<vmem>>, vector<16xi32>,
          %add3A_253 = arith.constant 48 : i32
          %add3A_254 = vector.broadcast %add3A_253 : i32 to vector<16xi32>
          %add3A_255 = arith.addi %iota3A, %add3A_254 : vector<16xi32>
          %mul3A_256 = arith.constant 16 : i32
          %mul3A_257 = vector.broadcast %mul3A_256 : i32 to vector<16xi32>
          %mul3A_258 = arith.muli %add3A_255, %mul3A_257 : vector<16xi32>
          %add3A_259 = arith.constant 0 : i32
          %add3A_260 = vector.broadcast %add3A_259 : i32 to vector<16xi32>
          %add3A_261 = arith.addi %get3A_250, %add3A_260 : vector<16xi32>
          %gather3A_262 = tpu.vector_load_idx %arg26[%add3A_261] : memref<30000xf32, #tpu.memory_space<vmem>>[vector<16xi32>], vector<16xf32>,
          %add3A_263 = arith.constant 0 : i32
          %add3A_264 = vector.broadcast %add3A_263 : i32 to vector<16xi32>
          %add3A_265 = arith.addi %get3A_252, %add3A_264 : vector<16xi32>
          %gather3A_266 = tpu.vector_load_idx %arg26[%add3A_265] : memref<30000xf32, #tpu.memory_space<vmem>>[vector<16xi32>], vector<16xf32>,
          %add3A_267 = arith.constant 0 : i32
          %add3A_268 = vector.broadcast %add3A_267 : i32 to vector<16xi32>
          %add3A_269 = arith.addi %mul3A_258, %add3A_268 : vector<16xi32>
          %sub3A_270 = arith.subf %gather3A_262, %gather3A_266 : vector<16xf32>
          tpu.vector_store_idx %arg27[%add3A_269], %sub3A_270 : memref<1024xf32, #tpu.memory_space<vmem>>[vector<16xi32>], vector<16xf32>,
          %add3A_271 = arith.constant 10000 : i32
          %add3A_272 = vector.broadcast %add3A_271 : i32 to vector<16xi32>
          %add3A_273 = arith.addi %get3A_250, %add3A_272 : vector<16xi32>
          %gather3A_274 = tpu.vector_load_idx %arg26[%add3A_273] : memref<30000xf32, #tpu.memory_space<vmem>>[vector<16xi32>], vector<16xf32>,
          %add3A_275 = arith.constant 10000 : i32
          %add3A_276 = vector.broadcast %add3A_275 : i32 to vector<16xi32>
          %add3A_277 = arith.addi %get3A_252, %add3A_276 : vector<16xi32>
          %gather3A_278 = tpu.vector_load_idx %arg26[%add3A_277] : memref<30000xf32, #tpu.memory_space<vmem>>[vector<16xi32>], vector<16xf32>,
          %add3A_279 = arith.constant 1 : i32
          %add3A_280 = vector.broadcast %add3A_279 : i32 to vector<16xi32>
          %add3A_281 = arith.addi %mul3A_258, %add3A_280 : vector<16xi32>
          %sub3A_282 = arith.subf %gather3A_274, %gather3A_278 : vector<16xf32>
          tpu.vector_store_idx %arg27[%add3A_281], %sub3A_282 : memref<1024xf32, #tpu.memory_space<vmem>>[vector<16xi32>], vector<16xf32>,
          %add3A_283 = arith.constant 20000 : i32
          %add3A_284 = vector.broadcast %add3A_283 : i32 to vector<16xi32>
          %add3A_285 = arith.addi %get3A_250, %add3A_284 : vector<16xi32>
          %gather3A_286 = tpu.vector_load_idx %arg26[%add3A_285] : memref<30000xf32, #tpu.memory_space<vmem>>[vector<16xi32>], vector<16xf32>,
          %add3A_287 = arith.constant 20000 : i32
          %add3A_288 = vector.broadcast %add3A_287 : i32 to vector<16xi32>
          %add3A_289 = arith.addi %get3A_252, %add3A_288 : vector<16xi32>
          %gather3A_290 = tpu.vector_load_idx %arg26[%add3A_289] : memref<30000xf32, #tpu.memory_space<vmem>>[vector<16xi32>], vector<16xf32>,
          %add3A_291 = arith.constant 2 : i32
          %add3A_292 = vector.broadcast %add3A_291 : i32 to vector<16xi32>
          %add3A_293 = arith.addi %mul3A_258, %add3A_292 : vector<16xi32>
          %sub3A_294 = arith.subf %gather3A_286, %gather3A_290 : vector<16xf32>
          tpu.vector_store_idx %arg27[%add3A_293], %sub3A_294 : memref<1024xf32, #tpu.memory_space<vmem>>[vector<16xi32>], vector<16xf32>,
          %mul3A_295 = arith.constant 16 : i32
          %mul3A_296 = arith.muli %mul3A_113, %mul3A_295 : i32
          "tpu.region"() ({
            %run_scoped3A = tpu.sem_alloc : memref<!tpu.dma_semaphore, #tpu.memory_space<semaphore_mem>>
            %dma_start3A_539 = tpu.memref_slice %arg9[%mul3A_296] : memref<2560000xf32, #tpu.memory_space<hbm>> -> memref<1024xf32, #tpu.memory_space<hbm>>
            %dma_start3A_540 = tpu.memref_slice %arg9[%mul3A_296] : memref<2560000xf32, #tpu.memory_space<hbm>> -> memref<1024xf32, #tpu.memory_space<hbm>>
            tpu.enqueue_dma source(%arg27 : memref<1024xf32, #tpu.memory_space<vmem>>) target(%dma_start3A_540 : memref<1024xf32, #tpu.memory_space<hbm>>) target_semaphore(%run_scoped3A : memref<!tpu.dma_semaphore, #tpu.memory_space<semaphore_mem>>)
            %dma_wait3A_541 = tpu.memref_slice %arg9[%mul3A_296] : memref<2560000xf32, #tpu.memory_space<hbm>> -> memref<1024xf32, #tpu.memory_space<hbm>>
            %dma_wait3A_542 = tpu.memref_slice %arg9[%mul3A_296] : memref<2560000xf32, #tpu.memory_space<hbm>> -> memref<1024xf32, #tpu.memory_space<hbm>>
            tpu.wait_dma2 semaphore(%run_scoped3A : memref<!tpu.dma_semaphore, #tpu.memory_space<semaphore_mem>>) src(%arg27 : memref<1024xf32, #tpu.memory_space<vmem>>) dst(%dma_wait3A_542 : memref<1024xf32, #tpu.memory_space<hbm>>)
            tpu.yield
          }) : () -> ()
          %dma_wait3A_297 = arith.constant 0 : i32
          %dma_wait3A_298 = arith.constant 0 : i32
          %dma_wait3A_299 = tpu.memref_slice %arg2[%dma_wait3A_297, %dma_wait3A_298] : memref<10000x128xf32, #tpu.memory_space<hbm>> -> memref<10000x128xf32, #tpu.memory_space<hbm>>
          tpu.wait_indirect_dma semaphore(%arg28 : memref<!tpu.dma_semaphore, #tpu.memory_space<semaphore_mem>>) src(%dma_wait3A_299 : memref<10000x128xf32, #tpu.memory_space<hbm>>) dst(%arg14 : memref<64x128xf32, #tpu.memory_space<vmem>>)
          %dma_wait3A_300 = arith.constant 0 : i32
          %dma_wait3A_301 = arith.constant 0 : i32
          %dma_wait3A_302 = tpu.memref_slice %arg3[%dma_wait3A_300, %dma_wait3A_301] : memref<10000x128xf32, #tpu.memory_space<hbm>> -> memref<10000x128xf32, #tpu.memory_space<hbm>>
          tpu.wait_indirect_dma semaphore(%arg28 : memref<!tpu.dma_semaphore, #tpu.memory_space<semaphore_mem>>) src(%dma_wait3A_302 : memref<10000x128xf32, #tpu.memory_space<hbm>>) dst(%arg15 : memref<64x128xf32, #tpu.memory_space<vmem>>)
          %dma_wait3A_303 = arith.constant 0 : i32
          %dma_wait3A_304 = arith.constant 0 : i32
          %dma_wait3A_305 = tpu.memref_slice %arg4[%dma_wait3A_303, %dma_wait3A_304] : memref<10000x128xf32, #tpu.memory_space<hbm>> -> memref<10000x128xf32, #tpu.memory_space<hbm>>
          tpu.wait_indirect_dma semaphore(%arg28 : memref<!tpu.dma_semaphore, #tpu.memory_space<semaphore_mem>>) src(%dma_wait3A_305 : memref<10000x128xf32, #tpu.memory_space<hbm>>) dst(%arg16 : memref<64x128xf32, #tpu.memory_space<vmem>>)
          %dma_wait3A_306 = arith.constant 0 : i32
          %dma_wait3A_307 = arith.constant 0 : i32
          %dma_wait3A_308 = tpu.memref_slice %arg5[%dma_wait3A_306, %dma_wait3A_307] : memref<10000x128xf32, #tpu.memory_space<hbm>> -> memref<10000x128xf32, #tpu.memory_space<hbm>>
          tpu.wait_indirect_dma semaphore(%arg28 : memref<!tpu.dma_semaphore, #tpu.memory_space<semaphore_mem>>) src(%dma_wait3A_308 : memref<10000x128xf32, #tpu.memory_space<hbm>>) dst(%arg17 : memref<64x128xf32, #tpu.memory_space<vmem>>)
          %scan3A_309 = arith.constant 0 : i32
          %scan3A_310 = arith.constant 0 : i32
          %scan3A_311 = arith.constant 64 : i32
          %scan3A_312 = arith.addi %scan3A_310, %scan3A_311 : i32
          %scan3A_313 = arith.constant 1 : i32
          %scan3A_314 = scf.for %scan3A_539 = %scan3A_310 to %scan3A_312 step %scan3A_313 iter_args(%scan3A_540 = %scan3A_309) -> (i32)  : i32 {
            %get3A_541 = arith.index_cast %scan3A_539 : i32 to index
            %get3A_542 = arith.constant 0 : index
            %get3A_543 = tpu.vector_load %arg14[%get3A_541, %get3A_542] {strides = array<i32>} : memref<64x128xf32, #tpu.memory_space<vmem>>, vector<16xf32>,
            %get3A_544 = arith.index_cast %scan3A_539 : i32 to index
            %get3A_545 = arith.constant 0 : index
            %get3A_546 = tpu.vector_load %arg15[%get3A_544, %get3A_545] {strides = array<i32>} : memref<64x128xf32, #tpu.memory_space<vmem>>, vector<16xf32>,
            %add3A_547 = arith.addf %get3A_543, %get3A_546 : vector<16xf32>
            %get3A_548 = arith.index_cast %scan3A_539 : i32 to index
            %get3A_549 = arith.constant 0 : index
            %get3A_550 = tpu.vector_load %arg16[%get3A_548, %get3A_549] {strides = array<i32>} : memref<64x128xf32, #tpu.memory_space<vmem>>, vector<16xf32>,
            %add3A_551 = arith.addf %add3A_547, %get3A_550 : vector<16xf32>
            %get3A_552 = arith.index_cast %scan3A_539 : i32 to index
            %get3A_553 = arith.constant 0 : index
            %get3A_554 = tpu.vector_load %arg17[%get3A_552, %get3A_553] {strides = array<i32>} : memref<64x128xf32, #tpu.memory_space<vmem>>, vector<16xf32>,
            %add3A_555 = arith.addf %add3A_551, %get3A_554 : vector<16xf32>
            %swap3A = arith.index_cast %scan3A_539 : i32 to index
            %swap3A_556 = arith.constant 0 : index
            %swap3A_557 = tpu.vector_load %arg14[%swap3A, %swap3A_556] {strides = array<i32>} : memref<64x128xf32, #tpu.memory_space<vmem>>, vector<16xf32>,
            tpu.vector_store %arg14[%swap3A, %swap3A_556], %add3A_555 {strides = array<i32>} : memref<64x128xf32, #tpu.memory_space<vmem>>, vector<16xf32>,
            %get3A_558 = arith.index_cast %scan3A_539 : i32 to index
            %get3A_559 = arith.constant 16 : index
            %get3A_560 = tpu.vector_load %arg14[%get3A_558, %get3A_559] {strides = array<i32>} : memref<64x128xf32, #tpu.memory_space<vmem>>, vector<16xf32>,
            %get3A_561 = arith.index_cast %scan3A_539 : i32 to index
            %get3A_562 = arith.constant 16 : index
            %get3A_563 = tpu.vector_load %arg15[%get3A_561, %get3A_562] {strides = array<i32>} : memref<64x128xf32, #tpu.memory_space<vmem>>, vector<16xf32>,
            %add3A_564 = arith.addf %get3A_560, %get3A_563 : vector<16xf32>
            %get3A_565 = arith.index_cast %scan3A_539 : i32 to index
            %get3A_566 = arith.constant 16 : index
            %get3A_567 = tpu.vector_load %arg16[%get3A_565, %get3A_566] {strides = array<i32>} : memref<64x128xf32, #tpu.memory_space<vmem>>, vector<16xf32>,
            %add3A_568 = arith.addf %add3A_564, %get3A_567 : vector<16xf32>
            %get3A_569 = arith.index_cast %scan3A_539 : i32 to index
            %get3A_570 = arith.constant 16 : index
            %get3A_571 = tpu.vector_load %arg17[%get3A_569, %get3A_570] {strides = array<i32>} : memref<64x128xf32, #tpu.memory_space<vmem>>, vector<16xf32>,
            %add3A_572 = arith.addf %add3A_568, %get3A_571 : vector<16xf32>
            %swap3A_573 = arith.index_cast %scan3A_539 : i32 to index
            %swap3A_574 = arith.constant 16 : index
            %swap3A_575 = tpu.vector_load %arg14[%swap3A_573, %swap3A_574] {strides = array<i32>} : memref<64x128xf32, #tpu.memory_space<vmem>>, vector<16xf32>,
            tpu.vector_store %arg14[%swap3A_573, %swap3A_574], %add3A_572 {strides = array<i32>} : memref<64x128xf32, #tpu.memory_space<vmem>>, vector<16xf32>,
            %get3A_576 = arith.index_cast %scan3A_539 : i32 to index
            %get3A_577 = arith.constant 32 : index
            %get3A_578 = tpu.vector_load %arg14[%get3A_576, %get3A_577] {strides = array<i32>} : memref<64x128xf32, #tpu.memory_space<vmem>>, vector<16xf32>,
            %get3A_579 = arith.index_cast %scan3A_539 : i32 to index
            %get3A_580 = arith.constant 32 : index
            %get3A_581 = tpu.vector_load %arg15[%get3A_579, %get3A_580] {strides = array<i32>} : memref<64x128xf32, #tpu.memory_space<vmem>>, vector<16xf32>,
            %add3A_582 = arith.addf %get3A_578, %get3A_581 : vector<16xf32>
            %get3A_583 = arith.index_cast %scan3A_539 : i32 to index
            %get3A_584 = arith.constant 32 : index
            %get3A_585 = tpu.vector_load %arg16[%get3A_583, %get3A_584] {strides = array<i32>} : memref<64x128xf32, #tpu.memory_space<vmem>>, vector<16xf32>,
            %add3A_586 = arith.addf %add3A_582, %get3A_585 : vector<16xf32>
            %get3A_587 = arith.index_cast %scan3A_539 : i32 to index
            %get3A_588 = arith.constant 32 : index
            %get3A_589 = tpu.vector_load %arg17[%get3A_587, %get3A_588] {strides = array<i32>} : memref<64x128xf32, #tpu.memory_space<vmem>>, vector<16xf32>,
            %add3A_590 = arith.addf %add3A_586, %get3A_589 : vector<16xf32>
            %swap3A_591 = arith.index_cast %scan3A_539 : i32 to index
            %swap3A_592 = arith.constant 32 : index
            %swap3A_593 = tpu.vector_load %arg14[%swap3A_591, %swap3A_592] {strides = array<i32>} : memref<64x128xf32, #tpu.memory_space<vmem>>, vector<16xf32>,
            tpu.vector_store %arg14[%swap3A_591, %swap3A_592], %add3A_590 {strides = array<i32>} : memref<64x128xf32, #tpu.memory_space<vmem>>, vector<16xf32>,
            %get3A_594 = arith.index_cast %scan3A_539 : i32 to index
            %get3A_595 = arith.constant 48 : index
            %get3A_596 = tpu.vector_load %arg14[%get3A_594, %get3A_595] {strides = array<i32>} : memref<64x128xf32, #tpu.memory_space<vmem>>, vector<16xf32>,
            %get3A_597 = arith.index_cast %scan3A_539 : i32 to index
            %get3A_598 = arith.constant 48 : index
            %get3A_599 = tpu.vector_load %arg15[%get3A_597, %get3A_598] {strides = array<i32>} : memref<64x128xf32, #tpu.memory_space<vmem>>, vector<16xf32>,
            %add3A_600 = arith.addf %get3A_596, %get3A_599 : vector<16xf32>
            %get3A_601 = arith.index_cast %scan3A_539 : i32 to index
            %get3A_602 = arith.constant 48 : index
            %get3A_603 = tpu.vector_load %arg16[%get3A_601, %get3A_602] {strides = array<i32>} : memref<64x128xf32, #tpu.memory_space<vmem>>, vector<16xf32>,
            %add3A_604 = arith.addf %add3A_600, %get3A_603 : vector<16xf32>
            %get3A_605 = arith.index_cast %scan3A_539 : i32 to index
            %get3A_606 = arith.constant 48 : index
            %get3A_607 = tpu.vector_load %arg17[%get3A_605, %get3A_606] {strides = array<i32>} : memref<64x128xf32, #tpu.memory_space<vmem>>, vector<16xf32>,
            %add3A_608 = arith.addf %add3A_604, %get3A_607 : vector<16xf32>
            %swap3A_609 = arith.index_cast %scan3A_539 : i32 to index
            %swap3A_610 = arith.constant 48 : index
            %swap3A_611 = tpu.vector_load %arg14[%swap3A_609, %swap3A_610] {strides = array<i32>} : memref<64x128xf32, #tpu.memory_space<vmem>>, vector<16xf32>,
            tpu.vector_store %arg14[%swap3A_609, %swap3A_610], %add3A_608 {strides = array<i32>} : memref<64x128xf32, #tpu.memory_space<vmem>>, vector<16xf32>,
            %get3A_612 = arith.index_cast %scan3A_539 : i32 to index
            %get3A_613 = arith.constant 64 : index
            %get3A_614 = tpu.vector_load %arg14[%get3A_612, %get3A_613] {strides = array<i32>} : memref<64x128xf32, #tpu.memory_space<vmem>>, vector<16xf32>,
            %get3A_615 = arith.index_cast %scan3A_539 : i32 to index
            %get3A_616 = arith.constant 64 : index
            %get3A_617 = tpu.vector_load %arg15[%get3A_615, %get3A_616] {strides = array<i32>} : memref<64x128xf32, #tpu.memory_space<vmem>>, vector<16xf32>,
            %add3A_618 = arith.addf %get3A_614, %get3A_617 : vector<16xf32>
            %get3A_619 = arith.index_cast %scan3A_539 : i32 to index
            %get3A_620 = arith.constant 64 : index
            %get3A_621 = tpu.vector_load %arg16[%get3A_619, %get3A_620] {strides = array<i32>} : memref<64x128xf32, #tpu.memory_space<vmem>>, vector<16xf32>,
            %add3A_622 = arith.addf %add3A_618, %get3A_621 : vector<16xf32>
            %get3A_623 = arith.index_cast %scan3A_539 : i32 to index
            %get3A_624 = arith.constant 64 : index
            %get3A_625 = tpu.vector_load %arg17[%get3A_623, %get3A_624] {strides = array<i32>} : memref<64x128xf32, #tpu.memory_space<vmem>>, vector<16xf32>,
            %add3A_626 = arith.addf %add3A_622, %get3A_625 : vector<16xf32>
            %swap3A_627 = arith.index_cast %scan3A_539 : i32 to index
            %swap3A_628 = arith.constant 64 : index
            %swap3A_629 = tpu.vector_load %arg14[%swap3A_627, %swap3A_628] {strides = array<i32>} : memref<64x128xf32, #tpu.memory_space<vmem>>, vector<16xf32>,
            tpu.vector_store %arg14[%swap3A_627, %swap3A_628], %add3A_626 {strides = array<i32>} : memref<64x128xf32, #tpu.memory_space<vmem>>, vector<16xf32>,
            %get3A_630 = arith.index_cast %scan3A_539 : i32 to index
            %get3A_631 = arith.constant 80 : index
            %get3A_632 = tpu.vector_load %arg14[%get3A_630, %get3A_631] {strides = array<i32>} : memref<64x128xf32, #tpu.memory_space<vmem>>, vector<16xf32>,
            %get3A_633 = arith.index_cast %scan3A_539 : i32 to index
            %get3A_634 = arith.constant 80 : index
            %get3A_635 = tpu.vector_load %arg15[%get3A_633, %get3A_634] {strides = array<i32>} : memref<64x128xf32, #tpu.memory_space<vmem>>, vector<16xf32>,
            %add3A_636 = arith.addf %get3A_632, %get3A_635 : vector<16xf32>
            %get3A_637 = arith.index_cast %scan3A_539 : i32 to index
            %get3A_638 = arith.constant 80 : index
            %get3A_639 = tpu.vector_load %arg16[%get3A_637, %get3A_638] {strides = array<i32>} : memref<64x128xf32, #tpu.memory_space<vmem>>, vector<16xf32>,
            %add3A_640 = arith.addf %add3A_636, %get3A_639 : vector<16xf32>
            %get3A_641 = arith.index_cast %scan3A_539 : i32 to index
            %get3A_642 = arith.constant 80 : index
            %get3A_643 = tpu.vector_load %arg17[%get3A_641, %get3A_642] {strides = array<i32>} : memref<64x128xf32, #tpu.memory_space<vmem>>, vector<16xf32>,
            %add3A_644 = arith.addf %add3A_640, %get3A_643 : vector<16xf32>
            %swap3A_645 = arith.index_cast %scan3A_539 : i32 to index
            %swap3A_646 = arith.constant 80 : index
            %swap3A_647 = tpu.vector_load %arg14[%swap3A_645, %swap3A_646] {strides = array<i32>} : memref<64x128xf32, #tpu.memory_space<vmem>>, vector<16xf32>,
            tpu.vector_store %arg14[%swap3A_645, %swap3A_646], %add3A_644 {strides = array<i32>} : memref<64x128xf32, #tpu.memory_space<vmem>>, vector<16xf32>,
            %get3A_648 = arith.index_cast %scan3A_539 : i32 to index
            %get3A_649 = arith.constant 96 : index
            %get3A_650 = tpu.vector_load %arg14[%get3A_648, %get3A_649] {strides = array<i32>} : memref<64x128xf32, #tpu.memory_space<vmem>>, vector<16xf32>,
            %get3A_651 = arith.index_cast %scan3A_539 : i32 to index
            %get3A_652 = arith.constant 96 : index
            %get3A_653 = tpu.vector_load %arg15[%get3A_651, %get3A_652] {strides = array<i32>} : memref<64x128xf32, #tpu.memory_space<vmem>>, vector<16xf32>,
            %add3A_654 = arith.addf %get3A_650, %get3A_653 : vector<16xf32>
            %get3A_655 = arith.index_cast %scan3A_539 : i32 to index
            %get3A_656 = arith.constant 96 : index
            %get3A_657 = tpu.vector_load %arg16[%get3A_655, %get3A_656] {strides = array<i32>} : memref<64x128xf32, #tpu.memory_space<vmem>>, vector<16xf32>,
            %add3A_658 = arith.addf %add3A_654, %get3A_657 : vector<16xf32>
            %get3A_659 = arith.index_cast %scan3A_539 : i32 to index
            %get3A_660 = arith.constant 96 : index
            %get3A_661 = tpu.vector_load %arg17[%get3A_659, %get3A_660] {strides = array<i32>} : memref<64x128xf32, #tpu.memory_space<vmem>>, vector<16xf32>,
            %add3A_662 = arith.addf %add3A_658, %get3A_661 : vector<16xf32>
            %swap3A_663 = arith.index_cast %scan3A_539 : i32 to index
            %swap3A_664 = arith.constant 96 : index
            %swap3A_665 = tpu.vector_load %arg14[%swap3A_663, %swap3A_664] {strides = array<i32>} : memref<64x128xf32, #tpu.memory_space<vmem>>, vector<16xf32>,
            tpu.vector_store %arg14[%swap3A_663, %swap3A_664], %add3A_662 {strides = array<i32>} : memref<64x128xf32, #tpu.memory_space<vmem>>, vector<16xf32>,
            %get3A_666 = arith.index_cast %scan3A_539 : i32 to index
            %get3A_667 = arith.constant 112 : index
            %get3A_668 = tpu.vector_load %arg14[%get3A_666, %get3A_667] {strides = array<i32>} : memref<64x128xf32, #tpu.memory_space<vmem>>, vector<16xf32>,
            %get3A_669 = arith.index_cast %scan3A_539 : i32 to index
            %get3A_670 = arith.constant 112 : index
            %get3A_671 = tpu.vector_load %arg15[%get3A_669, %get3A_670] {strides = array<i32>} : memref<64x128xf32, #tpu.memory_space<vmem>>, vector<16xf32>,
            %add3A_672 = arith.addf %get3A_668, %get3A_671 : vector<16xf32>
            %get3A_673 = arith.index_cast %scan3A_539 : i32 to index
            %get3A_674 = arith.constant 112 : index
            %get3A_675 = tpu.vector_load %arg16[%get3A_673, %get3A_674] {strides = array<i32>} : memref<64x128xf32, #tpu.memory_space<vmem>>, vector<16xf32>,
            %add3A_676 = arith.addf %add3A_672, %get3A_675 : vector<16xf32>
            %get3A_677 = arith.index_cast %scan3A_539 : i32 to index
            %get3A_678 = arith.constant 112 : index
            %get3A_679 = tpu.vector_load %arg17[%get3A_677, %get3A_678] {strides = array<i32>} : memref<64x128xf32, #tpu.memory_space<vmem>>, vector<16xf32>,
            %add3A_680 = arith.addf %add3A_676, %get3A_679 : vector<16xf32>
            %swap3A_681 = arith.index_cast %scan3A_539 : i32 to index
            %swap3A_682 = arith.constant 112 : index
            %swap3A_683 = tpu.vector_load %arg14[%swap3A_681, %swap3A_682] {strides = array<i32>} : memref<64x128xf32, #tpu.memory_space<vmem>>, vector<16xf32>,
            tpu.vector_store %arg14[%swap3A_681, %swap3A_682], %add3A_680 {strides = array<i32>} : memref<64x128xf32, #tpu.memory_space<vmem>>, vector<16xf32>,
            %scan3A_684 = arith.constant 0 : i32
            scf.yield %scan3A_684 : i32
          }
          %scan3A_315 = arith.constant 64 : i32
          "tpu.region"() ({
            %run_scoped3A = tpu.sem_alloc : memref<!tpu.dma_semaphore, #tpu.memory_space<semaphore_mem>>
            %dma_start3A_539 = arith.constant 0 : i32
            %dma_start3A_540 = tpu.memref_slice %arg8[%mul3A_113, %dma_start3A_539] : memref<160000x128xf32, #tpu.memory_space<hbm>> -> memref<64x128xf32, #tpu.memory_space<hbm>>
            %dma_start3A_541 = arith.constant 0 : i32
            %dma_start3A_542 = tpu.memref_slice %arg8[%mul3A_113, %dma_start3A_541] : memref<160000x128xf32, #tpu.memory_space<hbm>> -> memref<64x128xf32, #tpu.memory_space<hbm>>
            tpu.enqueue_dma source(%arg14 : memref<64x128xf32, #tpu.memory_space<vmem>>) target(%dma_start3A_542 : memref<64x128xf32, #tpu.memory_space<hbm>>) target_semaphore(%run_scoped3A : memref<!tpu.dma_semaphore, #tpu.memory_space<semaphore_mem>>)
            %dma_wait3A_543 = arith.constant 0 : i32
            %dma_wait3A_544 = tpu.memref_slice %arg8[%mul3A_113, %dma_wait3A_543] : memref<160000x128xf32, #tpu.memory_space<hbm>> -> memref<64x128xf32, #tpu.memory_space<hbm>>
            %dma_wait3A_545 = arith.constant 0 : i32
            %dma_wait3A_546 = tpu.memref_slice %arg8[%mul3A_113, %dma_wait3A_545] : memref<160000x128xf32, #tpu.memory_space<hbm>> -> memref<64x128xf32, #tpu.memory_space<hbm>>
            tpu.wait_dma2 semaphore(%run_scoped3A : memref<!tpu.dma_semaphore, #tpu.memory_space<semaphore_mem>>) src(%arg14 : memref<64x128xf32, #tpu.memory_space<vmem>>) dst(%dma_wait3A_546 : memref<64x128xf32, #tpu.memory_space<hbm>>)
            tpu.yield
          }) : () -> ()
          %add3A_316 = arith.constant 2 : i32
          %add3A_317 = arith.addi %mul3A_42, %add3A_316 : i32
          %mul3A_318 = arith.constant 32 : i32
          %mul3A_319 = arith.muli %mul3A_318, %add3A_317 : i32
          %add3A_320 = arith.addi %add3A, %mul3A_319 : i32
          %lt3A_321 = arith.constant 2500 : i32
          %lt3A_322 = arith.cmpi slt, %add3A_320, %lt3A_321 : i32
          %convert_element_type3A_323 = arith.extui %lt3A_322 : i1 to i32
          %cond3A_324 = arith.constant 0 : i32
          %cond3A_325 = arith.cmpi ne, %convert_element_type3A_323, %cond3A_324 : i32
          scf.if %cond3A_325 {
            %add3A_539 = arith.constant 2 : i32
            %add3A_540 = arith.addi %mul3A_42, %add3A_539 : i32
            %mul3A_541 = arith.constant 32 : i32
            %mul3A_542 = arith.muli %mul3A_541, %add3A_540 : i32
            %add3A_543 = arith.addi %add3A, %mul3A_542 : i32
            %mul3A_544 = arith.constant 64 : i32
            %mul3A_545 = arith.muli %add3A_543, %mul3A_544 : i32
            %add3A_546 = arith.constant 0 : i32
            %add3A_547 = arith.addi %add3A_546, %mul3A_545 : i32
            %dma_start3A_548 = tpu.memref_slice %arg7[%add3A_547] : memref<640000xi32, #tpu.memory_space<hbm>> -> memref<64xi32, #tpu.memory_space<hbm>>
            %dma_start3A_549 = tpu.memref_slice %arg7[%add3A_547] : memref<640000xi32, #tpu.memory_space<hbm>> -> memref<64xi32, #tpu.memory_space<hbm>>
            tpu.enqueue_dma source(%dma_start3A_549 : memref<64xi32, #tpu.memory_space<hbm>>) target(%arg10 : memref<64xi32, #tpu.memory_space<vmem>>) target_semaphore(%arg29 : memref<!tpu.dma_semaphore, #tpu.memory_space<semaphore_mem>>)
            %mul3A_550 = arith.constant 64 : i32
            %mul3A_551 = arith.muli %add3A_543, %mul3A_550 : i32
            %add3A_552 = arith.constant 160000 : i32
            %add3A_553 = arith.addi %add3A_552, %mul3A_551 : i32
            %dma_start3A_554 = tpu.memref_slice %arg7[%add3A_553] : memref<640000xi32, #tpu.memory_space<hbm>> -> memref<64xi32, #tpu.memory_space<hbm>>
            %dma_start3A_555 = tpu.memref_slice %arg7[%add3A_553] : memref<640000xi32, #tpu.memory_space<hbm>> -> memref<64xi32, #tpu.memory_space<hbm>>
            tpu.enqueue_dma source(%dma_start3A_555 : memref<64xi32, #tpu.memory_space<hbm>>) target(%arg11 : memref<64xi32, #tpu.memory_space<vmem>>) target_semaphore(%arg29 : memref<!tpu.dma_semaphore, #tpu.memory_space<semaphore_mem>>)
            %mul3A_556 = arith.constant 64 : i32
            %mul3A_557 = arith.muli %add3A_543, %mul3A_556 : i32
            %add3A_558 = arith.constant 320000 : i32
            %add3A_559 = arith.addi %add3A_558, %mul3A_557 : i32
            %dma_start3A_560 = tpu.memref_slice %arg7[%add3A_559] : memref<640000xi32, #tpu.memory_space<hbm>> -> memref<64xi32, #tpu.memory_space<hbm>>
            %dma_start3A_561 = tpu.memref_slice %arg7[%add3A_559] : memref<640000xi32, #tpu.memory_space<hbm>> -> memref<64xi32, #tpu.memory_space<hbm>>
            tpu.enqueue_dma source(%dma_start3A_561 : memref<64xi32, #tpu.memory_space<hbm>>) target(%arg12 : memref<64xi32, #tpu.memory_space<vmem>>) target_semaphore(%arg29 : memref<!tpu.dma_semaphore, #tpu.memory_space<semaphore_mem>>)
            %mul3A_562 = arith.constant 64 : i32
            %mul3A_563 = arith.muli %add3A_543, %mul3A_562 : i32
            %add3A_564 = arith.constant 480000 : i32
            %add3A_565 = arith.addi %add3A_564, %mul3A_563 : i32
            %dma_start3A_566 = tpu.memref_slice %arg7[%add3A_565] : memref<640000xi32, #tpu.memory_space<hbm>> -> memref<64xi32, #tpu.memory_space<hbm>>
            %dma_start3A_567 = tpu.memref_slice %arg7[%add3A_565] : memref<640000xi32, #tpu.memory_space<hbm>> -> memref<64xi32, #tpu.memory_space<hbm>>
            tpu.enqueue_dma source(%dma_start3A_567 : memref<64xi32, #tpu.memory_space<hbm>>) target(%arg13 : memref<64xi32, #tpu.memory_space<vmem>>) target_semaphore(%arg29 : memref<!tpu.dma_semaphore, #tpu.memory_space<semaphore_mem>>)
          } else {
          }
          %add3A_326 = arith.constant 1 : i32
          %add3A_327 = arith.addi %mul3A_42, %add3A_326 : i32
          %mul3A_328 = arith.constant 32 : i32
          %mul3A_329 = arith.muli %mul3A_328, %add3A_327 : i32
          %add3A_330 = arith.addi %add3A, %mul3A_329 : i32
          %mul3A_331 = arith.constant 64 : i32
          %mul3A_332 = arith.muli %add3A_330, %mul3A_331 : i32
          %iota3A_333 = tpu.iota {dimensions = array<i32: 0>} : vector<16xi32>
          %get3A_334 = arith.constant 0 : index
          %get3A_335 = tpu.vector_load %arg18[%get3A_334] {strides = array<i32>} : memref<64xi32, #tpu.memory_space<vmem>>, vector<16xi32>,
          %get3A_336 = arith.constant 0 : index
          %get3A_337 = tpu.vector_load %arg20[%get3A_336] {strides = array<i32>} : memref<64xi32, #tpu.memory_space<vmem>>, vector<16xi32>,
          %add3A_338 = arith.constant 0 : i32
          %add3A_339 = vector.broadcast %add3A_338 : i32 to vector<16xi32>
          %add3A_340 = arith.addi %iota3A_333, %add3A_339 : vector<16xi32>
          %mul3A_341 = arith.constant 16 : i32
          %mul3A_342 = vector.broadcast %mul3A_341 : i32 to vector<16xi32>
          %mul3A_343 = arith.muli %add3A_340, %mul3A_342 : vector<16xi32>
          %add3A_344 = arith.constant 0 : i32
          %add3A_345 = vector.broadcast %add3A_344 : i32 to vector<16xi32>
          %add3A_346 = arith.addi %get3A_335, %add3A_345 : vector<16xi32>
          %gather3A_347 = tpu.vector_load_idx %arg26[%add3A_346] : memref<30000xf32, #tpu.memory_space<vmem>>[vector<16xi32>], vector<16xf32>,
          %add3A_348 = arith.constant 0 : i32
          %add3A_349 = vector.broadcast %add3A_348 : i32 to vector<16xi32>
          %add3A_350 = arith.addi %get3A_337, %add3A_349 : vector<16xi32>
          %gather3A_351 = tpu.vector_load_idx %arg26[%add3A_350] : memref<30000xf32, #tpu.memory_space<vmem>>[vector<16xi32>], vector<16xf32>,
          %add3A_352 = arith.constant 0 : i32
          %add3A_353 = vector.broadcast %add3A_352 : i32 to vector<16xi32>
          %add3A_354 = arith.addi %mul3A_343, %add3A_353 : vector<16xi32>
          %sub3A_355 = arith.subf %gather3A_347, %gather3A_351 : vector<16xf32>
          tpu.vector_store_idx %arg27[%add3A_354], %sub3A_355 : memref<1024xf32, #tpu.memory_space<vmem>>[vector<16xi32>], vector<16xf32>,
          %add3A_356 = arith.constant 10000 : i32
          %add3A_357 = vector.broadcast %add3A_356 : i32 to vector<16xi32>
          %add3A_358 = arith.addi %get3A_335, %add3A_357 : vector<16xi32>
          %gather3A_359 = tpu.vector_load_idx %arg26[%add3A_358] : memref<30000xf32, #tpu.memory_space<vmem>>[vector<16xi32>], vector<16xf32>,
          %add3A_360 = arith.constant 10000 : i32
          %add3A_361 = vector.broadcast %add3A_360 : i32 to vector<16xi32>
          %add3A_362 = arith.addi %get3A_337, %add3A_361 : vector<16xi32>
          %gather3A_363 = tpu.vector_load_idx %arg26[%add3A_362] : memref<30000xf32, #tpu.memory_space<vmem>>[vector<16xi32>], vector<16xf32>,
          %add3A_364 = arith.constant 1 : i32
          %add3A_365 = vector.broadcast %add3A_364 : i32 to vector<16xi32>
          %add3A_366 = arith.addi %mul3A_343, %add3A_365 : vector<16xi32>
          %sub3A_367 = arith.subf %gather3A_359, %gather3A_363 : vector<16xf32>
          tpu.vector_store_idx %arg27[%add3A_366], %sub3A_367 : memref<1024xf32, #tpu.memory_space<vmem>>[vector<16xi32>], vector<16xf32>,
          %add3A_368 = arith.constant 20000 : i32
          %add3A_369 = vector.broadcast %add3A_368 : i32 to vector<16xi32>
          %add3A_370 = arith.addi %get3A_335, %add3A_369 : vector<16xi32>
          %gather3A_371 = tpu.vector_load_idx %arg26[%add3A_370] : memref<30000xf32, #tpu.memory_space<vmem>>[vector<16xi32>], vector<16xf32>,
          %add3A_372 = arith.constant 20000 : i32
          %add3A_373 = vector.broadcast %add3A_372 : i32 to vector<16xi32>
          %add3A_374 = arith.addi %get3A_337, %add3A_373 : vector<16xi32>
          %gather3A_375 = tpu.vector_load_idx %arg26[%add3A_374] : memref<30000xf32, #tpu.memory_space<vmem>>[vector<16xi32>], vector<16xf32>,
          %add3A_376 = arith.constant 2 : i32
          %add3A_377 = vector.broadcast %add3A_376 : i32 to vector<16xi32>
          %add3A_378 = arith.addi %mul3A_343, %add3A_377 : vector<16xi32>
          %sub3A_379 = arith.subf %gather3A_371, %gather3A_375 : vector<16xf32>
          tpu.vector_store_idx %arg27[%add3A_378], %sub3A_379 : memref<1024xf32, #tpu.memory_space<vmem>>[vector<16xi32>], vector<16xf32>,
          %get3A_380 = arith.constant 16 : index
          %get3A_381 = tpu.vector_load %arg18[%get3A_380] {strides = array<i32>} : memref<64xi32, #tpu.memory_space<vmem>>, vector<16xi32>,
          %get3A_382 = arith.constant 16 : index
          %get3A_383 = tpu.vector_load %arg20[%get3A_382] {strides = array<i32>} : memref<64xi32, #tpu.memory_space<vmem>>, vector<16xi32>,
          %add3A_384 = arith.constant 16 : i32
          %add3A_385 = vector.broadcast %add3A_384 : i32 to vector<16xi32>
          %add3A_386 = arith.addi %iota3A_333, %add3A_385 : vector<16xi32>
          %mul3A_387 = arith.constant 16 : i32
          %mul3A_388 = vector.broadcast %mul3A_387 : i32 to vector<16xi32>
          %mul3A_389 = arith.muli %add3A_386, %mul3A_388 : vector<16xi32>
          %add3A_390 = arith.constant 0 : i32
          %add3A_391 = vector.broadcast %add3A_390 : i32 to vector<16xi32>
          %add3A_392 = arith.addi %get3A_381, %add3A_391 : vector<16xi32>
          %gather3A_393 = tpu.vector_load_idx %arg26[%add3A_392] : memref<30000xf32, #tpu.memory_space<vmem>>[vector<16xi32>], vector<16xf32>,
          %add3A_394 = arith.constant 0 : i32
          %add3A_395 = vector.broadcast %add3A_394 : i32 to vector<16xi32>
          %add3A_396 = arith.addi %get3A_383, %add3A_395 : vector<16xi32>
          %gather3A_397 = tpu.vector_load_idx %arg26[%add3A_396] : memref<30000xf32, #tpu.memory_space<vmem>>[vector<16xi32>], vector<16xf32>,
          %add3A_398 = arith.constant 0 : i32
          %add3A_399 = vector.broadcast %add3A_398 : i32 to vector<16xi32>
          %add3A_400 = arith.addi %mul3A_389, %add3A_399 : vector<16xi32>
          %sub3A_401 = arith.subf %gather3A_393, %gather3A_397 : vector<16xf32>
          tpu.vector_store_idx %arg27[%add3A_400], %sub3A_401 : memref<1024xf32, #tpu.memory_space<vmem>>[vector<16xi32>], vector<16xf32>,
          %add3A_402 = arith.constant 10000 : i32
          %add3A_403 = vector.broadcast %add3A_402 : i32 to vector<16xi32>
          %add3A_404 = arith.addi %get3A_381, %add3A_403 : vector<16xi32>
          %gather3A_405 = tpu.vector_load_idx %arg26[%add3A_404] : memref<30000xf32, #tpu.memory_space<vmem>>[vector<16xi32>], vector<16xf32>,
          %add3A_406 = arith.constant 10000 : i32
          %add3A_407 = vector.broadcast %add3A_406 : i32 to vector<16xi32>
          %add3A_408 = arith.addi %get3A_383, %add3A_407 : vector<16xi32>
          %gather3A_409 = tpu.vector_load_idx %arg26[%add3A_408] : memref<30000xf32, #tpu.memory_space<vmem>>[vector<16xi32>], vector<16xf32>,
          %add3A_410 = arith.constant 1 : i32
          %add3A_411 = vector.broadcast %add3A_410 : i32 to vector<16xi32>
          %add3A_412 = arith.addi %mul3A_389, %add3A_411 : vector<16xi32>
          %sub3A_413 = arith.subf %gather3A_405, %gather3A_409 : vector<16xf32>
          tpu.vector_store_idx %arg27[%add3A_412], %sub3A_413 : memref<1024xf32, #tpu.memory_space<vmem>>[vector<16xi32>], vector<16xf32>,
          %add3A_414 = arith.constant 20000 : i32
          %add3A_415 = vector.broadcast %add3A_414 : i32 to vector<16xi32>
          %add3A_416 = arith.addi %get3A_381, %add3A_415 : vector<16xi32>
          %gather3A_417 = tpu.vector_load_idx %arg26[%add3A_416] : memref<30000xf32, #tpu.memory_space<vmem>>[vector<16xi32>], vector<16xf32>,
          %add3A_418 = arith.constant 20000 : i32
          %add3A_419 = vector.broadcast %add3A_418 : i32 to vector<16xi32>
          %add3A_420 = arith.addi %get3A_383, %add3A_419 : vector<16xi32>
          %gather3A_421 = tpu.vector_load_idx %arg26[%add3A_420] : memref<30000xf32, #tpu.memory_space<vmem>>[vector<16xi32>], vector<16xf32>,
          %add3A_422 = arith.constant 2 : i32
          %add3A_423 = vector.broadcast %add3A_422 : i32 to vector<16xi32>
          %add3A_424 = arith.addi %mul3A_389, %add3A_423 : vector<16xi32>
          %sub3A_425 = arith.subf %gather3A_417, %gather3A_421 : vector<16xf32>
          tpu.vector_store_idx %arg27[%add3A_424], %sub3A_425 : memref<1024xf32, #tpu.memory_space<vmem>>[vector<16xi32>], vector<16xf32>,
          %get3A_426 = arith.constant 32 : index
          %get3A_427 = tpu.vector_load %arg18[%get3A_426] {strides = array<i32>} : memref<64xi32, #tpu.memory_space<vmem>>, vector<16xi32>,
          %get3A_428 = arith.constant 32 : index
          %get3A_429 = tpu.vector_load %arg20[%get3A_428] {strides = array<i32>} : memref<64xi32, #tpu.memory_space<vmem>>, vector<16xi32>,
          %add3A_430 = arith.constant 32 : i32
          %add3A_431 = vector.broadcast %add3A_430 : i32 to vector<16xi32>
          %add3A_432 = arith.addi %iota3A_333, %add3A_431 : vector<16xi32>
          %mul3A_433 = arith.constant 16 : i32
          %mul3A_434 = vector.broadcast %mul3A_433 : i32 to vector<16xi32>
          %mul3A_435 = arith.muli %add3A_432, %mul3A_434 : vector<16xi32>
          %add3A_436 = arith.constant 0 : i32
          %add3A_437 = vector.broadcast %add3A_436 : i32 to vector<16xi32>
          %add3A_438 = arith.addi %get3A_427, %add3A_437 : vector<16xi32>
          %gather3A_439 = tpu.vector_load_idx %arg26[%add3A_438] : memref<30000xf32, #tpu.memory_space<vmem>>[vector<16xi32>], vector<16xf32>,
          %add3A_440 = arith.constant 0 : i32
          %add3A_441 = vector.broadcast %add3A_440 : i32 to vector<16xi32>
          %add3A_442 = arith.addi %get3A_429, %add3A_441 : vector<16xi32>
          %gather3A_443 = tpu.vector_load_idx %arg26[%add3A_442] : memref<30000xf32, #tpu.memory_space<vmem>>[vector<16xi32>], vector<16xf32>,
          %add3A_444 = arith.constant 0 : i32
          %add3A_445 = vector.broadcast %add3A_444 : i32 to vector<16xi32>
          %add3A_446 = arith.addi %mul3A_435, %add3A_445 : vector<16xi32>
          %sub3A_447 = arith.subf %gather3A_439, %gather3A_443 : vector<16xf32>
          tpu.vector_store_idx %arg27[%add3A_446], %sub3A_447 : memref<1024xf32, #tpu.memory_space<vmem>>[vector<16xi32>], vector<16xf32>,
          %add3A_448 = arith.constant 10000 : i32
          %add3A_449 = vector.broadcast %add3A_448 : i32 to vector<16xi32>
          %add3A_450 = arith.addi %get3A_427, %add3A_449 : vector<16xi32>
          %gather3A_451 = tpu.vector_load_idx %arg26[%add3A_450] : memref<30000xf32, #tpu.memory_space<vmem>>[vector<16xi32>], vector<16xf32>,
          %add3A_452 = arith.constant 10000 : i32
          %add3A_453 = vector.broadcast %add3A_452 : i32 to vector<16xi32>
          %add3A_454 = arith.addi %get3A_429, %add3A_453 : vector<16xi32>
          %gather3A_455 = tpu.vector_load_idx %arg26[%add3A_454] : memref<30000xf32, #tpu.memory_space<vmem>>[vector<16xi32>], vector<16xf32>,
          %add3A_456 = arith.constant 1 : i32
          %add3A_457 = vector.broadcast %add3A_456 : i32 to vector<16xi32>
          %add3A_458 = arith.addi %mul3A_435, %add3A_457 : vector<16xi32>
          %sub3A_459 = arith.subf %gather3A_451, %gather3A_455 : vector<16xf32>
          tpu.vector_store_idx %arg27[%add3A_458], %sub3A_459 : memref<1024xf32, #tpu.memory_space<vmem>>[vector<16xi32>], vector<16xf32>,
          %add3A_460 = arith.constant 20000 : i32
          %add3A_461 = vector.broadcast %add3A_460 : i32 to vector<16xi32>
          %add3A_462 = arith.addi %get3A_427, %add3A_461 : vector<16xi32>
          %gather3A_463 = tpu.vector_load_idx %arg26[%add3A_462] : memref<30000xf32, #tpu.memory_space<vmem>>[vector<16xi32>], vector<16xf32>,
          %add3A_464 = arith.constant 20000 : i32
          %add3A_465 = vector.broadcast %add3A_464 : i32 to vector<16xi32>
          %add3A_466 = arith.addi %get3A_429, %add3A_465 : vector<16xi32>
          %gather3A_467 = tpu.vector_load_idx %arg26[%add3A_466] : memref<30000xf32, #tpu.memory_space<vmem>>[vector<16xi32>], vector<16xf32>,
          %add3A_468 = arith.constant 2 : i32
          %add3A_469 = vector.broadcast %add3A_468 : i32 to vector<16xi32>
          %add3A_470 = arith.addi %mul3A_435, %add3A_469 : vector<16xi32>
          %sub3A_471 = arith.subf %gather3A_463, %gather3A_467 : vector<16xf32>
          tpu.vector_store_idx %arg27[%add3A_470], %sub3A_471 : memref<1024xf32, #tpu.memory_space<vmem>>[vector<16xi32>], vector<16xf32>,
          %get3A_472 = arith.constant 48 : index
          %get3A_473 = tpu.vector_load %arg18[%get3A_472] {strides = array<i32>} : memref<64xi32, #tpu.memory_space<vmem>>, vector<16xi32>,
          %get3A_474 = arith.constant 48 : index
          %get3A_475 = tpu.vector_load %arg20[%get3A_474] {strides = array<i32>} : memref<64xi32, #tpu.memory_space<vmem>>, vector<16xi32>,
          %add3A_476 = arith.constant 48 : i32
          %add3A_477 = vector.broadcast %add3A_476 : i32 to vector<16xi32>
          %add3A_478 = arith.addi %iota3A_333, %add3A_477 : vector<16xi32>
          %mul3A_479 = arith.constant 16 : i32
          %mul3A_480 = vector.broadcast %mul3A_479 : i32 to vector<16xi32>
          %mul3A_481 = arith.muli %add3A_478, %mul3A_480 : vector<16xi32>
          %add3A_482 = arith.constant 0 : i32
          %add3A_483 = vector.broadcast %add3A_482 : i32 to vector<16xi32>
          %add3A_484 = arith.addi %get3A_473, %add3A_483 : vector<16xi32>
          %gather3A_485 = tpu.vector_load_idx %arg26[%add3A_484] : memref<30000xf32, #tpu.memory_space<vmem>>[vector<16xi32>], vector<16xf32>,
          %add3A_486 = arith.constant 0 : i32
          %add3A_487 = vector.broadcast %add3A_486 : i32 to vector<16xi32>
          %add3A_488 = arith.addi %get3A_475, %add3A_487 : vector<16xi32>
          %gather3A_489 = tpu.vector_load_idx %arg26[%add3A_488] : memref<30000xf32, #tpu.memory_space<vmem>>[vector<16xi32>], vector<16xf32>,
          %add3A_490 = arith.constant 0 : i32
          %add3A_491 = vector.broadcast %add3A_490 : i32 to vector<16xi32>
          %add3A_492 = arith.addi %mul3A_481, %add3A_491 : vector<16xi32>
          %sub3A_493 = arith.subf %gather3A_485, %gather3A_489 : vector<16xf32>
          tpu.vector_store_idx %arg27[%add3A_492], %sub3A_493 : memref<1024xf32, #tpu.memory_space<vmem>>[vector<16xi32>], vector<16xf32>,
          %add3A_494 = arith.constant 10000 : i32
          %add3A_495 = vector.broadcast %add3A_494 : i32 to vector<16xi32>
          %add3A_496 = arith.addi %get3A_473, %add3A_495 : vector<16xi32>
          %gather3A_497 = tpu.vector_load_idx %arg26[%add3A_496] : memref<30000xf32, #tpu.memory_space<vmem>>[vector<16xi32>], vector<16xf32>,
          %add3A_498 = arith.constant 10000 : i32
          %add3A_499 = vector.broadcast %add3A_498 : i32 to vector<16xi32>
          %add3A_500 = arith.addi %get3A_475, %add3A_499 : vector<16xi32>
          %gather3A_501 = tpu.vector_load_idx %arg26[%add3A_500] : memref<30000xf32, #tpu.memory_space<vmem>>[vector<16xi32>], vector<16xf32>,
          %add3A_502 = arith.constant 1 : i32
          %add3A_503 = vector.broadcast %add3A_502 : i32 to vector<16xi32>
          %add3A_504 = arith.addi %mul3A_481, %add3A_503 : vector<16xi32>
          %sub3A_505 = arith.subf %gather3A_497, %gather3A_501 : vector<16xf32>
          tpu.vector_store_idx %arg27[%add3A_504], %sub3A_505 : memref<1024xf32, #tpu.memory_space<vmem>>[vector<16xi32>], vector<16xf32>,
          %add3A_506 = arith.constant 20000 : i32
          %add3A_507 = vector.broadcast %add3A_506 : i32 to vector<16xi32>
          %add3A_508 = arith.addi %get3A_473, %add3A_507 : vector<16xi32>
          %gather3A_509 = tpu.vector_load_idx %arg26[%add3A_508] : memref<30000xf32, #tpu.memory_space<vmem>>[vector<16xi32>], vector<16xf32>,
          %add3A_510 = arith.constant 20000 : i32
          %add3A_511 = vector.broadcast %add3A_510 : i32 to vector<16xi32>
          %add3A_512 = arith.addi %get3A_475, %add3A_511 : vector<16xi32>
          %gather3A_513 = tpu.vector_load_idx %arg26[%add3A_512] : memref<30000xf32, #tpu.memory_space<vmem>>[vector<16xi32>], vector<16xf32>,
          %add3A_514 = arith.constant 2 : i32
          %add3A_515 = vector.broadcast %add3A_514 : i32 to vector<16xi32>
          %add3A_516 = arith.addi %mul3A_481, %add3A_515 : vector<16xi32>
          %sub3A_517 = arith.subf %gather3A_509, %gather3A_513 : vector<16xf32>
          tpu.vector_store_idx %arg27[%add3A_516], %sub3A_517 : memref<1024xf32, #tpu.memory_space<vmem>>[vector<16xi32>], vector<16xf32>,
          %mul3A_518 = arith.constant 16 : i32
          %mul3A_519 = arith.muli %mul3A_332, %mul3A_518 : i32
          "tpu.region"() ({
            %run_scoped3A = tpu.sem_alloc : memref<!tpu.dma_semaphore, #tpu.memory_space<semaphore_mem>>
            %dma_start3A_539 = tpu.memref_slice %arg9[%mul3A_519] : memref<2560000xf32, #tpu.memory_space<hbm>> -> memref<1024xf32, #tpu.memory_space<hbm>>
            %dma_start3A_540 = tpu.memref_slice %arg9[%mul3A_519] : memref<2560000xf32, #tpu.memory_space<hbm>> -> memref<1024xf32, #tpu.memory_space<hbm>>
            tpu.enqueue_dma source(%arg27 : memref<1024xf32, #tpu.memory_space<vmem>>) target(%dma_start3A_540 : memref<1024xf32, #tpu.memory_space<hbm>>) target_semaphore(%run_scoped3A : memref<!tpu.dma_semaphore, #tpu.memory_space<semaphore_mem>>)
            %dma_wait3A_541 = tpu.memref_slice %arg9[%mul3A_519] : memref<2560000xf32, #tpu.memory_space<hbm>> -> memref<1024xf32, #tpu.memory_space<hbm>>
            %dma_wait3A_542 = tpu.memref_slice %arg9[%mul3A_519] : memref<2560000xf32, #tpu.memory_space<hbm>> -> memref<1024xf32, #tpu.memory_space<hbm>>
            tpu.wait_dma2 semaphore(%run_scoped3A : memref<!tpu.dma_semaphore, #tpu.memory_space<semaphore_mem>>) src(%arg27 : memref<1024xf32, #tpu.memory_space<vmem>>) dst(%dma_wait3A_542 : memref<1024xf32, #tpu.memory_space<hbm>>)
            tpu.yield
          }) : () -> ()
          %dma_wait3A_520 = arith.constant 0 : i32
          %dma_wait3A_521 = arith.constant 0 : i32
          %dma_wait3A_522 = tpu.memref_slice %arg2[%dma_wait3A_520, %dma_wait3A_521] : memref<10000x128xf32, #tpu.memory_space<hbm>> -> memref<10000x128xf32, #tpu.memory_space<hbm>>
          tpu.wait_indirect_dma semaphore(%arg28 : memref<!tpu.dma_semaphore, #tpu.memory_space<semaphore_mem>>) src(%dma_wait3A_522 : memref<10000x128xf32, #tpu.memory_space<hbm>>) dst(%arg22 : memref<64x128xf32, #tpu.memory_space<vmem>>)
          %dma_wait3A_523 = arith.constant 0 : i32
          %dma_wait3A_524 = arith.constant 0 : i32
          %dma_wait3A_525 = tpu.memref_slice %arg3[%dma_wait3A_523, %dma_wait3A_524] : memref<10000x128xf32, #tpu.memory_space<hbm>> -> memref<10000x128xf32, #tpu.memory_space<hbm>>
          tpu.wait_indirect_dma semaphore(%arg28 : memref<!tpu.dma_semaphore, #tpu.memory_space<semaphore_mem>>) src(%dma_wait3A_525 : memref<10000x128xf32, #tpu.memory_space<hbm>>) dst(%arg23 : memref<64x128xf32, #tpu.memory_space<vmem>>)
          %dma_wait3A_526 = arith.constant 0 : i32
          %dma_wait3A_527 = arith.constant 0 : i32
          %dma_wait3A_528 = tpu.memref_slice %arg4[%dma_wait3A_526, %dma_wait3A_527] : memref<10000x128xf32, #tpu.memory_space<hbm>> -> memref<10000x128xf32, #tpu.memory_space<hbm>>
          tpu.wait_indirect_dma semaphore(%arg28 : memref<!tpu.dma_semaphore, #tpu.memory_space<semaphore_mem>>) src(%dma_wait3A_528 : memref<10000x128xf32, #tpu.memory_space<hbm>>) dst(%arg24 : memref<64x128xf32, #tpu.memory_space<vmem>>)
          %dma_wait3A_529 = arith.constant 0 : i32
          %dma_wait3A_530 = arith.constant 0 : i32
          %dma_wait3A_531 = tpu.memref_slice %arg5[%dma_wait3A_529, %dma_wait3A_530] : memref<10000x128xf32, #tpu.memory_space<hbm>> -> memref<10000x128xf32, #tpu.memory_space<hbm>>
          tpu.wait_indirect_dma semaphore(%arg28 : memref<!tpu.dma_semaphore, #tpu.memory_space<semaphore_mem>>) src(%dma_wait3A_531 : memref<10000x128xf32, #tpu.memory_space<hbm>>) dst(%arg25 : memref<64x128xf32, #tpu.memory_space<vmem>>)
          %scan3A_532 = arith.constant 0 : i32
          %scan3A_533 = arith.constant 0 : i32
          %scan3A_534 = arith.constant 64 : i32
          %scan3A_535 = arith.addi %scan3A_533, %scan3A_534 : i32
          %scan3A_536 = arith.constant 1 : i32
          %scan3A_537 = scf.for %scan3A_539 = %scan3A_533 to %scan3A_535 step %scan3A_536 iter_args(%scan3A_540 = %scan3A_532) -> (i32)  : i32 {
            %get3A_541 = arith.index_cast %scan3A_539 : i32 to index
            %get3A_542 = arith.constant 0 : index
            %get3A_543 = tpu.vector_load %arg22[%get3A_541, %get3A_542] {strides = array<i32>} : memref<64x128xf32, #tpu.memory_space<vmem>>, vector<16xf32>,
            %get3A_544 = arith.index_cast %scan3A_539 : i32 to index
            %get3A_545 = arith.constant 0 : index
            %get3A_546 = tpu.vector_load %arg23[%get3A_544, %get3A_545] {strides = array<i32>} : memref<64x128xf32, #tpu.memory_space<vmem>>, vector<16xf32>,
            %add3A_547 = arith.addf %get3A_543, %get3A_546 : vector<16xf32>
            %get3A_548 = arith.index_cast %scan3A_539 : i32 to index
            %get3A_549 = arith.constant 0 : index
            %get3A_550 = tpu.vector_load %arg24[%get3A_548, %get3A_549] {strides = array<i32>} : memref<64x128xf32, #tpu.memory_space<vmem>>, vector<16xf32>,
            %add3A_551 = arith.addf %add3A_547, %get3A_550 : vector<16xf32>
            %get3A_552 = arith.index_cast %scan3A_539 : i32 to index
            %get3A_553 = arith.constant 0 : index
            %get3A_554 = tpu.vector_load %arg25[%get3A_552, %get3A_553] {strides = array<i32>} : memref<64x128xf32, #tpu.memory_space<vmem>>, vector<16xf32>,
            %add3A_555 = arith.addf %add3A_551, %get3A_554 : vector<16xf32>
            %swap3A = arith.index_cast %scan3A_539 : i32 to index
            %swap3A_556 = arith.constant 0 : index
            %swap3A_557 = tpu.vector_load %arg22[%swap3A, %swap3A_556] {strides = array<i32>} : memref<64x128xf32, #tpu.memory_space<vmem>>, vector<16xf32>,
            tpu.vector_store %arg22[%swap3A, %swap3A_556], %add3A_555 {strides = array<i32>} : memref<64x128xf32, #tpu.memory_space<vmem>>, vector<16xf32>,
            %get3A_558 = arith.index_cast %scan3A_539 : i32 to index
            %get3A_559 = arith.constant 16 : index
            %get3A_560 = tpu.vector_load %arg22[%get3A_558, %get3A_559] {strides = array<i32>} : memref<64x128xf32, #tpu.memory_space<vmem>>, vector<16xf32>,
            %get3A_561 = arith.index_cast %scan3A_539 : i32 to index
            %get3A_562 = arith.constant 16 : index
            %get3A_563 = tpu.vector_load %arg23[%get3A_561, %get3A_562] {strides = array<i32>} : memref<64x128xf32, #tpu.memory_space<vmem>>, vector<16xf32>,
            %add3A_564 = arith.addf %get3A_560, %get3A_563 : vector<16xf32>
            %get3A_565 = arith.index_cast %scan3A_539 : i32 to index
            %get3A_566 = arith.constant 16 : index
            %get3A_567 = tpu.vector_load %arg24[%get3A_565, %get3A_566] {strides = array<i32>} : memref<64x128xf32, #tpu.memory_space<vmem>>, vector<16xf32>,
            %add3A_568 = arith.addf %add3A_564, %get3A_567 : vector<16xf32>
            %get3A_569 = arith.index_cast %scan3A_539 : i32 to index
            %get3A_570 = arith.constant 16 : index
            %get3A_571 = tpu.vector_load %arg25[%get3A_569, %get3A_570] {strides = array<i32>} : memref<64x128xf32, #tpu.memory_space<vmem>>, vector<16xf32>,
            %add3A_572 = arith.addf %add3A_568, %get3A_571 : vector<16xf32>
            %swap3A_573 = arith.index_cast %scan3A_539 : i32 to index
            %swap3A_574 = arith.constant 16 : index
            %swap3A_575 = tpu.vector_load %arg22[%swap3A_573, %swap3A_574] {strides = array<i32>} : memref<64x128xf32, #tpu.memory_space<vmem>>, vector<16xf32>,
            tpu.vector_store %arg22[%swap3A_573, %swap3A_574], %add3A_572 {strides = array<i32>} : memref<64x128xf32, #tpu.memory_space<vmem>>, vector<16xf32>,
            %get3A_576 = arith.index_cast %scan3A_539 : i32 to index
            %get3A_577 = arith.constant 32 : index
            %get3A_578 = tpu.vector_load %arg22[%get3A_576, %get3A_577] {strides = array<i32>} : memref<64x128xf32, #tpu.memory_space<vmem>>, vector<16xf32>,
            %get3A_579 = arith.index_cast %scan3A_539 : i32 to index
            %get3A_580 = arith.constant 32 : index
            %get3A_581 = tpu.vector_load %arg23[%get3A_579, %get3A_580] {strides = array<i32>} : memref<64x128xf32, #tpu.memory_space<vmem>>, vector<16xf32>,
            %add3A_582 = arith.addf %get3A_578, %get3A_581 : vector<16xf32>
            %get3A_583 = arith.index_cast %scan3A_539 : i32 to index
            %get3A_584 = arith.constant 32 : index
            %get3A_585 = tpu.vector_load %arg24[%get3A_583, %get3A_584] {strides = array<i32>} : memref<64x128xf32, #tpu.memory_space<vmem>>, vector<16xf32>,
            %add3A_586 = arith.addf %add3A_582, %get3A_585 : vector<16xf32>
            %get3A_587 = arith.index_cast %scan3A_539 : i32 to index
            %get3A_588 = arith.constant 32 : index
            %get3A_589 = tpu.vector_load %arg25[%get3A_587, %get3A_588] {strides = array<i32>} : memref<64x128xf32, #tpu.memory_space<vmem>>, vector<16xf32>,
            %add3A_590 = arith.addf %add3A_586, %get3A_589 : vector<16xf32>
            %swap3A_591 = arith.index_cast %scan3A_539 : i32 to index
            %swap3A_592 = arith.constant 32 : index
            %swap3A_593 = tpu.vector_load %arg22[%swap3A_591, %swap3A_592] {strides = array<i32>} : memref<64x128xf32, #tpu.memory_space<vmem>>, vector<16xf32>,
            tpu.vector_store %arg22[%swap3A_591, %swap3A_592], %add3A_590 {strides = array<i32>} : memref<64x128xf32, #tpu.memory_space<vmem>>, vector<16xf32>,
            %get3A_594 = arith.index_cast %scan3A_539 : i32 to index
            %get3A_595 = arith.constant 48 : index
            %get3A_596 = tpu.vector_load %arg22[%get3A_594, %get3A_595] {strides = array<i32>} : memref<64x128xf32, #tpu.memory_space<vmem>>, vector<16xf32>,
            %get3A_597 = arith.index_cast %scan3A_539 : i32 to index
            %get3A_598 = arith.constant 48 : index
            %get3A_599 = tpu.vector_load %arg23[%get3A_597, %get3A_598] {strides = array<i32>} : memref<64x128xf32, #tpu.memory_space<vmem>>, vector<16xf32>,
            %add3A_600 = arith.addf %get3A_596, %get3A_599 : vector<16xf32>
            %get3A_601 = arith.index_cast %scan3A_539 : i32 to index
            %get3A_602 = arith.constant 48 : index
            %get3A_603 = tpu.vector_load %arg24[%get3A_601, %get3A_602] {strides = array<i32>} : memref<64x128xf32, #tpu.memory_space<vmem>>, vector<16xf32>,
            %add3A_604 = arith.addf %add3A_600, %get3A_603 : vector<16xf32>
            %get3A_605 = arith.index_cast %scan3A_539 : i32 to index
            %get3A_606 = arith.constant 48 : index
            %get3A_607 = tpu.vector_load %arg25[%get3A_605, %get3A_606] {strides = array<i32>} : memref<64x128xf32, #tpu.memory_space<vmem>>, vector<16xf32>,
            %add3A_608 = arith.addf %add3A_604, %get3A_607 : vector<16xf32>
            %swap3A_609 = arith.index_cast %scan3A_539 : i32 to index
            %swap3A_610 = arith.constant 48 : index
            %swap3A_611 = tpu.vector_load %arg22[%swap3A_609, %swap3A_610] {strides = array<i32>} : memref<64x128xf32, #tpu.memory_space<vmem>>, vector<16xf32>,
            tpu.vector_store %arg22[%swap3A_609, %swap3A_610], %add3A_608 {strides = array<i32>} : memref<64x128xf32, #tpu.memory_space<vmem>>, vector<16xf32>,
            %get3A_612 = arith.index_cast %scan3A_539 : i32 to index
            %get3A_613 = arith.constant 64 : index
            %get3A_614 = tpu.vector_load %arg22[%get3A_612, %get3A_613] {strides = array<i32>} : memref<64x128xf32, #tpu.memory_space<vmem>>, vector<16xf32>,
            %get3A_615 = arith.index_cast %scan3A_539 : i32 to index
            %get3A_616 = arith.constant 64 : index
            %get3A_617 = tpu.vector_load %arg23[%get3A_615, %get3A_616] {strides = array<i32>} : memref<64x128xf32, #tpu.memory_space<vmem>>, vector<16xf32>,
            %add3A_618 = arith.addf %get3A_614, %get3A_617 : vector<16xf32>
            %get3A_619 = arith.index_cast %scan3A_539 : i32 to index
            %get3A_620 = arith.constant 64 : index
            %get3A_621 = tpu.vector_load %arg24[%get3A_619, %get3A_620] {strides = array<i32>} : memref<64x128xf32, #tpu.memory_space<vmem>>, vector<16xf32>,
            %add3A_622 = arith.addf %add3A_618, %get3A_621 : vector<16xf32>
            %get3A_623 = arith.index_cast %scan3A_539 : i32 to index
            %get3A_624 = arith.constant 64 : index
            %get3A_625 = tpu.vector_load %arg25[%get3A_623, %get3A_624] {strides = array<i32>} : memref<64x128xf32, #tpu.memory_space<vmem>>, vector<16xf32>,
            %add3A_626 = arith.addf %add3A_622, %get3A_625 : vector<16xf32>
            %swap3A_627 = arith.index_cast %scan3A_539 : i32 to index
            %swap3A_628 = arith.constant 64 : index
            %swap3A_629 = tpu.vector_load %arg22[%swap3A_627, %swap3A_628] {strides = array<i32>} : memref<64x128xf32, #tpu.memory_space<vmem>>, vector<16xf32>,
            tpu.vector_store %arg22[%swap3A_627, %swap3A_628], %add3A_626 {strides = array<i32>} : memref<64x128xf32, #tpu.memory_space<vmem>>, vector<16xf32>,
            %get3A_630 = arith.index_cast %scan3A_539 : i32 to index
            %get3A_631 = arith.constant 80 : index
            %get3A_632 = tpu.vector_load %arg22[%get3A_630, %get3A_631] {strides = array<i32>} : memref<64x128xf32, #tpu.memory_space<vmem>>, vector<16xf32>,
            %get3A_633 = arith.index_cast %scan3A_539 : i32 to index
            %get3A_634 = arith.constant 80 : index
            %get3A_635 = tpu.vector_load %arg23[%get3A_633, %get3A_634] {strides = array<i32>} : memref<64x128xf32, #tpu.memory_space<vmem>>, vector<16xf32>,
            %add3A_636 = arith.addf %get3A_632, %get3A_635 : vector<16xf32>
            %get3A_637 = arith.index_cast %scan3A_539 : i32 to index
            %get3A_638 = arith.constant 80 : index
            %get3A_639 = tpu.vector_load %arg24[%get3A_637, %get3A_638] {strides = array<i32>} : memref<64x128xf32, #tpu.memory_space<vmem>>, vector<16xf32>,
            %add3A_640 = arith.addf %add3A_636, %get3A_639 : vector<16xf32>
            %get3A_641 = arith.index_cast %scan3A_539 : i32 to index
            %get3A_642 = arith.constant 80 : index
            %get3A_643 = tpu.vector_load %arg25[%get3A_641, %get3A_642] {strides = array<i32>} : memref<64x128xf32, #tpu.memory_space<vmem>>, vector<16xf32>,
            %add3A_644 = arith.addf %add3A_640, %get3A_643 : vector<16xf32>
            %swap3A_645 = arith.index_cast %scan3A_539 : i32 to index
            %swap3A_646 = arith.constant 80 : index
            %swap3A_647 = tpu.vector_load %arg22[%swap3A_645, %swap3A_646] {strides = array<i32>} : memref<64x128xf32, #tpu.memory_space<vmem>>, vector<16xf32>,
            tpu.vector_store %arg22[%swap3A_645, %swap3A_646], %add3A_644 {strides = array<i32>} : memref<64x128xf32, #tpu.memory_space<vmem>>, vector<16xf32>,
            %get3A_648 = arith.index_cast %scan3A_539 : i32 to index
            %get3A_649 = arith.constant 96 : index
            %get3A_650 = tpu.vector_load %arg22[%get3A_648, %get3A_649] {strides = array<i32>} : memref<64x128xf32, #tpu.memory_space<vmem>>, vector<16xf32>,
            %get3A_651 = arith.index_cast %scan3A_539 : i32 to index
            %get3A_652 = arith.constant 96 : index
            %get3A_653 = tpu.vector_load %arg23[%get3A_651, %get3A_652] {strides = array<i32>} : memref<64x128xf32, #tpu.memory_space<vmem>>, vector<16xf32>,
            %add3A_654 = arith.addf %get3A_650, %get3A_653 : vector<16xf32>
            %get3A_655 = arith.index_cast %scan3A_539 : i32 to index
            %get3A_656 = arith.constant 96 : index
            %get3A_657 = tpu.vector_load %arg24[%get3A_655, %get3A_656] {strides = array<i32>} : memref<64x128xf32, #tpu.memory_space<vmem>>, vector<16xf32>,
            %add3A_658 = arith.addf %add3A_654, %get3A_657 : vector<16xf32>
            %get3A_659 = arith.index_cast %scan3A_539 : i32 to index
            %get3A_660 = arith.constant 96 : index
            %get3A_661 = tpu.vector_load %arg25[%get3A_659, %get3A_660] {strides = array<i32>} : memref<64x128xf32, #tpu.memory_space<vmem>>, vector<16xf32>,
            %add3A_662 = arith.addf %add3A_658, %get3A_661 : vector<16xf32>
            %swap3A_663 = arith.index_cast %scan3A_539 : i32 to index
            %swap3A_664 = arith.constant 96 : index
            %swap3A_665 = tpu.vector_load %arg22[%swap3A_663, %swap3A_664] {strides = array<i32>} : memref<64x128xf32, #tpu.memory_space<vmem>>, vector<16xf32>,
            tpu.vector_store %arg22[%swap3A_663, %swap3A_664], %add3A_662 {strides = array<i32>} : memref<64x128xf32, #tpu.memory_space<vmem>>, vector<16xf32>,
            %get3A_666 = arith.index_cast %scan3A_539 : i32 to index
            %get3A_667 = arith.constant 112 : index
            %get3A_668 = tpu.vector_load %arg22[%get3A_666, %get3A_667] {strides = array<i32>} : memref<64x128xf32, #tpu.memory_space<vmem>>, vector<16xf32>,
            %get3A_669 = arith.index_cast %scan3A_539 : i32 to index
            %get3A_670 = arith.constant 112 : index
            %get3A_671 = tpu.vector_load %arg23[%get3A_669, %get3A_670] {strides = array<i32>} : memref<64x128xf32, #tpu.memory_space<vmem>>, vector<16xf32>,
            %add3A_672 = arith.addf %get3A_668, %get3A_671 : vector<16xf32>
            %get3A_673 = arith.index_cast %scan3A_539 : i32 to index
            %get3A_674 = arith.constant 112 : index
            %get3A_675 = tpu.vector_load %arg24[%get3A_673, %get3A_674] {strides = array<i32>} : memref<64x128xf32, #tpu.memory_space<vmem>>, vector<16xf32>,
            %add3A_676 = arith.addf %add3A_672, %get3A_675 : vector<16xf32>
            %get3A_677 = arith.index_cast %scan3A_539 : i32 to index
            %get3A_678 = arith.constant 112 : index
            %get3A_679 = tpu.vector_load %arg25[%get3A_677, %get3A_678] {strides = array<i32>} : memref<64x128xf32, #tpu.memory_space<vmem>>, vector<16xf32>,
            %add3A_680 = arith.addf %add3A_676, %get3A_679 : vector<16xf32>
            %swap3A_681 = arith.index_cast %scan3A_539 : i32 to index
            %swap3A_682 = arith.constant 112 : index
            %swap3A_683 = tpu.vector_load %arg22[%swap3A_681, %swap3A_682] {strides = array<i32>} : memref<64x128xf32, #tpu.memory_space<vmem>>, vector<16xf32>,
            tpu.vector_store %arg22[%swap3A_681, %swap3A_682], %add3A_680 {strides = array<i32>} : memref<64x128xf32, #tpu.memory_space<vmem>>, vector<16xf32>,
            %scan3A_684 = arith.constant 0 : i32
            scf.yield %scan3A_684 : i32
          }
          %scan3A_538 = arith.constant 64 : i32
          "tpu.region"() ({
            %run_scoped3A = tpu.sem_alloc : memref<!tpu.dma_semaphore, #tpu.memory_space<semaphore_mem>>
            %dma_start3A_539 = arith.constant 0 : i32
            %dma_start3A_540 = tpu.memref_slice %arg8[%mul3A_332, %dma_start3A_539] : memref<160000x128xf32, #tpu.memory_space<hbm>> -> memref<64x128xf32, #tpu.memory_space<hbm>>
            %dma_start3A_541 = arith.constant 0 : i32
            %dma_start3A_542 = tpu.memref_slice %arg8[%mul3A_332, %dma_start3A_541] : memref<160000x128xf32, #tpu.memory_space<hbm>> -> memref<64x128xf32, #tpu.memory_space<hbm>>
            tpu.enqueue_dma source(%arg22 : memref<64x128xf32, #tpu.memory_space<vmem>>) target(%dma_start3A_542 : memref<64x128xf32, #tpu.memory_space<hbm>>) target_semaphore(%run_scoped3A : memref<!tpu.dma_semaphore, #tpu.memory_space<semaphore_mem>>)
            %dma_wait3A_543 = arith.constant 0 : i32
            %dma_wait3A_544 = tpu.memref_slice %arg8[%mul3A_332, %dma_wait3A_543] : memref<160000x128xf32, #tpu.memory_space<hbm>> -> memref<64x128xf32, #tpu.memory_space<hbm>>
            %dma_wait3A_545 = arith.constant 0 : i32
            %dma_wait3A_546 = tpu.memref_slice %arg8[%mul3A_332, %dma_wait3A_545] : memref<160000x128xf32, #tpu.memory_space<hbm>> -> memref<64x128xf32, #tpu.memory_space<hbm>>
            tpu.wait_dma2 semaphore(%run_scoped3A : memref<!tpu.dma_semaphore, #tpu.memory_space<semaphore_mem>>) src(%arg22 : memref<64x128xf32, #tpu.memory_space<vmem>>) dst(%dma_wait3A_546 : memref<64x128xf32, #tpu.memory_space<hbm>>)
            tpu.yield
          }) : () -> ()
        } else {
        }
        %add3A_88 = arith.constant 1 : i32
        %add3A_89 = arith.addi %mul3A_42, %add3A_88 : i32
        %mul3A_90 = arith.constant 32 : i32
        %mul3A_91 = arith.muli %mul3A_90, %add3A_89 : i32
        %add3A_92 = arith.addi %add3A, %mul3A_91 : i32
        %ge3A = arith.constant 2500 : i32
        %ge3A_93 = arith.cmpi sge, %add3A_92, %ge3A : i32
        %convert_element_type3A_94 = arith.extui %ge3A_93 : i1 to i32
        %cond3A_95 = arith.constant 0 : i32
        %cond3A_96 = arith.cmpi ne, %convert_element_type3A_94, %cond3A_95 : i32
        scf.if %cond3A_96 {
          %mul3A_97 = arith.constant 32 : i32
          %mul3A_98 = arith.muli %mul3A_97, %mul3A_42 : i32
          %add3A_99 = arith.addi %add3A, %mul3A_98 : i32
          %mul3A_100 = arith.constant 64 : i32
          %mul3A_101 = arith.muli %add3A_99, %mul3A_100 : i32
          %iota3A = tpu.iota {dimensions = array<i32: 0>} : vector<16xi32>
          %get3A = arith.constant 0 : index
          %get3A_102 = tpu.vector_load %arg10[%get3A] {strides = array<i32>} : memref<64xi32, #tpu.memory_space<vmem>>, vector<16xi32>,
          %get3A_103 = arith.constant 0 : index
          %get3A_104 = tpu.vector_load %arg12[%get3A_103] {strides = array<i32>} : memref<64xi32, #tpu.memory_space<vmem>>, vector<16xi32>,
          %add3A_105 = arith.constant 0 : i32
          %add3A_106 = vector.broadcast %add3A_105 : i32 to vector<16xi32>
          %add3A_107 = arith.addi %iota3A, %add3A_106 : vector<16xi32>
          %mul3A_108 = arith.constant 16 : i32
          %mul3A_109 = vector.broadcast %mul3A_108 : i32 to vector<16xi32>
          %mul3A_110 = arith.muli %add3A_107, %mul3A_109 : vector<16xi32>
          %add3A_111 = arith.constant 0 : i32
          %add3A_112 = vector.broadcast %add3A_111 : i32 to vector<16xi32>
          %add3A_113 = arith.addi %get3A_102, %add3A_112 : vector<16xi32>
          %gather3A = tpu.vector_load_idx %arg26[%add3A_113] : memref<30000xf32, #tpu.memory_space<vmem>>[vector<16xi32>], vector<16xf32>,
          %add3A_114 = arith.constant 0 : i32
          %add3A_115 = vector.broadcast %add3A_114 : i32 to vector<16xi32>
          %add3A_116 = arith.addi %get3A_104, %add3A_115 : vector<16xi32>
          %gather3A_117 = tpu.vector_load_idx %arg26[%add3A_116] : memref<30000xf32, #tpu.memory_space<vmem>>[vector<16xi32>], vector<16xf32>,
          %add3A_118 = arith.constant 0 : i32
          %add3A_119 = vector.broadcast %add3A_118 : i32 to vector<16xi32>
          %add3A_120 = arith.addi %mul3A_110, %add3A_119 : vector<16xi32>
          %sub3A = arith.subf %gather3A, %gather3A_117 : vector<16xf32>
          tpu.vector_store_idx %arg27[%add3A_120], %sub3A : memref<1024xf32, #tpu.memory_space<vmem>>[vector<16xi32>], vector<16xf32>,
          %add3A_121 = arith.constant 10000 : i32
          %add3A_122 = vector.broadcast %add3A_121 : i32 to vector<16xi32>
          %add3A_123 = arith.addi %get3A_102, %add3A_122 : vector<16xi32>
          %gather3A_124 = tpu.vector_load_idx %arg26[%add3A_123] : memref<30000xf32, #tpu.memory_space<vmem>>[vector<16xi32>], vector<16xf32>,
          %add3A_125 = arith.constant 10000 : i32
          %add3A_126 = vector.broadcast %add3A_125 : i32 to vector<16xi32>
          %add3A_127 = arith.addi %get3A_104, %add3A_126 : vector<16xi32>
          %gather3A_128 = tpu.vector_load_idx %arg26[%add3A_127] : memref<30000xf32, #tpu.memory_space<vmem>>[vector<16xi32>], vector<16xf32>,
          %add3A_129 = arith.constant 1 : i32
          %add3A_130 = vector.broadcast %add3A_129 : i32 to vector<16xi32>
          %add3A_131 = arith.addi %mul3A_110, %add3A_130 : vector<16xi32>
          %sub3A_132 = arith.subf %gather3A_124, %gather3A_128 : vector<16xf32>
          tpu.vector_store_idx %arg27[%add3A_131], %sub3A_132 : memref<1024xf32, #tpu.memory_space<vmem>>[vector<16xi32>], vector<16xf32>,
          %add3A_133 = arith.constant 20000 : i32
          %add3A_134 = vector.broadcast %add3A_133 : i32 to vector<16xi32>
          %add3A_135 = arith.addi %get3A_102, %add3A_134 : vector<16xi32>
          %gather3A_136 = tpu.vector_load_idx %arg26[%add3A_135] : memref<30000xf32, #tpu.memory_space<vmem>>[vector<16xi32>], vector<16xf32>,
          %add3A_137 = arith.constant 20000 : i32
          %add3A_138 = vector.broadcast %add3A_137 : i32 to vector<16xi32>
          %add3A_139 = arith.addi %get3A_104, %add3A_138 : vector<16xi32>
          %gather3A_140 = tpu.vector_load_idx %arg26[%add3A_139] : memref<30000xf32, #tpu.memory_space<vmem>>[vector<16xi32>], vector<16xf32>,
          %add3A_141 = arith.constant 2 : i32
          %add3A_142 = vector.broadcast %add3A_141 : i32 to vector<16xi32>
          %add3A_143 = arith.addi %mul3A_110, %add3A_142 : vector<16xi32>
          %sub3A_144 = arith.subf %gather3A_136, %gather3A_140 : vector<16xf32>
          tpu.vector_store_idx %arg27[%add3A_143], %sub3A_144 : memref<1024xf32, #tpu.memory_space<vmem>>[vector<16xi32>], vector<16xf32>,
          %get3A_145 = arith.constant 16 : index
          %get3A_146 = tpu.vector_load %arg10[%get3A_145] {strides = array<i32>} : memref<64xi32, #tpu.memory_space<vmem>>, vector<16xi32>,
          %get3A_147 = arith.constant 16 : index
          %get3A_148 = tpu.vector_load %arg12[%get3A_147] {strides = array<i32>} : memref<64xi32, #tpu.memory_space<vmem>>, vector<16xi32>,
          %add3A_149 = arith.constant 16 : i32
          %add3A_150 = vector.broadcast %add3A_149 : i32 to vector<16xi32>
          %add3A_151 = arith.addi %iota3A, %add3A_150 : vector<16xi32>
          %mul3A_152 = arith.constant 16 : i32
          %mul3A_153 = vector.broadcast %mul3A_152 : i32 to vector<16xi32>
          %mul3A_154 = arith.muli %add3A_151, %mul3A_153 : vector<16xi32>
          %add3A_155 = arith.constant 0 : i32
          %add3A_156 = vector.broadcast %add3A_155 : i32 to vector<16xi32>
          %add3A_157 = arith.addi %get3A_146, %add3A_156 : vector<16xi32>
          %gather3A_158 = tpu.vector_load_idx %arg26[%add3A_157] : memref<30000xf32, #tpu.memory_space<vmem>>[vector<16xi32>], vector<16xf32>,
          %add3A_159 = arith.constant 0 : i32
          %add3A_160 = vector.broadcast %add3A_159 : i32 to vector<16xi32>
          %add3A_161 = arith.addi %get3A_148, %add3A_160 : vector<16xi32>
          %gather3A_162 = tpu.vector_load_idx %arg26[%add3A_161] : memref<30000xf32, #tpu.memory_space<vmem>>[vector<16xi32>], vector<16xf32>,
          %add3A_163 = arith.constant 0 : i32
          %add3A_164 = vector.broadcast %add3A_163 : i32 to vector<16xi32>
          %add3A_165 = arith.addi %mul3A_154, %add3A_164 : vector<16xi32>
          %sub3A_166 = arith.subf %gather3A_158, %gather3A_162 : vector<16xf32>
          tpu.vector_store_idx %arg27[%add3A_165], %sub3A_166 : memref<1024xf32, #tpu.memory_space<vmem>>[vector<16xi32>], vector<16xf32>,
          %add3A_167 = arith.constant 10000 : i32
          %add3A_168 = vector.broadcast %add3A_167 : i32 to vector<16xi32>
          %add3A_169 = arith.addi %get3A_146, %add3A_168 : vector<16xi32>
          %gather3A_170 = tpu.vector_load_idx %arg26[%add3A_169] : memref<30000xf32, #tpu.memory_space<vmem>>[vector<16xi32>], vector<16xf32>,
          %add3A_171 = arith.constant 10000 : i32
          %add3A_172 = vector.broadcast %add3A_171 : i32 to vector<16xi32>
          %add3A_173 = arith.addi %get3A_148, %add3A_172 : vector<16xi32>
          %gather3A_174 = tpu.vector_load_idx %arg26[%add3A_173] : memref<30000xf32, #tpu.memory_space<vmem>>[vector<16xi32>], vector<16xf32>,
          %add3A_175 = arith.constant 1 : i32
          %add3A_176 = vector.broadcast %add3A_175 : i32 to vector<16xi32>
          %add3A_177 = arith.addi %mul3A_154, %add3A_176 : vector<16xi32>
          %sub3A_178 = arith.subf %gather3A_170, %gather3A_174 : vector<16xf32>
          tpu.vector_store_idx %arg27[%add3A_177], %sub3A_178 : memref<1024xf32, #tpu.memory_space<vmem>>[vector<16xi32>], vector<16xf32>,
          %add3A_179 = arith.constant 20000 : i32
          %add3A_180 = vector.broadcast %add3A_179 : i32 to vector<16xi32>
          %add3A_181 = arith.addi %get3A_146, %add3A_180 : vector<16xi32>
          %gather3A_182 = tpu.vector_load_idx %arg26[%add3A_181] : memref<30000xf32, #tpu.memory_space<vmem>>[vector<16xi32>], vector<16xf32>,
          %add3A_183 = arith.constant 20000 : i32
          %add3A_184 = vector.broadcast %add3A_183 : i32 to vector<16xi32>
          %add3A_185 = arith.addi %get3A_148, %add3A_184 : vector<16xi32>
          %gather3A_186 = tpu.vector_load_idx %arg26[%add3A_185] : memref<30000xf32, #tpu.memory_space<vmem>>[vector<16xi32>], vector<16xf32>,
          %add3A_187 = arith.constant 2 : i32
          %add3A_188 = vector.broadcast %add3A_187 : i32 to vector<16xi32>
          %add3A_189 = arith.addi %mul3A_154, %add3A_188 : vector<16xi32>
          %sub3A_190 = arith.subf %gather3A_182, %gather3A_186 : vector<16xf32>
          tpu.vector_store_idx %arg27[%add3A_189], %sub3A_190 : memref<1024xf32, #tpu.memory_space<vmem>>[vector<16xi32>], vector<16xf32>,
          %get3A_191 = arith.constant 32 : index
          %get3A_192 = tpu.vector_load %arg10[%get3A_191] {strides = array<i32>} : memref<64xi32, #tpu.memory_space<vmem>>, vector<16xi32>,
          %get3A_193 = arith.constant 32 : index
          %get3A_194 = tpu.vector_load %arg12[%get3A_193] {strides = array<i32>} : memref<64xi32, #tpu.memory_space<vmem>>, vector<16xi32>,
          %add3A_195 = arith.constant 32 : i32
          %add3A_196 = vector.broadcast %add3A_195 : i32 to vector<16xi32>
          %add3A_197 = arith.addi %iota3A, %add3A_196 : vector<16xi32>
          %mul3A_198 = arith.constant 16 : i32
          %mul3A_199 = vector.broadcast %mul3A_198 : i32 to vector<16xi32>
          %mul3A_200 = arith.muli %add3A_197, %mul3A_199 : vector<16xi32>
          %add3A_201 = arith.constant 0 : i32
          %add3A_202 = vector.broadcast %add3A_201 : i32 to vector<16xi32>
          %add3A_203 = arith.addi %get3A_192, %add3A_202 : vector<16xi32>
          %gather3A_204 = tpu.vector_load_idx %arg26[%add3A_203] : memref<30000xf32, #tpu.memory_space<vmem>>[vector<16xi32>], vector<16xf32>,
          %add3A_205 = arith.constant 0 : i32
          %add3A_206 = vector.broadcast %add3A_205 : i32 to vector<16xi32>
          %add3A_207 = arith.addi %get3A_194, %add3A_206 : vector<16xi32>
          %gather3A_208 = tpu.vector_load_idx %arg26[%add3A_207] : memref<30000xf32, #tpu.memory_space<vmem>>[vector<16xi32>], vector<16xf32>,
          %add3A_209 = arith.constant 0 : i32
          %add3A_210 = vector.broadcast %add3A_209 : i32 to vector<16xi32>
          %add3A_211 = arith.addi %mul3A_200, %add3A_210 : vector<16xi32>
          %sub3A_212 = arith.subf %gather3A_204, %gather3A_208 : vector<16xf32>
          tpu.vector_store_idx %arg27[%add3A_211], %sub3A_212 : memref<1024xf32, #tpu.memory_space<vmem>>[vector<16xi32>], vector<16xf32>,
          %add3A_213 = arith.constant 10000 : i32
          %add3A_214 = vector.broadcast %add3A_213 : i32 to vector<16xi32>
          %add3A_215 = arith.addi %get3A_192, %add3A_214 : vector<16xi32>
          %gather3A_216 = tpu.vector_load_idx %arg26[%add3A_215] : memref<30000xf32, #tpu.memory_space<vmem>>[vector<16xi32>], vector<16xf32>,
          %add3A_217 = arith.constant 10000 : i32
          %add3A_218 = vector.broadcast %add3A_217 : i32 to vector<16xi32>
          %add3A_219 = arith.addi %get3A_194, %add3A_218 : vector<16xi32>
          %gather3A_220 = tpu.vector_load_idx %arg26[%add3A_219] : memref<30000xf32, #tpu.memory_space<vmem>>[vector<16xi32>], vector<16xf32>,
          %add3A_221 = arith.constant 1 : i32
          %add3A_222 = vector.broadcast %add3A_221 : i32 to vector<16xi32>
          %add3A_223 = arith.addi %mul3A_200, %add3A_222 : vector<16xi32>
          %sub3A_224 = arith.subf %gather3A_216, %gather3A_220 : vector<16xf32>
          tpu.vector_store_idx %arg27[%add3A_223], %sub3A_224 : memref<1024xf32, #tpu.memory_space<vmem>>[vector<16xi32>], vector<16xf32>,
          %add3A_225 = arith.constant 20000 : i32
          %add3A_226 = vector.broadcast %add3A_225 : i32 to vector<16xi32>
          %add3A_227 = arith.addi %get3A_192, %add3A_226 : vector<16xi32>
          %gather3A_228 = tpu.vector_load_idx %arg26[%add3A_227] : memref<30000xf32, #tpu.memory_space<vmem>>[vector<16xi32>], vector<16xf32>,
          %add3A_229 = arith.constant 20000 : i32
          %add3A_230 = vector.broadcast %add3A_229 : i32 to vector<16xi32>
          %add3A_231 = arith.addi %get3A_194, %add3A_230 : vector<16xi32>
          %gather3A_232 = tpu.vector_load_idx %arg26[%add3A_231] : memref<30000xf32, #tpu.memory_space<vmem>>[vector<16xi32>], vector<16xf32>,
          %add3A_233 = arith.constant 2 : i32
          %add3A_234 = vector.broadcast %add3A_233 : i32 to vector<16xi32>
          %add3A_235 = arith.addi %mul3A_200, %add3A_234 : vector<16xi32>
          %sub3A_236 = arith.subf %gather3A_228, %gather3A_232 : vector<16xf32>
          tpu.vector_store_idx %arg27[%add3A_235], %sub3A_236 : memref<1024xf32, #tpu.memory_space<vmem>>[vector<16xi32>], vector<16xf32>,
          %get3A_237 = arith.constant 48 : index
          %get3A_238 = tpu.vector_load %arg10[%get3A_237] {strides = array<i32>} : memref<64xi32, #tpu.memory_space<vmem>>, vector<16xi32>,
          %get3A_239 = arith.constant 48 : index
          %get3A_240 = tpu.vector_load %arg12[%get3A_239] {strides = array<i32>} : memref<64xi32, #tpu.memory_space<vmem>>, vector<16xi32>,
          %add3A_241 = arith.constant 48 : i32
          %add3A_242 = vector.broadcast %add3A_241 : i32 to vector<16xi32>
          %add3A_243 = arith.addi %iota3A, %add3A_242 : vector<16xi32>
          %mul3A_244 = arith.constant 16 : i32
          %mul3A_245 = vector.broadcast %mul3A_244 : i32 to vector<16xi32>
          %mul3A_246 = arith.muli %add3A_243, %mul3A_245 : vector<16xi32>
          %add3A_247 = arith.constant 0 : i32
          %add3A_248 = vector.broadcast %add3A_247 : i32 to vector<16xi32>
          %add3A_249 = arith.addi %get3A_238, %add3A_248 : vector<16xi32>
          %gather3A_250 = tpu.vector_load_idx %arg26[%add3A_249] : memref<30000xf32, #tpu.memory_space<vmem>>[vector<16xi32>], vector<16xf32>,
          %add3A_251 = arith.constant 0 : i32
          %add3A_252 = vector.broadcast %add3A_251 : i32 to vector<16xi32>
          %add3A_253 = arith.addi %get3A_240, %add3A_252 : vector<16xi32>
          %gather3A_254 = tpu.vector_load_idx %arg26[%add3A_253] : memref<30000xf32, #tpu.memory_space<vmem>>[vector<16xi32>], vector<16xf32>,
          %add3A_255 = arith.constant 0 : i32
          %add3A_256 = vector.broadcast %add3A_255 : i32 to vector<16xi32>
          %add3A_257 = arith.addi %mul3A_246, %add3A_256 : vector<16xi32>
          %sub3A_258 = arith.subf %gather3A_250, %gather3A_254 : vector<16xf32>
          tpu.vector_store_idx %arg27[%add3A_257], %sub3A_258 : memref<1024xf32, #tpu.memory_space<vmem>>[vector<16xi32>], vector<16xf32>,
          %add3A_259 = arith.constant 10000 : i32
          %add3A_260 = vector.broadcast %add3A_259 : i32 to vector<16xi32>
          %add3A_261 = arith.addi %get3A_238, %add3A_260 : vector<16xi32>
          %gather3A_262 = tpu.vector_load_idx %arg26[%add3A_261] : memref<30000xf32, #tpu.memory_space<vmem>>[vector<16xi32>], vector<16xf32>,
          %add3A_263 = arith.constant 10000 : i32
          %add3A_264 = vector.broadcast %add3A_263 : i32 to vector<16xi32>
          %add3A_265 = arith.addi %get3A_240, %add3A_264 : vector<16xi32>
          %gather3A_266 = tpu.vector_load_idx %arg26[%add3A_265] : memref<30000xf32, #tpu.memory_space<vmem>>[vector<16xi32>], vector<16xf32>,
          %add3A_267 = arith.constant 1 : i32
          %add3A_268 = vector.broadcast %add3A_267 : i32 to vector<16xi32>
          %add3A_269 = arith.addi %mul3A_246, %add3A_268 : vector<16xi32>
          %sub3A_270 = arith.subf %gather3A_262, %gather3A_266 : vector<16xf32>
          tpu.vector_store_idx %arg27[%add3A_269], %sub3A_270 : memref<1024xf32, #tpu.memory_space<vmem>>[vector<16xi32>], vector<16xf32>,
          %add3A_271 = arith.constant 20000 : i32
          %add3A_272 = vector.broadcast %add3A_271 : i32 to vector<16xi32>
          %add3A_273 = arith.addi %get3A_238, %add3A_272 : vector<16xi32>
          %gather3A_274 = tpu.vector_load_idx %arg26[%add3A_273] : memref<30000xf32, #tpu.memory_space<vmem>>[vector<16xi32>], vector<16xf32>,
          %add3A_275 = arith.constant 20000 : i32
          %add3A_276 = vector.broadcast %add3A_275 : i32 to vector<16xi32>
          %add3A_277 = arith.addi %get3A_240, %add3A_276 : vector<16xi32>
          %gather3A_278 = tpu.vector_load_idx %arg26[%add3A_277] : memref<30000xf32, #tpu.memory_space<vmem>>[vector<16xi32>], vector<16xf32>,
          %add3A_279 = arith.constant 2 : i32
          %add3A_280 = vector.broadcast %add3A_279 : i32 to vector<16xi32>
          %add3A_281 = arith.addi %mul3A_246, %add3A_280 : vector<16xi32>
          %sub3A_282 = arith.subf %gather3A_274, %gather3A_278 : vector<16xf32>
          tpu.vector_store_idx %arg27[%add3A_281], %sub3A_282 : memref<1024xf32, #tpu.memory_space<vmem>>[vector<16xi32>], vector<16xf32>,
          %mul3A_283 = arith.constant 16 : i32
          %mul3A_284 = arith.muli %mul3A_101, %mul3A_283 : i32
          "tpu.region"() ({
            %run_scoped3A = tpu.sem_alloc : memref<!tpu.dma_semaphore, #tpu.memory_space<semaphore_mem>>
            %dma_start3A_304 = tpu.memref_slice %arg9[%mul3A_284] : memref<2560000xf32, #tpu.memory_space<hbm>> -> memref<1024xf32, #tpu.memory_space<hbm>>
            %dma_start3A_305 = tpu.memref_slice %arg9[%mul3A_284] : memref<2560000xf32, #tpu.memory_space<hbm>> -> memref<1024xf32, #tpu.memory_space<hbm>>
            tpu.enqueue_dma source(%arg27 : memref<1024xf32, #tpu.memory_space<vmem>>) target(%dma_start3A_305 : memref<1024xf32, #tpu.memory_space<hbm>>) target_semaphore(%run_scoped3A : memref<!tpu.dma_semaphore, #tpu.memory_space<semaphore_mem>>)
            %dma_wait3A_306 = tpu.memref_slice %arg9[%mul3A_284] : memref<2560000xf32, #tpu.memory_space<hbm>> -> memref<1024xf32, #tpu.memory_space<hbm>>
            %dma_wait3A_307 = tpu.memref_slice %arg9[%mul3A_284] : memref<2560000xf32, #tpu.memory_space<hbm>> -> memref<1024xf32, #tpu.memory_space<hbm>>
            tpu.wait_dma2 semaphore(%run_scoped3A : memref<!tpu.dma_semaphore, #tpu.memory_space<semaphore_mem>>) src(%arg27 : memref<1024xf32, #tpu.memory_space<vmem>>) dst(%dma_wait3A_307 : memref<1024xf32, #tpu.memory_space<hbm>>)
            tpu.yield
          }) : () -> ()
          %dma_wait3A_285 = arith.constant 0 : i32
          %dma_wait3A_286 = arith.constant 0 : i32
          %dma_wait3A_287 = tpu.memref_slice %arg2[%dma_wait3A_285, %dma_wait3A_286] : memref<10000x128xf32, #tpu.memory_space<hbm>> -> memref<10000x128xf32, #tpu.memory_space<hbm>>
          tpu.wait_indirect_dma semaphore(%arg28 : memref<!tpu.dma_semaphore, #tpu.memory_space<semaphore_mem>>) src(%dma_wait3A_287 : memref<10000x128xf32, #tpu.memory_space<hbm>>) dst(%arg14 : memref<64x128xf32, #tpu.memory_space<vmem>>)
          %dma_wait3A_288 = arith.constant 0 : i32
          %dma_wait3A_289 = arith.constant 0 : i32
          %dma_wait3A_290 = tpu.memref_slice %arg3[%dma_wait3A_288, %dma_wait3A_289] : memref<10000x128xf32, #tpu.memory_space<hbm>> -> memref<10000x128xf32, #tpu.memory_space<hbm>>
          tpu.wait_indirect_dma semaphore(%arg28 : memref<!tpu.dma_semaphore, #tpu.memory_space<semaphore_mem>>) src(%dma_wait3A_290 : memref<10000x128xf32, #tpu.memory_space<hbm>>) dst(%arg15 : memref<64x128xf32, #tpu.memory_space<vmem>>)
          %dma_wait3A_291 = arith.constant 0 : i32
          %dma_wait3A_292 = arith.constant 0 : i32
          %dma_wait3A_293 = tpu.memref_slice %arg4[%dma_wait3A_291, %dma_wait3A_292] : memref<10000x128xf32, #tpu.memory_space<hbm>> -> memref<10000x128xf32, #tpu.memory_space<hbm>>
          tpu.wait_indirect_dma semaphore(%arg28 : memref<!tpu.dma_semaphore, #tpu.memory_space<semaphore_mem>>) src(%dma_wait3A_293 : memref<10000x128xf32, #tpu.memory_space<hbm>>) dst(%arg16 : memref<64x128xf32, #tpu.memory_space<vmem>>)
          %dma_wait3A_294 = arith.constant 0 : i32
          %dma_wait3A_295 = arith.constant 0 : i32
          %dma_wait3A_296 = tpu.memref_slice %arg5[%dma_wait3A_294, %dma_wait3A_295] : memref<10000x128xf32, #tpu.memory_space<hbm>> -> memref<10000x128xf32, #tpu.memory_space<hbm>>
          tpu.wait_indirect_dma semaphore(%arg28 : memref<!tpu.dma_semaphore, #tpu.memory_space<semaphore_mem>>) src(%dma_wait3A_296 : memref<10000x128xf32, #tpu.memory_space<hbm>>) dst(%arg17 : memref<64x128xf32, #tpu.memory_space<vmem>>)
          %scan3A_297 = arith.constant 0 : i32
          %scan3A_298 = arith.constant 0 : i32
          %scan3A_299 = arith.constant 64 : i32
          %scan3A_300 = arith.addi %scan3A_298, %scan3A_299 : i32
          %scan3A_301 = arith.constant 1 : i32
          %scan3A_302 = scf.for %scan3A_304 = %scan3A_298 to %scan3A_300 step %scan3A_301 iter_args(%scan3A_305 = %scan3A_297) -> (i32)  : i32 {
            %get3A_306 = arith.index_cast %scan3A_304 : i32 to index
            %get3A_307 = arith.constant 0 : index
            %get3A_308 = tpu.vector_load %arg14[%get3A_306, %get3A_307] {strides = array<i32>} : memref<64x128xf32, #tpu.memory_space<vmem>>, vector<16xf32>,
            %get3A_309 = arith.index_cast %scan3A_304 : i32 to index
            %get3A_310 = arith.constant 0 : index
            %get3A_311 = tpu.vector_load %arg15[%get3A_309, %get3A_310] {strides = array<i32>} : memref<64x128xf32, #tpu.memory_space<vmem>>, vector<16xf32>,
            %add3A_312 = arith.addf %get3A_308, %get3A_311 : vector<16xf32>
            %get3A_313 = arith.index_cast %scan3A_304 : i32 to index
            %get3A_314 = arith.constant 0 : index
            %get3A_315 = tpu.vector_load %arg16[%get3A_313, %get3A_314] {strides = array<i32>} : memref<64x128xf32, #tpu.memory_space<vmem>>, vector<16xf32>,
            %add3A_316 = arith.addf %add3A_312, %get3A_315 : vector<16xf32>
            %get3A_317 = arith.index_cast %scan3A_304 : i32 to index
            %get3A_318 = arith.constant 0 : index
            %get3A_319 = tpu.vector_load %arg17[%get3A_317, %get3A_318] {strides = array<i32>} : memref<64x128xf32, #tpu.memory_space<vmem>>, vector<16xf32>,
            %add3A_320 = arith.addf %add3A_316, %get3A_319 : vector<16xf32>
            %swap3A = arith.index_cast %scan3A_304 : i32 to index
            %swap3A_321 = arith.constant 0 : index
            %swap3A_322 = tpu.vector_load %arg14[%swap3A, %swap3A_321] {strides = array<i32>} : memref<64x128xf32, #tpu.memory_space<vmem>>, vector<16xf32>,
            tpu.vector_store %arg14[%swap3A, %swap3A_321], %add3A_320 {strides = array<i32>} : memref<64x128xf32, #tpu.memory_space<vmem>>, vector<16xf32>,
            %get3A_323 = arith.index_cast %scan3A_304 : i32 to index
            %get3A_324 = arith.constant 16 : index
            %get3A_325 = tpu.vector_load %arg14[%get3A_323, %get3A_324] {strides = array<i32>} : memref<64x128xf32, #tpu.memory_space<vmem>>, vector<16xf32>,
            %get3A_326 = arith.index_cast %scan3A_304 : i32 to index
            %get3A_327 = arith.constant 16 : index
            %get3A_328 = tpu.vector_load %arg15[%get3A_326, %get3A_327] {strides = array<i32>} : memref<64x128xf32, #tpu.memory_space<vmem>>, vector<16xf32>,
            %add3A_329 = arith.addf %get3A_325, %get3A_328 : vector<16xf32>
            %get3A_330 = arith.index_cast %scan3A_304 : i32 to index
            %get3A_331 = arith.constant 16 : index
            %get3A_332 = tpu.vector_load %arg16[%get3A_330, %get3A_331] {strides = array<i32>} : memref<64x128xf32, #tpu.memory_space<vmem>>, vector<16xf32>,
            %add3A_333 = arith.addf %add3A_329, %get3A_332 : vector<16xf32>
            %get3A_334 = arith.index_cast %scan3A_304 : i32 to index
            %get3A_335 = arith.constant 16 : index
            %get3A_336 = tpu.vector_load %arg17[%get3A_334, %get3A_335] {strides = array<i32>} : memref<64x128xf32, #tpu.memory_space<vmem>>, vector<16xf32>,
            %add3A_337 = arith.addf %add3A_333, %get3A_336 : vector<16xf32>
            %swap3A_338 = arith.index_cast %scan3A_304 : i32 to index
            %swap3A_339 = arith.constant 16 : index
            %swap3A_340 = tpu.vector_load %arg14[%swap3A_338, %swap3A_339] {strides = array<i32>} : memref<64x128xf32, #tpu.memory_space<vmem>>, vector<16xf32>,
            tpu.vector_store %arg14[%swap3A_338, %swap3A_339], %add3A_337 {strides = array<i32>} : memref<64x128xf32, #tpu.memory_space<vmem>>, vector<16xf32>,
            %get3A_341 = arith.index_cast %scan3A_304 : i32 to index
            %get3A_342 = arith.constant 32 : index
            %get3A_343 = tpu.vector_load %arg14[%get3A_341, %get3A_342] {strides = array<i32>} : memref<64x128xf32, #tpu.memory_space<vmem>>, vector<16xf32>,
            %get3A_344 = arith.index_cast %scan3A_304 : i32 to index
            %get3A_345 = arith.constant 32 : index
            %get3A_346 = tpu.vector_load %arg15[%get3A_344, %get3A_345] {strides = array<i32>} : memref<64x128xf32, #tpu.memory_space<vmem>>, vector<16xf32>,
            %add3A_347 = arith.addf %get3A_343, %get3A_346 : vector<16xf32>
            %get3A_348 = arith.index_cast %scan3A_304 : i32 to index
            %get3A_349 = arith.constant 32 : index
            %get3A_350 = tpu.vector_load %arg16[%get3A_348, %get3A_349] {strides = array<i32>} : memref<64x128xf32, #tpu.memory_space<vmem>>, vector<16xf32>,
            %add3A_351 = arith.addf %add3A_347, %get3A_350 : vector<16xf32>
            %get3A_352 = arith.index_cast %scan3A_304 : i32 to index
            %get3A_353 = arith.constant 32 : index
            %get3A_354 = tpu.vector_load %arg17[%get3A_352, %get3A_353] {strides = array<i32>} : memref<64x128xf32, #tpu.memory_space<vmem>>, vector<16xf32>,
            %add3A_355 = arith.addf %add3A_351, %get3A_354 : vector<16xf32>
            %swap3A_356 = arith.index_cast %scan3A_304 : i32 to index
            %swap3A_357 = arith.constant 32 : index
            %swap3A_358 = tpu.vector_load %arg14[%swap3A_356, %swap3A_357] {strides = array<i32>} : memref<64x128xf32, #tpu.memory_space<vmem>>, vector<16xf32>,
            tpu.vector_store %arg14[%swap3A_356, %swap3A_357], %add3A_355 {strides = array<i32>} : memref<64x128xf32, #tpu.memory_space<vmem>>, vector<16xf32>,
            %get3A_359 = arith.index_cast %scan3A_304 : i32 to index
            %get3A_360 = arith.constant 48 : index
            %get3A_361 = tpu.vector_load %arg14[%get3A_359, %get3A_360] {strides = array<i32>} : memref<64x128xf32, #tpu.memory_space<vmem>>, vector<16xf32>,
            %get3A_362 = arith.index_cast %scan3A_304 : i32 to index
            %get3A_363 = arith.constant 48 : index
            %get3A_364 = tpu.vector_load %arg15[%get3A_362, %get3A_363] {strides = array<i32>} : memref<64x128xf32, #tpu.memory_space<vmem>>, vector<16xf32>,
            %add3A_365 = arith.addf %get3A_361, %get3A_364 : vector<16xf32>
            %get3A_366 = arith.index_cast %scan3A_304 : i32 to index
            %get3A_367 = arith.constant 48 : index
            %get3A_368 = tpu.vector_load %arg16[%get3A_366, %get3A_367] {strides = array<i32>} : memref<64x128xf32, #tpu.memory_space<vmem>>, vector<16xf32>,
            %add3A_369 = arith.addf %add3A_365, %get3A_368 : vector<16xf32>
            %get3A_370 = arith.index_cast %scan3A_304 : i32 to index
            %get3A_371 = arith.constant 48 : index
            %get3A_372 = tpu.vector_load %arg17[%get3A_370, %get3A_371] {strides = array<i32>} : memref<64x128xf32, #tpu.memory_space<vmem>>, vector<16xf32>,
            %add3A_373 = arith.addf %add3A_369, %get3A_372 : vector<16xf32>
            %swap3A_374 = arith.index_cast %scan3A_304 : i32 to index
            %swap3A_375 = arith.constant 48 : index
            %swap3A_376 = tpu.vector_load %arg14[%swap3A_374, %swap3A_375] {strides = array<i32>} : memref<64x128xf32, #tpu.memory_space<vmem>>, vector<16xf32>,
            tpu.vector_store %arg14[%swap3A_374, %swap3A_375], %add3A_373 {strides = array<i32>} : memref<64x128xf32, #tpu.memory_space<vmem>>, vector<16xf32>,
            %get3A_377 = arith.index_cast %scan3A_304 : i32 to index
            %get3A_378 = arith.constant 64 : index
            %get3A_379 = tpu.vector_load %arg14[%get3A_377, %get3A_378] {strides = array<i32>} : memref<64x128xf32, #tpu.memory_space<vmem>>, vector<16xf32>,
            %get3A_380 = arith.index_cast %scan3A_304 : i32 to index
            %get3A_381 = arith.constant 64 : index
            %get3A_382 = tpu.vector_load %arg15[%get3A_380, %get3A_381] {strides = array<i32>} : memref<64x128xf32, #tpu.memory_space<vmem>>, vector<16xf32>,
            %add3A_383 = arith.addf %get3A_379, %get3A_382 : vector<16xf32>
            %get3A_384 = arith.index_cast %scan3A_304 : i32 to index
            %get3A_385 = arith.constant 64 : index
            %get3A_386 = tpu.vector_load %arg16[%get3A_384, %get3A_385] {strides = array<i32>} : memref<64x128xf32, #tpu.memory_space<vmem>>, vector<16xf32>,
            %add3A_387 = arith.addf %add3A_383, %get3A_386 : vector<16xf32>
            %get3A_388 = arith.index_cast %scan3A_304 : i32 to index
            %get3A_389 = arith.constant 64 : index
            %get3A_390 = tpu.vector_load %arg17[%get3A_388, %get3A_389] {strides = array<i32>} : memref<64x128xf32, #tpu.memory_space<vmem>>, vector<16xf32>,
            %add3A_391 = arith.addf %add3A_387, %get3A_390 : vector<16xf32>
            %swap3A_392 = arith.index_cast %scan3A_304 : i32 to index
            %swap3A_393 = arith.constant 64 : index
            %swap3A_394 = tpu.vector_load %arg14[%swap3A_392, %swap3A_393] {strides = array<i32>} : memref<64x128xf32, #tpu.memory_space<vmem>>, vector<16xf32>,
            tpu.vector_store %arg14[%swap3A_392, %swap3A_393], %add3A_391 {strides = array<i32>} : memref<64x128xf32, #tpu.memory_space<vmem>>, vector<16xf32>,
            %get3A_395 = arith.index_cast %scan3A_304 : i32 to index
            %get3A_396 = arith.constant 80 : index
            %get3A_397 = tpu.vector_load %arg14[%get3A_395, %get3A_396] {strides = array<i32>} : memref<64x128xf32, #tpu.memory_space<vmem>>, vector<16xf32>,
            %get3A_398 = arith.index_cast %scan3A_304 : i32 to index
            %get3A_399 = arith.constant 80 : index
            %get3A_400 = tpu.vector_load %arg15[%get3A_398, %get3A_399] {strides = array<i32>} : memref<64x128xf32, #tpu.memory_space<vmem>>, vector<16xf32>,
            %add3A_401 = arith.addf %get3A_397, %get3A_400 : vector<16xf32>
            %get3A_402 = arith.index_cast %scan3A_304 : i32 to index
            %get3A_403 = arith.constant 80 : index
            %get3A_404 = tpu.vector_load %arg16[%get3A_402, %get3A_403] {strides = array<i32>} : memref<64x128xf32, #tpu.memory_space<vmem>>, vector<16xf32>,
            %add3A_405 = arith.addf %add3A_401, %get3A_404 : vector<16xf32>
            %get3A_406 = arith.index_cast %scan3A_304 : i32 to index
            %get3A_407 = arith.constant 80 : index
            %get3A_408 = tpu.vector_load %arg17[%get3A_406, %get3A_407] {strides = array<i32>} : memref<64x128xf32, #tpu.memory_space<vmem>>, vector<16xf32>,
            %add3A_409 = arith.addf %add3A_405, %get3A_408 : vector<16xf32>
            %swap3A_410 = arith.index_cast %scan3A_304 : i32 to index
            %swap3A_411 = arith.constant 80 : index
            %swap3A_412 = tpu.vector_load %arg14[%swap3A_410, %swap3A_411] {strides = array<i32>} : memref<64x128xf32, #tpu.memory_space<vmem>>, vector<16xf32>,
            tpu.vector_store %arg14[%swap3A_410, %swap3A_411], %add3A_409 {strides = array<i32>} : memref<64x128xf32, #tpu.memory_space<vmem>>, vector<16xf32>,
            %get3A_413 = arith.index_cast %scan3A_304 : i32 to index
            %get3A_414 = arith.constant 96 : index
            %get3A_415 = tpu.vector_load %arg14[%get3A_413, %get3A_414] {strides = array<i32>} : memref<64x128xf32, #tpu.memory_space<vmem>>, vector<16xf32>,
            %get3A_416 = arith.index_cast %scan3A_304 : i32 to index
            %get3A_417 = arith.constant 96 : index
            %get3A_418 = tpu.vector_load %arg15[%get3A_416, %get3A_417] {strides = array<i32>} : memref<64x128xf32, #tpu.memory_space<vmem>>, vector<16xf32>,
            %add3A_419 = arith.addf %get3A_415, %get3A_418 : vector<16xf32>
            %get3A_420 = arith.index_cast %scan3A_304 : i32 to index
            %get3A_421 = arith.constant 96 : index
            %get3A_422 = tpu.vector_load %arg16[%get3A_420, %get3A_421] {strides = array<i32>} : memref<64x128xf32, #tpu.memory_space<vmem>>, vector<16xf32>,
            %add3A_423 = arith.addf %add3A_419, %get3A_422 : vector<16xf32>
            %get3A_424 = arith.index_cast %scan3A_304 : i32 to index
            %get3A_425 = arith.constant 96 : index
            %get3A_426 = tpu.vector_load %arg17[%get3A_424, %get3A_425] {strides = array<i32>} : memref<64x128xf32, #tpu.memory_space<vmem>>, vector<16xf32>,
            %add3A_427 = arith.addf %add3A_423, %get3A_426 : vector<16xf32>
            %swap3A_428 = arith.index_cast %scan3A_304 : i32 to index
            %swap3A_429 = arith.constant 96 : index
            %swap3A_430 = tpu.vector_load %arg14[%swap3A_428, %swap3A_429] {strides = array<i32>} : memref<64x128xf32, #tpu.memory_space<vmem>>, vector<16xf32>,
            tpu.vector_store %arg14[%swap3A_428, %swap3A_429], %add3A_427 {strides = array<i32>} : memref<64x128xf32, #tpu.memory_space<vmem>>, vector<16xf32>,
            %get3A_431 = arith.index_cast %scan3A_304 : i32 to index
            %get3A_432 = arith.constant 112 : index
            %get3A_433 = tpu.vector_load %arg14[%get3A_431, %get3A_432] {strides = array<i32>} : memref<64x128xf32, #tpu.memory_space<vmem>>, vector<16xf32>,
            %get3A_434 = arith.index_cast %scan3A_304 : i32 to index
            %get3A_435 = arith.constant 112 : index
            %get3A_436 = tpu.vector_load %arg15[%get3A_434, %get3A_435] {strides = array<i32>} : memref<64x128xf32, #tpu.memory_space<vmem>>, vector<16xf32>,
            %add3A_437 = arith.addf %get3A_433, %get3A_436 : vector<16xf32>
            %get3A_438 = arith.index_cast %scan3A_304 : i32 to index
            %get3A_439 = arith.constant 112 : index
            %get3A_440 = tpu.vector_load %arg16[%get3A_438, %get3A_439] {strides = array<i32>} : memref<64x128xf32, #tpu.memory_space<vmem>>, vector<16xf32>,
            %add3A_441 = arith.addf %add3A_437, %get3A_440 : vector<16xf32>
            %get3A_442 = arith.index_cast %scan3A_304 : i32 to index
            %get3A_443 = arith.constant 112 : index
            %get3A_444 = tpu.vector_load %arg17[%get3A_442, %get3A_443] {strides = array<i32>} : memref<64x128xf32, #tpu.memory_space<vmem>>, vector<16xf32>,
            %add3A_445 = arith.addf %add3A_441, %get3A_444 : vector<16xf32>
            %swap3A_446 = arith.index_cast %scan3A_304 : i32 to index
            %swap3A_447 = arith.constant 112 : index
            %swap3A_448 = tpu.vector_load %arg14[%swap3A_446, %swap3A_447] {strides = array<i32>} : memref<64x128xf32, #tpu.memory_space<vmem>>, vector<16xf32>,
            tpu.vector_store %arg14[%swap3A_446, %swap3A_447], %add3A_445 {strides = array<i32>} : memref<64x128xf32, #tpu.memory_space<vmem>>, vector<16xf32>,
            %scan3A_449 = arith.constant 0 : i32
            scf.yield %scan3A_449 : i32
          }
          %scan3A_303 = arith.constant 64 : i32
          "tpu.region"() ({
            %run_scoped3A = tpu.sem_alloc : memref<!tpu.dma_semaphore, #tpu.memory_space<semaphore_mem>>
            %dma_start3A_304 = arith.constant 0 : i32
            %dma_start3A_305 = tpu.memref_slice %arg8[%mul3A_101, %dma_start3A_304] : memref<160000x128xf32, #tpu.memory_space<hbm>> -> memref<64x128xf32, #tpu.memory_space<hbm>>
            %dma_start3A_306 = arith.constant 0 : i32
            %dma_start3A_307 = tpu.memref_slice %arg8[%mul3A_101, %dma_start3A_306] : memref<160000x128xf32, #tpu.memory_space<hbm>> -> memref<64x128xf32, #tpu.memory_space<hbm>>
            tpu.enqueue_dma source(%arg14 : memref<64x128xf32, #tpu.memory_space<vmem>>) target(%dma_start3A_307 : memref<64x128xf32, #tpu.memory_space<hbm>>) target_semaphore(%run_scoped3A : memref<!tpu.dma_semaphore, #tpu.memory_space<semaphore_mem>>)
            %dma_wait3A_308 = arith.constant 0 : i32
            %dma_wait3A_309 = tpu.memref_slice %arg8[%mul3A_101, %dma_wait3A_308] : memref<160000x128xf32, #tpu.memory_space<hbm>> -> memref<64x128xf32, #tpu.memory_space<hbm>>
            %dma_wait3A_310 = arith.constant 0 : i32
            %dma_wait3A_311 = tpu.memref_slice %arg8[%mul3A_101, %dma_wait3A_310] : memref<160000x128xf32, #tpu.memory_space<hbm>> -> memref<64x128xf32, #tpu.memory_space<hbm>>
            tpu.wait_dma2 semaphore(%run_scoped3A : memref<!tpu.dma_semaphore, #tpu.memory_space<semaphore_mem>>) src(%arg14 : memref<64x128xf32, #tpu.memory_space<vmem>>) dst(%dma_wait3A_311 : memref<64x128xf32, #tpu.memory_space<hbm>>)
            tpu.yield
          }) : () -> ()
        } else {
        }
      } else {
      }
      %scan3A_48 = arith.constant 0 : i32
      scf.yield %scan3A_48 : i32
    }
    %scan3A_38 = arith.constant 40 : i32
    return
  }
}

module attributes {stable_mosaic.version = 14 : i64} {
  func.func @_proj_body(%arg0: i32, %arg1: memref<1000x144xf32, #tpu.memory_space<vmem>>, %arg2: memref<144x512xf32, #tpu.memory_space<vmem>>, %arg3: memref<1000x128xf32, #tpu.memory_space<vmem>>, %arg4: memref<1000x128xf32, #tpu.memory_space<vmem>>, %arg5: memref<1000x128xf32, #tpu.memory_space<vmem>>, %arg6: memref<1000x128xf32, #tpu.memory_space<vmem>>) attributes {dimension_semantics = [#tpu.dimension_semantics<arbitrary>], iteration_bounds = array<i64: 10>, scalar_prefetch = 0 : i64, scratch_operands = 0 : i64, tpu.core_type = #tpu.core_type<tc>, window_params = [{transform_indices = @transform_0, window_bounds = array<i64: 1000, 144>}, {pipeline_mode = #tpu.pipeline_mode<synchronous>, transform_indices = @transform_1, window_bounds = array<i64: 144, 512>}, {transform_indices = @transform_2, window_bounds = array<i64: 1000, 128>}, {transform_indices = @transform_3, window_bounds = array<i64: 1000, 128>}, {transform_indices = @transform_4, window_bounds = array<i64: 1000, 128>}, {transform_indices = @transform_5, window_bounds = array<i64: 1000, 128>}]} {
    %get3A = arith.constant 0 : index
    %get3A_0 = arith.constant 0 : index
    %get3A_1 = vector.load %arg1[%get3A, %get3A_0] : memref<1000x144xf32, #tpu.memory_space<vmem>>, vector<1000x144xf32>
    %get3A_2 = arith.constant 0 : index
    %get3A_3 = arith.constant 0 : index
    %get3A_4 = vector.load %arg2[%get3A_2, %get3A_3] : memref<144x512xf32, #tpu.memory_space<vmem>>, vector<144x512xf32>
    %dot_general3A = arith.constant dense<0.000000e+00> : vector<1000x512xf32>
    %dot_general3A_5 = tpu.matmul %get3A_1, %get3A_4, %dot_general3A {dimension_numbers = #tpu.dot_dimension_numbers<[1], [0], [0], [1], [0, 0, 1, 1], [], []>, transpose_lhs_hint = false} : vector<1000x144xf32>, vector<144x512xf32>, vector<1000x512xf32> -> vector<1000x512xf32>
    %slice3A = vector.extract_strided_slice %dot_general3A_5 {offsets = [0, 0], sizes = [1000, 128], strides = [1, 1]} : vector<1000x512xf32> to vector<1000x128xf32>
    %swap3A = arith.constant 0 : index
    %swap3A_6 = arith.constant 0 : index
    %swap3A_7 = vector.load %arg3[%swap3A, %swap3A_6] : memref<1000x128xf32, #tpu.memory_space<vmem>>, vector<1000x128xf32>
    tpu.vector_store %arg3[%swap3A, %swap3A_6], %slice3A {strides = array<i32>} : memref<1000x128xf32, #tpu.memory_space<vmem>>, vector<1000x128xf32>,
    %slice3A_8 = vector.extract_strided_slice %dot_general3A_5 {offsets = [0, 128], sizes = [1000, 128], strides = [1, 1]} : vector<1000x512xf32> to vector<1000x128xf32>
    %swap3A_9 = arith.constant 0 : index
    %swap3A_10 = arith.constant 0 : index
    %swap3A_11 = vector.load %arg4[%swap3A_9, %swap3A_10] : memref<1000x128xf32, #tpu.memory_space<vmem>>, vector<1000x128xf32>
    tpu.vector_store %arg4[%swap3A_9, %swap3A_10], %slice3A_8 {strides = array<i32>} : memref<1000x128xf32, #tpu.memory_space<vmem>>, vector<1000x128xf32>,
    %slice3A_12 = vector.extract_strided_slice %dot_general3A_5 {offsets = [0, 256], sizes = [1000, 128], strides = [1, 1]} : vector<1000x512xf32> to vector<1000x128xf32>
    %swap3A_13 = arith.constant 0 : index
    %swap3A_14 = arith.constant 0 : index
    %swap3A_15 = vector.load %arg5[%swap3A_13, %swap3A_14] : memref<1000x128xf32, #tpu.memory_space<vmem>>, vector<1000x128xf32>
    tpu.vector_store %arg5[%swap3A_13, %swap3A_14], %slice3A_12 {strides = array<i32>} : memref<1000x128xf32, #tpu.memory_space<vmem>>, vector<1000x128xf32>,
    %slice3A_16 = vector.extract_strided_slice %dot_general3A_5 {offsets = [0, 384], sizes = [1000, 128], strides = [1, 1]} : vector<1000x512xf32> to vector<1000x128xf32>
    %swap3A_17 = arith.constant 0 : index
    %swap3A_18 = arith.constant 0 : index
    %swap3A_19 = vector.load %arg6[%swap3A_17, %swap3A_18] : memref<1000x128xf32, #tpu.memory_space<vmem>>, vector<1000x128xf32>
    tpu.vector_store %arg6[%swap3A_17, %swap3A_18], %slice3A_16 {strides = array<i32>} : memref<1000x128xf32, #tpu.memory_space<vmem>>, vector<1000x128xf32>,
    return
  }
  func.func @transform_0(%arg0: i32) -> (i32, i32) {
    %c0_i32 = arith.constant 0 : i32
    %c0_i32_0 = arith.constant 0 : i32
    return %arg0, %c0_i32 : i32, i32
  }
  func.func @transform_1(%arg0: i32) -> (i32, i32) {
    %c0_i32 = arith.constant 0 : i32
    %c0_i32_0 = arith.constant 0 : i32
    %c0_i32_1 = arith.constant 0 : i32
    return %c0_i32, %c0_i32_0 : i32, i32
  }
  func.func @transform_2(%arg0: i32) -> (i32, i32) {
    %c0_i32 = arith.constant 0 : i32
    %c0_i32_0 = arith.constant 0 : i32
    return %arg0, %c0_i32 : i32, i32
  }
  func.func @transform_3(%arg0: i32) -> (i32, i32) {
    %c0_i32 = arith.constant 0 : i32
    %c0_i32_0 = arith.constant 0 : i32
    return %arg0, %c0_i32 : i32, i32
  }
  func.func @transform_4(%arg0: i32) -> (i32, i32) {
    %c0_i32 = arith.constant 0 : i32
    %c0_i32_0 = arith.constant 0 : i32
    return %arg0, %c0_i32 : i32, i32
  }
  func.func @transform_5(%arg0: i32) -> (i32, i32) {
    %c0_i32 = arith.constant 0 : i32
    %c0_i32_0 = arith.constant 0 : i32
    return %arg0, %c0_i32 : i32, i32
  }
}

module attributes {stable_mosaic.version = 14 : i64} {
  func.func @_mlp_body(%arg0: i32, %arg1: memref<3200x128xf32, #tpu.memory_space<vmem>>, %arg2: memref<3200x16xf32, #tpu.memory_space<vmem>>, %arg3: memref<2x128xf32, #tpu.memory_space<vmem>>, %arg4: memref<1x128xf32, #tpu.memory_space<vmem>>, %arg5: memref<128x128xf32, #tpu.memory_space<vmem>>, %arg6: memref<1x128xf32, #tpu.memory_space<vmem>>, %arg7: memref<128x128xf32, #tpu.memory_space<vmem>>, %arg8: memref<1x128xf32, #tpu.memory_space<vmem>>, %arg9: memref<128x8xf32, #tpu.memory_space<vmem>>, %arg10: memref<1x8xf32, #tpu.memory_space<vmem>>, %arg11: memref<2x3200x8xf32, #tpu.memory_space<vmem>>) attributes {dimension_semantics = [#tpu.dimension_semantics<arbitrary>], iteration_bounds = array<i64: 50>, scalar_prefetch = 0 : i64, scratch_operands = 0 : i64, tpu.core_type = #tpu.core_type<tc>, window_params = [{transform_indices = @transform_0, window_bounds = array<i64: 3200, 128>}, {transform_indices = @transform_1, window_bounds = array<i64: 3200, 16>}, {pipeline_mode = #tpu.pipeline_mode<synchronous>, transform_indices = @transform_2, window_bounds = array<i64: 2, 128>}, {pipeline_mode = #tpu.pipeline_mode<synchronous>, transform_indices = @transform_3, window_bounds = array<i64: 1, 128>}, {pipeline_mode = #tpu.pipeline_mode<synchronous>, transform_indices = @transform_4, window_bounds = array<i64: 128, 128>}, {pipeline_mode = #tpu.pipeline_mode<synchronous>, transform_indices = @transform_5, window_bounds = array<i64: 1, 128>}, {pipeline_mode = #tpu.pipeline_mode<synchronous>, transform_indices = @transform_6, window_bounds = array<i64: 128, 128>}, {pipeline_mode = #tpu.pipeline_mode<synchronous>, transform_indices = @transform_7, window_bounds = array<i64: 1, 128>}, {pipeline_mode = #tpu.pipeline_mode<synchronous>, transform_indices = @transform_8, window_bounds = array<i64: 128, 8>}, {pipeline_mode = #tpu.pipeline_mode<synchronous>, transform_indices = @transform_9, window_bounds = array<i64: 1, 8>}, {transform_indices = @transform_10, window_bounds = array<i64: 2, 3200, 8>}]} {
    %get3A = arith.constant 0 : index
    %get3A_0 = arith.constant 0 : index
    %get3A_1 = vector.load %arg1[%get3A, %get3A_0] : memref<3200x128xf32, #tpu.memory_space<vmem>>, vector<3200x128xf32>
    %get3A_2 = arith.constant 0 : index
    %get3A_3 = arith.constant 0 : index
    %get3A_4 = vector.load %arg2[%get3A_2, %get3A_3] : memref<3200x16xf32, #tpu.memory_space<vmem>>, vector<3200x16xf32>
    %mul3A = arith.mulf %get3A_4, %get3A_4 : vector<3200x16xf32>
    %reduce_sum3A = arith.constant dense<0.000000e+00> : vector<3200xf32>
    %reduce_sum3A_5 = vector.multi_reduction <add>, %mul3A, %reduce_sum3A [1] : vector<3200x16xf32> to vector<3200xf32>
    %broadcast_in_dim3A = vector.shape_cast %reduce_sum3A_5 : vector<3200xf32> to vector<3200x1xf32>
    %max3A = arith.constant 9.99999996E-13 : f32
    %max3A_6 = vector.broadcast %max3A : f32 to vector<3200x1xf32>
    %max3A_7 = arith.maximumf %broadcast_in_dim3A, %max3A_6 : vector<3200x1xf32>
    %sqrt3A = math.sqrt %max3A_7 : vector<3200x1xf32>
    %div3A = arith.constant 1.000000e+00 : f32
    %div3A_8 = vector.broadcast %div3A : f32 to vector<3200x1xf32>
    %div3A_9 = arith.divf %div3A_8, %sqrt3A : vector<3200x1xf32>
    %mul3A_10 = vector.broadcast %div3A_9 : vector<3200x1xf32> to vector<3200x16xf32>
    %mul3A_11 = arith.mulf %get3A_4, %mul3A_10 : vector<3200x16xf32>
    %get3A_12 = arith.constant 0 : index
    %get3A_13 = arith.constant 0 : index
    %get3A_14 = vector.load %arg4[%get3A_12, %get3A_13] : memref<1x128xf32, #tpu.memory_space<vmem>>, vector<1x128xf32>
    %mul3A_15 = vector.broadcast %sqrt3A : vector<3200x1xf32> to vector<3200x128xf32>
    %mul3A_16 = vector.broadcast %get3A_14 : vector<1x128xf32> to vector<3200x128xf32>
    %mul3A_17 = arith.mulf %mul3A_15, %mul3A_16 : vector<3200x128xf32>
    %add3A = arith.addf %get3A_1, %mul3A_17 : vector<3200x128xf32>
    %get3A_18 = arith.constant 0 : index
    %get3A_19 = arith.constant 0 : index
    %get3A_20 = vector.load %arg3[%get3A_18, %get3A_19] : memref<2x128xf32, #tpu.memory_space<vmem>>, vector<1x128xf32>
    %add3A_21 = vector.broadcast %get3A_20 : vector<1x128xf32> to vector<3200x128xf32>
    %add3A_22 = arith.addf %add3A, %add3A_21 : vector<3200x128xf32>
    %ge3A = arith.constant 0.000000e+00 : f32
    %ge3A_23 = vector.broadcast %ge3A : f32 to vector<3200x128xf32>
    %ge3A_24 = arith.cmpf oge, %add3A_22, %ge3A_23 : vector<3200x128xf32>
    %mul3A_25 = arith.constant 1.000000e-03 : f32
    %mul3A_26 = vector.broadcast %mul3A_25 : f32 to vector<3200x128xf32>
    %mul3A_27 = arith.mulf %mul3A_26, %add3A_22 : vector<3200x128xf32>
    %select_n3A = arith.select %ge3A_24, %add3A_22, %mul3A_27 : vector<3200x128xi1>, vector<3200x128xf32>
    %get3A_28 = arith.constant 0 : index
    %get3A_29 = arith.constant 0 : index
    %get3A_30 = vector.load %arg5[%get3A_28, %get3A_29] : memref<128x128xf32, #tpu.memory_space<vmem>>, vector<128x128xf32>
    %dot_general3A = arith.constant dense<0.000000e+00> : vector<3200x128xf32>
    %dot_general3A_31 = tpu.matmul %select_n3A, %get3A_30, %dot_general3A {dimension_numbers = #tpu.dot_dimension_numbers<[1], [0], [0], [1], [0, 0, 1, 1], [], []>, transpose_lhs_hint = false} : vector<3200x128xf32>, vector<128x128xf32>, vector<3200x128xf32> -> vector<3200x128xf32>
    %get3A_32 = arith.constant 0 : index
    %get3A_33 = arith.constant 0 : index
    %get3A_34 = vector.load %arg6[%get3A_32, %get3A_33] : memref<1x128xf32, #tpu.memory_space<vmem>>, vector<1x128xf32>
    %add3A_35 = vector.broadcast %get3A_34 : vector<1x128xf32> to vector<3200x128xf32>
    %add3A_36 = arith.addf %dot_general3A_31, %add3A_35 : vector<3200x128xf32>
    %ge3A_37 = arith.constant 0.000000e+00 : f32
    %ge3A_38 = vector.broadcast %ge3A_37 : f32 to vector<3200x128xf32>
    %ge3A_39 = arith.cmpf oge, %add3A_36, %ge3A_38 : vector<3200x128xf32>
    %mul3A_40 = arith.constant 1.000000e-03 : f32
    %mul3A_41 = vector.broadcast %mul3A_40 : f32 to vector<3200x128xf32>
    %mul3A_42 = arith.mulf %mul3A_41, %add3A_36 : vector<3200x128xf32>
    %select_n3A_43 = arith.select %ge3A_39, %add3A_36, %mul3A_42 : vector<3200x128xi1>, vector<3200x128xf32>
    %get3A_44 = arith.constant 0 : index
    %get3A_45 = arith.constant 0 : index
    %get3A_46 = vector.load %arg7[%get3A_44, %get3A_45] : memref<128x128xf32, #tpu.memory_space<vmem>>, vector<128x128xf32>
    %dot_general3A_47 = arith.constant dense<0.000000e+00> : vector<3200x128xf32>
    %dot_general3A_48 = tpu.matmul %select_n3A_43, %get3A_46, %dot_general3A_47 {dimension_numbers = #tpu.dot_dimension_numbers<[1], [0], [0], [1], [0, 0, 1, 1], [], []>, transpose_lhs_hint = false} : vector<3200x128xf32>, vector<128x128xf32>, vector<3200x128xf32> -> vector<3200x128xf32>
    %get3A_49 = arith.constant 0 : index
    %get3A_50 = arith.constant 0 : index
    %get3A_51 = vector.load %arg8[%get3A_49, %get3A_50] : memref<1x128xf32, #tpu.memory_space<vmem>>, vector<1x128xf32>
    %add3A_52 = vector.broadcast %get3A_51 : vector<1x128xf32> to vector<3200x128xf32>
    %add3A_53 = arith.addf %dot_general3A_48, %add3A_52 : vector<3200x128xf32>
    %ge3A_54 = arith.constant 0.000000e+00 : f32
    %ge3A_55 = vector.broadcast %ge3A_54 : f32 to vector<3200x128xf32>
    %ge3A_56 = arith.cmpf oge, %add3A_53, %ge3A_55 : vector<3200x128xf32>
    %mul3A_57 = arith.constant 1.000000e-03 : f32
    %mul3A_58 = vector.broadcast %mul3A_57 : f32 to vector<3200x128xf32>
    %mul3A_59 = arith.mulf %mul3A_58, %add3A_53 : vector<3200x128xf32>
    %select_n3A_60 = arith.select %ge3A_56, %add3A_53, %mul3A_59 : vector<3200x128xi1>, vector<3200x128xf32>
    %get3A_61 = arith.constant 0 : index
    %get3A_62 = arith.constant 0 : index
    %get3A_63 = vector.load %arg9[%get3A_61, %get3A_62] : memref<128x8xf32, #tpu.memory_space<vmem>>, vector<128x8xf32>
    %dot_general3A_64 = arith.constant dense<0.000000e+00> : vector<3200x8xf32>
    %dot_general3A_65 = tpu.matmul %select_n3A_60, %get3A_63, %dot_general3A_64 {dimension_numbers = #tpu.dot_dimension_numbers<[1], [0], [0], [1], [0, 0, 1, 1], [], []>, transpose_lhs_hint = false} : vector<3200x128xf32>, vector<128x8xf32>, vector<3200x8xf32> -> vector<3200x8xf32>
    %get3A_66 = arith.constant 0 : index
    %get3A_67 = arith.constant 0 : index
    %get3A_68 = vector.load %arg10[%get3A_66, %get3A_67] : memref<1x8xf32, #tpu.memory_space<vmem>>, vector<1x8xf32>
    %add3A_69 = vector.broadcast %get3A_68 : vector<1x8xf32> to vector<3200x8xf32>
    %add3A_70 = arith.addf %dot_general3A_65, %add3A_69 : vector<3200x8xf32>
    %slice3A = vector.extract_strided_slice %add3A_70 {offsets = [0, 0], sizes = [3200, 1], strides = [1, 1]} : vector<3200x8xf32> to vector<3200x1xf32>
    %mul3A_71 = arith.constant -5.000000e-01 : f32
    %mul3A_72 = vector.broadcast %mul3A_71 : f32 to vector<3200x1xf32>
    %mul3A_73 = arith.mulf %mul3A_72, %slice3A : vector<3200x1xf32>
    %mul3A_74 = vector.broadcast %mul3A_73 : vector<3200x1xf32> to vector<3200x16xf32>
    %mul3A_75 = arith.mulf %mul3A_74, %mul3A_11 : vector<3200x16xf32>
    %slice3A_76 = vector.extract_strided_slice %add3A_70 {offsets = [0, 1], sizes = [3200, 1], strides = [1, 1]} : vector<3200x8xf32> to vector<3200x1xf32>
    %mul3A_77 = arith.constant 5.000000e-01 : f32
    %mul3A_78 = vector.broadcast %mul3A_77 : f32 to vector<3200x1xf32>
    %mul3A_79 = arith.mulf %mul3A_78, %slice3A_76 : vector<3200x1xf32>
    %mul3A_80 = vector.broadcast %mul3A_79 : vector<3200x1xf32> to vector<3200x16xf32>
    %mul3A_81 = arith.mulf %mul3A_80, %mul3A_11 : vector<3200x16xf32>
    %get3A_82 = arith.constant 1 : index
    %get3A_83 = arith.constant 0 : index
    %get3A_84 = vector.load %arg3[%get3A_82, %get3A_83] : memref<2x128xf32, #tpu.memory_space<vmem>>, vector<1x128xf32>
    %add3A_85 = vector.broadcast %get3A_84 : vector<1x128xf32> to vector<3200x128xf32>
    %add3A_86 = arith.addf %add3A, %add3A_85 : vector<3200x128xf32>
    %ge3A_87 = arith.constant 0.000000e+00 : f32
    %ge3A_88 = vector.broadcast %ge3A_87 : f32 to vector<3200x128xf32>
    %ge3A_89 = arith.cmpf oge, %add3A_86, %ge3A_88 : vector<3200x128xf32>
    %mul3A_90 = arith.constant 1.000000e-03 : f32
    %mul3A_91 = vector.broadcast %mul3A_90 : f32 to vector<3200x128xf32>
    %mul3A_92 = arith.mulf %mul3A_91, %add3A_86 : vector<3200x128xf32>
    %select_n3A_93 = arith.select %ge3A_89, %add3A_86, %mul3A_92 : vector<3200x128xi1>, vector<3200x128xf32>
    %get3A_94 = arith.constant 0 : index
    %get3A_95 = arith.constant 0 : index
    %get3A_96 = vector.load %arg5[%get3A_94, %get3A_95] : memref<128x128xf32, #tpu.memory_space<vmem>>, vector<128x128xf32>
    %dot_general3A_97 = arith.constant dense<0.000000e+00> : vector<3200x128xf32>
    %dot_general3A_98 = tpu.matmul %select_n3A_93, %get3A_96, %dot_general3A_97 {dimension_numbers = #tpu.dot_dimension_numbers<[1], [0], [0], [1], [0, 0, 1, 1], [], []>, transpose_lhs_hint = false} : vector<3200x128xf32>, vector<128x128xf32>, vector<3200x128xf32> -> vector<3200x128xf32>
    %get3A_99 = arith.constant 0 : index
    %get3A_100 = arith.constant 0 : index
    %get3A_101 = vector.load %arg6[%get3A_99, %get3A_100] : memref<1x128xf32, #tpu.memory_space<vmem>>, vector<1x128xf32>
    %add3A_102 = vector.broadcast %get3A_101 : vector<1x128xf32> to vector<3200x128xf32>
    %add3A_103 = arith.addf %dot_general3A_98, %add3A_102 : vector<3200x128xf32>
    %ge3A_104 = arith.constant 0.000000e+00 : f32
    %ge3A_105 = vector.broadcast %ge3A_104 : f32 to vector<3200x128xf32>
    %ge3A_106 = arith.cmpf oge, %add3A_103, %ge3A_105 : vector<3200x128xf32>
    %mul3A_107 = arith.constant 1.000000e-03 : f32
    %mul3A_108 = vector.broadcast %mul3A_107 : f32 to vector<3200x128xf32>
    %mul3A_109 = arith.mulf %mul3A_108, %add3A_103 : vector<3200x128xf32>
    %select_n3A_110 = arith.select %ge3A_106, %add3A_103, %mul3A_109 : vector<3200x128xi1>, vector<3200x128xf32>
    %get3A_111 = arith.constant 0 : index
    %get3A_112 = arith.constant 0 : index
    %get3A_113 = vector.load %arg7[%get3A_111, %get3A_112] : memref<128x128xf32, #tpu.memory_space<vmem>>, vector<128x128xf32>
    %dot_general3A_114 = arith.constant dense<0.000000e+00> : vector<3200x128xf32>
    %dot_general3A_115 = tpu.matmul %select_n3A_110, %get3A_113, %dot_general3A_114 {dimension_numbers = #tpu.dot_dimension_numbers<[1], [0], [0], [1], [0, 0, 1, 1], [], []>, transpose_lhs_hint = false} : vector<3200x128xf32>, vector<128x128xf32>, vector<3200x128xf32> -> vector<3200x128xf32>
    %get3A_116 = arith.constant 0 : index
    %get3A_117 = arith.constant 0 : index
    %get3A_118 = vector.load %arg8[%get3A_116, %get3A_117] : memref<1x128xf32, #tpu.memory_space<vmem>>, vector<1x128xf32>
    %add3A_119 = vector.broadcast %get3A_118 : vector<1x128xf32> to vector<3200x128xf32>
    %add3A_120 = arith.addf %dot_general3A_115, %add3A_119 : vector<3200x128xf32>
    %ge3A_121 = arith.constant 0.000000e+00 : f32
    %ge3A_122 = vector.broadcast %ge3A_121 : f32 to vector<3200x128xf32>
    %ge3A_123 = arith.cmpf oge, %add3A_120, %ge3A_122 : vector<3200x128xf32>
    %mul3A_124 = arith.constant 1.000000e-03 : f32
    %mul3A_125 = vector.broadcast %mul3A_124 : f32 to vector<3200x128xf32>
    %mul3A_126 = arith.mulf %mul3A_125, %add3A_120 : vector<3200x128xf32>
    %select_n3A_127 = arith.select %ge3A_123, %add3A_120, %mul3A_126 : vector<3200x128xi1>, vector<3200x128xf32>
    %get3A_128 = arith.constant 0 : index
    %get3A_129 = arith.constant 0 : index
    %get3A_130 = vector.load %arg9[%get3A_128, %get3A_129] : memref<128x8xf32, #tpu.memory_space<vmem>>, vector<128x8xf32>
    %dot_general3A_131 = arith.constant dense<0.000000e+00> : vector<3200x8xf32>
    %dot_general3A_132 = tpu.matmul %select_n3A_127, %get3A_130, %dot_general3A_131 {dimension_numbers = #tpu.dot_dimension_numbers<[1], [0], [0], [1], [0, 0, 1, 1], [], []>, transpose_lhs_hint = false} : vector<3200x128xf32>, vector<128x8xf32>, vector<3200x8xf32> -> vector<3200x8xf32>
    %get3A_133 = arith.constant 0 : index
    %get3A_134 = arith.constant 0 : index
    %get3A_135 = vector.load %arg10[%get3A_133, %get3A_134] : memref<1x8xf32, #tpu.memory_space<vmem>>, vector<1x8xf32>
    %add3A_136 = vector.broadcast %get3A_135 : vector<1x8xf32> to vector<3200x8xf32>
    %add3A_137 = arith.addf %dot_general3A_132, %add3A_136 : vector<3200x8xf32>
    %slice3A_138 = vector.extract_strided_slice %add3A_137 {offsets = [0, 0], sizes = [3200, 1], strides = [1, 1]} : vector<3200x8xf32> to vector<3200x1xf32>
    %mul3A_139 = arith.constant -5.000000e-01 : f32
    %mul3A_140 = vector.broadcast %mul3A_139 : f32 to vector<3200x1xf32>
    %mul3A_141 = arith.mulf %mul3A_140, %slice3A_138 : vector<3200x1xf32>
    %mul3A_142 = vector.broadcast %mul3A_141 : vector<3200x1xf32> to vector<3200x16xf32>
    %mul3A_143 = arith.mulf %mul3A_142, %mul3A_11 : vector<3200x16xf32>
    %slice3A_144 = vector.extract_strided_slice %add3A_137 {offsets = [0, 1], sizes = [3200, 1], strides = [1, 1]} : vector<3200x8xf32> to vector<3200x1xf32>
    %mul3A_145 = arith.constant 5.000000e-01 : f32
    %mul3A_146 = vector.broadcast %mul3A_145 : f32 to vector<3200x1xf32>
    %mul3A_147 = arith.mulf %mul3A_146, %slice3A_144 : vector<3200x1xf32>
    %mul3A_148 = vector.broadcast %mul3A_147 : vector<3200x1xf32> to vector<3200x16xf32>
    %mul3A_149 = arith.mulf %mul3A_148, %mul3A_11 : vector<3200x16xf32>
    %slice3A_150 = vector.extract_strided_slice %mul3A_75 {offsets = [0, 0], sizes = [3200, 4], strides = [1, 1]} : vector<3200x16xf32> to vector<3200x4xf32>
    %slice3A_151 = vector.extract_strided_slice %mul3A_143 {offsets = [0, 0], sizes = [3200, 4], strides = [1, 1]} : vector<3200x16xf32> to vector<3200x4xf32>
    %concatenate3A = tpu.concatenate %slice3A_150, %slice3A_151 in 1 : vector<3200x4xf32>, vector<3200x4xf32> -> vector<3200x8xf32>
    %swap3A = arith.constant 0 : index
    %swap3A_152 = arith.constant 0 : index
    %swap3A_153 = arith.constant 0 : index
    %swap3A_154 = vector.load %arg11[%swap3A, %swap3A_152, %swap3A_153] : memref<2x3200x8xf32, #tpu.memory_space<vmem>>, vector<1x3200x8xf32>
    %swap3A_155 = vector.shape_cast %swap3A_154 : vector<1x3200x8xf32> to vector<3200x8xf32>
    %swap3A_156 = vector.shape_cast %concatenate3A : vector<3200x8xf32> to vector<1x3200x8xf32>
    tpu.vector_store %arg11[%swap3A, %swap3A_152, %swap3A_153], %swap3A_156 {strides = array<i32>} : memref<2x3200x8xf32, #tpu.memory_space<vmem>>, vector<1x3200x8xf32>,
    %slice3A_157 = vector.extract_strided_slice %mul3A_81 {offsets = [0, 0], sizes = [3200, 4], strides = [1, 1]} : vector<3200x16xf32> to vector<3200x4xf32>
    %slice3A_158 = vector.extract_strided_slice %mul3A_149 {offsets = [0, 0], sizes = [3200, 4], strides = [1, 1]} : vector<3200x16xf32> to vector<3200x4xf32>
    %concatenate3A_159 = tpu.concatenate %slice3A_157, %slice3A_158 in 1 : vector<3200x4xf32>, vector<3200x4xf32> -> vector<3200x8xf32>
    %swap3A_160 = arith.constant 1 : index
    %swap3A_161 = arith.constant 0 : index
    %swap3A_162 = arith.constant 0 : index
    %swap3A_163 = vector.load %arg11[%swap3A_160, %swap3A_161, %swap3A_162] : memref<2x3200x8xf32, #tpu.memory_space<vmem>>, vector<1x3200x8xf32>
    %swap3A_164 = vector.shape_cast %swap3A_163 : vector<1x3200x8xf32> to vector<3200x8xf32>
    %swap3A_165 = vector.shape_cast %concatenate3A_159 : vector<3200x8xf32> to vector<1x3200x8xf32>
    tpu.vector_store %arg11[%swap3A_160, %swap3A_161, %swap3A_162], %swap3A_165 {strides = array<i32>} : memref<2x3200x8xf32, #tpu.memory_space<vmem>>, vector<1x3200x8xf32>,
    return
  }
  func.func @transform_0(%arg0: i32) -> (i32, i32) {
    %c0_i32 = arith.constant 0 : i32
    %c0_i32_0 = arith.constant 0 : i32
    return %arg0, %c0_i32 : i32, i32
  }
  func.func @transform_1(%arg0: i32) -> (i32, i32) {
    %c0_i32 = arith.constant 0 : i32
    %c0_i32_0 = arith.constant 0 : i32
    return %arg0, %c0_i32 : i32, i32
  }
  func.func @transform_2(%arg0: i32) -> (i32, i32) {
    %c0_i32 = arith.constant 0 : i32
    %c0_i32_0 = arith.constant 0 : i32
    %c0_i32_1 = arith.constant 0 : i32
    return %c0_i32, %c0_i32_0 : i32, i32
  }
  func.func @transform_3(%arg0: i32) -> (i32, i32) {
    %c0_i32 = arith.constant 0 : i32
    %c0_i32_0 = arith.constant 0 : i32
    %c0_i32_1 = arith.constant 0 : i32
    return %c0_i32, %c0_i32_0 : i32, i32
  }
  func.func @transform_4(%arg0: i32) -> (i32, i32) {
    %c0_i32 = arith.constant 0 : i32
    %c0_i32_0 = arith.constant 0 : i32
    %c0_i32_1 = arith.constant 0 : i32
    return %c0_i32, %c0_i32_0 : i32, i32
  }
  func.func @transform_5(%arg0: i32) -> (i32, i32) {
    %c0_i32 = arith.constant 0 : i32
    %c0_i32_0 = arith.constant 0 : i32
    %c0_i32_1 = arith.constant 0 : i32
    return %c0_i32, %c0_i32_0 : i32, i32
  }
  func.func @transform_6(%arg0: i32) -> (i32, i32) {
    %c0_i32 = arith.constant 0 : i32
    %c0_i32_0 = arith.constant 0 : i32
    %c0_i32_1 = arith.constant 0 : i32
    return %c0_i32, %c0_i32_0 : i32, i32
  }
  func.func @transform_7(%arg0: i32) -> (i32, i32) {
    %c0_i32 = arith.constant 0 : i32
    %c0_i32_0 = arith.constant 0 : i32
    %c0_i32_1 = arith.constant 0 : i32
    return %c0_i32, %c0_i32_0 : i32, i32
  }
  func.func @transform_8(%arg0: i32) -> (i32, i32) {
    %c0_i32 = arith.constant 0 : i32
    %c0_i32_0 = arith.constant 0 : i32
    %c0_i32_1 = arith.constant 0 : i32
    return %c0_i32, %c0_i32_0 : i32, i32
  }
  func.func @transform_9(%arg0: i32) -> (i32, i32) {
    %c0_i32 = arith.constant 0 : i32
    %c0_i32_0 = arith.constant 0 : i32
    %c0_i32_1 = arith.constant 0 : i32
    return %c0_i32, %c0_i32_0 : i32, i32
  }
  func.func @transform_10(%arg0: i32) -> (i32, i32, i32) {
    %c0_i32 = arith.constant 0 : i32
    %c0_i32_0 = arith.constant 0 : i32
    %c0_i32_1 = arith.constant 0 : i32
    return %c0_i32, %arg0, %c0_i32_0 : i32, i32, i32
  }
}

module attributes {stable_mosaic.version = 14 : i64} {
  func.func @_combine_body(%arg0: memref<2x625x128xf32, #tpu.memory_space<vmem>>, %arg1: memref<625x128xf32, #tpu.memory_space<vmem>>, %arg2: memref<625x128xf32, #tpu.memory_space<vmem>>) attributes {dimension_semantics = [], scalar_prefetch = 0 : i64, scratch_operands = 0 : i64, tpu.core_type = #tpu.core_type<tc>} {
    %get3A = arith.constant 0 : index
    %get3A_0 = arith.constant 0 : index
    %get3A_1 = vector.load %arg1[%get3A, %get3A_0] : memref<625x128xf32, #tpu.memory_space<vmem>>, vector<625x128xf32>
    %get3A_2 = arith.constant 0 : index
    %get3A_3 = arith.constant 0 : index
    %get3A_4 = arith.constant 0 : index
    %get3A_5 = vector.load %arg0[%get3A_2, %get3A_3, %get3A_4] : memref<2x625x128xf32, #tpu.memory_space<vmem>>, vector<1x625x128xf32>
    %get3A_6 = vector.shape_cast %get3A_5 : vector<1x625x128xf32> to vector<625x128xf32>
    %add3A = arith.addf %get3A_1, %get3A_6 : vector<625x128xf32>
    %get3A_7 = arith.constant 1 : index
    %get3A_8 = arith.constant 0 : index
    %get3A_9 = arith.constant 0 : index
    %get3A_10 = vector.load %arg0[%get3A_7, %get3A_8, %get3A_9] : memref<2x625x128xf32, #tpu.memory_space<vmem>>, vector<1x625x128xf32>
    %get3A_11 = vector.shape_cast %get3A_10 : vector<1x625x128xf32> to vector<625x128xf32>
    %add3A_12 = arith.addf %add3A, %get3A_11 : vector<625x128xf32>
    %swap3A = arith.constant 0 : index
    %swap3A_13 = arith.constant 0 : index
    %swap3A_14 = vector.load %arg2[%swap3A, %swap3A_13] : memref<625x128xf32, #tpu.memory_space<vmem>>, vector<625x128xf32>
    tpu.vector_store %arg2[%swap3A, %swap3A_13], %add3A_12 {strides = array<i32>} : memref<625x128xf32, #tpu.memory_space<vmem>>, vector<625x128xf32>,
    return
  }
}

</mosaic_0001>

<sc_bundles>
// kernel: kernel.10.cloned.1.call-start
scs
__scs_entry_jumppad:
0x0: {  	(pc) =	sbr.rel $0x88, $3  }
0x1: {  	(tag) =	ssettag $0x0;
	lr =	simm.s32 $0x1  }
0x2: {  	[smem:$0x3F93] =	sst lr;
	_ =	strace $0xD0000000  }
0x3: {  	_ = 	snop  }
0x4: {  	_ = 	snop  }
0x5: {  	_ = 	snop  }
0x6: {  	_ = 	snop  }
0x7: {  	_ = 	snop  }
__scs_overlays_trampoline_lowered:
0x8: {  	[smem:$0x3FA2] =	sst s0  }
0x9: {  	[smem:$0x3FA3] =	sst s1  }
0xa: {  	[smem:$0x3FA4] =	sst s2  }
0xb: {  	[smem:$0x3FA5] =	sst s3  }
0xc: {  	[smem:$0x3FA6] =	sst s4  }
0xd: {  	[smem:$0x3FA7] =	sst s5  }
0xe: {  	[smem:$0x3FA8] =	sst s6  }
0xf: {  	[smem:$0x3FA9] =	sst s7  }
0x10: {  	[smem:$0x3FAA] =	sst s8  }
0x11: {  	[smem:$0x3FAB] =	sst s9;
	s0 =	simm.s32 @!p0 $0x0  }
0x12: {  	s1 =	sld [smem:$0x3F91];
	s0 =	simm.s32 @p0 $0x1  }
0x13: {  	[smem:$0x3FAC] =	sst s0;
	s0 =	simm.s32 @!p1 $0x0  }
0x14: {  	s2 =	sld [smem:$0x3F90];
	s0 =	simm.s32 @p1 $0x1  }
0x15: {  	[smem:$0x3FAD] =	sst s0;
	s0 =	simm.s32 @!p2 $0x0  }
0x16: {  	s3 =	sld [smem:$0x3FDB];
	s0 =	simm.s32 @p2 $0x1  }
0x17: {  	s4 =	simm.s32 $0x1BF5;
	[smem:$0x3FAF] =	sst s0  }
0x18: {  	s0 =	sld [smem:$0x3F92];
	_ =	swait.ge [sflag:s4], $0x0  }
0x19: {  	s7 =	sld [smem:$0x3F93]  }
0x1a: {  	s8 =	sadd.s32 $0xFFFFE003, lr  }
0x1b: {  	s9 =	sadd.s32 $0xFFFFFEF7, lr;
	s5 =	simm.s32 $0xFFFFFFFF;
	p2 =	slt.u32 s8, $0xFFFFF086  }
0x1c: {  	p1 =	slt.u32 s9, $0xF7A;
	s5 =	simm.s32 @!p2 $0x0  }
0x1d: {  	s5 =	simm.s32 @p1 $0x1;
	p0 =	seq.s32 s7, s2  }
0x1e: {  	s7 =	smul.u32 @!p0 $0xF7A, s2;
	p2 =	seq.s32 @!p0 s5, $0x0  }
0x1f: {  	s9 =	smul.u32 $0xF7A, s1;
	s8 =	simm.s32 @!p0 $0x1BF5;
	p2 =	por !p2, p0  }
0x20: {  	[sflag:s8] =	ssyncset.s32 @!p0 $0xFFFFF086;
	s6 =	sadd.s32 @!p0 s3, s7;
	s7 =	simm.s32 @!p0 $0x108  }
0x21: {  	s3 =	sadd.s32 s3, s9;
	s6 =	sadd.s32 @!p0 $0x88, s6;
	s7 =	simm.s32 @p2 $0x1082  }
0x22: {  	[simem:s7], [sflag:s8] =	dma.local @!p0 [hbm:s6], $0xF7A  }
0x23: {  	s9 =	sor.u32 $0xD0000000, s2;
	s6 =	simm.s32 $0x108;
	_ =	swait.ge @!p0 [sflag:s8], $0x0  }
0x24: {  	s3 =	sadd.s32 $0x88, s3;
	s6 =	simm.s32 @!p1 $0x1082;
	[sflag:s4] =	ssyncset.s32 $0xFFFFF086  }
0x25: {  	[simem:s6], [sflag:s4] =	dma.local [hbm:s3], $0xF7A  }
0x26: {  	[smem:$0x3F93] =	sst s1;
	(tag) =	ssettag s2;
	_ =	strace s9  }
0x27: {  	s1 =	sld [smem:$0x3FA3]  }
0x28: {  	s2 =	sld [smem:$0x3FA4]  }
0x29: {  	s4 =	sld [smem:$0x3FA6]  }
0x2a: {  	p0 =	seq.s32 s5, $0x0;
	s5 =	sld [smem:$0x3FA7]  }
0x2b: {  	s6 =	sld [smem:$0x3FA8]  }
0x2c: {  	s7 =	sld [smem:$0x3FA9]  }
0x2d: {  	s3 =	simm.s32 $0x108;
	s8 =	sld [smem:$0x3FAA]  }
0x2e: {  	s3 =	simm.s32 @!p0 $0x1082;
	s9 =	sld [smem:$0x3FAB]  }
0x2f: {  	lr =	sadd.s32 s0, s3;
	s0 =	sld [smem:$0x3FA2]  }
0x30: {  	s3 =	sld [smem:$0x3FA5]  }
0x31: {  	[smem:$0x3FAE] =	sst s10  }
0x32: {  	s10 =	sld [smem:$0x3FAC];
	_ =	sdelay $0x3  }
0x33: {  	p0 =	seq.s32 s10, $0x1;
	s10 =	sld [smem:$0x3FAE];
	_ =	sdelay $0x3  }
0x34: {  	[smem:$0x3FAE] =	sst s10  }
0x35: {  	s10 =	sld [smem:$0x3FAD];
	_ =	sdelay $0x3  }
0x36: {  	p1 =	seq.s32 s10, $0x1;
	s10 =	sld [smem:$0x3FAE];
	_ =	sdelay $0x3  }
0x37: {  	[smem:$0x3FAE] =	sst s10  }
0x38: {  	s10 =	sld [smem:$0x3FAF]  }
0x39: {  	_ = 	snop;
	(pc) =	sbr.ind lr, $3  }
0x3a: {  	_ = 	snop  }
0x3b: {  	_ = 	snop  }
0x3c: {  	p2 =	seq.s32 s10, $0x1;
	s10 =	sld [smem:$0x3FAE]  }
0x3d: {  	_ =	shalt  }
0x3e: {  	_ =	shalt  }
0x3f: {  	_ =	shalt  }
0x40: {  	_ =	shalt  }
0x41: {  	_ =	shalt  }
0x42: {  	_ =	shalt  }
0x43: {  	_ =	shalt  }
0x44: {  	_ =	shalt  }
0x45: {  	_ =	shalt  }
0x46: {  	_ =	shalt  }
0x47: {  	_ =	shalt  }
0x48: {  	_ =	shalt  }
0x49: {  	_ =	shalt  }
0x4a: {  	_ =	shalt  }
0x4b: {  	_ =	shalt  }
0x4c: {  	_ =	shalt  }
0x4d: {  	_ =	shalt  }
0x4e: {  	_ =	shalt  }
0x4f: {  	_ =	shalt  }
0x50: {  	_ =	shalt  }
0x51: {  	_ =	shalt  }
0x52: {  	_ =	shalt  }
0x53: {  	_ =	shalt  }
0x54: {  	_ =	shalt  }
0x55: {  	_ =	shalt  }
0x56: {  	_ =	shalt  }
0x57: {  	_ =	shalt  }
0x58: {  	_ =	shalt  }
0x59: {  	_ =	shalt  }
0x5a: {  	_ =	shalt  }
0x5b: {  	_ =	shalt  }
0x5c: {  	_ =	shalt  }
0x5d: {  	_ =	shalt  }
0x5e: {  	_ =	shalt  }
0x5f: {  	_ =	shalt  }
0x60: {  	_ =	shalt  }
0x61: {  	_ =	shalt  }
0x62: {  	_ =	shalt  }
0x63: {  	_ =	shalt  }
0x64: {  	_ =	shalt  }
0x65: {  	_ =	shalt  }
0x66: {  	_ =	shalt  }
0x67: {  	_ =	shalt  }
0x68: {  	_ =	shalt  }
0x69: {  	_ =	shalt  }
0x6a: {  	_ =	shalt  }
0x6b: {  	_ =	shalt  }
0x6c: {  	_ =	shalt  }
0x6d: {  	_ =	shalt  }
0x6e: {  	_ =	shalt  }
0x6f: {  	_ =	shalt  }
0x70: {  	_ =	shalt  }
0x71: {  	_ =	shalt  }
0x72: {  	_ =	shalt  }
0x73: {  	_ =	shalt  }
0x74: {  	_ =	shalt  }
0x75: {  	_ =	shalt  }
0x76: {  	_ =	shalt  }
0x77: {  	_ =	shalt  }
0x78: {  	_ =	shalt  }
0x79: {  	_ =	shalt  }
0x7a: {  	_ =	shalt  }
0x7b: {  	_ =	shalt  }
0x7c: {  	_ =	shalt  }
0x7d: {  	_ =	shalt  }
0x7e: {  	_ =	shalt  }
0x7f: {  	_ =	shalt  }
0x80: {  	_ =	shalt  }
0x81: {  	_ =	shalt  }
0x82: {  	_ =	shalt  }
0x83: {  	_ =	shalt  }
0x84: {  	_ =	shalt  }
0x85: {  	_ =	shalt  }
0x86: {  	_ =	shalt  }
0x87: {  	_ =	shalt  }
.Lfunc_end0:
.L_simem_size_0:
called_computation.1_lowered:
.L_overlay_start_0:
0x88: {  	s2 =	sld [smem:$0x3FD9]  }
0x89: {  	s3 =	sld [smem:$0x3FFE];
	_ =	sdelay $0x1  }
0x8a: {  	s1 =	srdreg.scid  }
0x8b: {  	s0 =	sand.u32 $0x1, s1  }
0x8c: {  	s16 =	sshll.u32 s0, $0xA;
	s2 =	sadd.s32 s3, s2  }
0x8d: {  	s2 =	sadd.s32 s2, s16  }
0x8e: {  	[smem:$0x3FBA] =	sst s2  }
0x8f: {  	_ = 	snop  }
0x90: {  	(tm) =	ssettm $0x1  }
0x91: {  	s17 =	sld [smem:$0x3FFB];
	_ =	sdelay $0x3  }
0x92: {  	_ =	strace s17  }
0x93: {  	s2 =	sld [smem:$0x3FFC];
	_ =	sdelay $0x3  }
0x94: {  	_ =	strace s2  }
0x95: {  	s2 =	sld [smem:$0x3FFD];
	_ =	sdelay $0x3  }
0x96: {  	_ =	strace s2  }
0x97: {  	_ =	strace $0x8FFFFFFF  }
0x98: {  	s18 =	sld [smem:$0x3FDB];
	_ =	sdelay $0x1  }
0x99: {  	s19 =	simm.s32 $_scs_section_size  }
0x9a: {  	s4 =	simm.s32 $_size__tile_overlayer_lowered;
	s5 =	simm.s32 $_tile_overlayer_lowered  }
0x9b: {  	s22 =	simm.s32 $0x1BFF;
	s21 =	sshll.u32 s5, $0x1;
	s2 =	sadd.s32 s19, s18  }
0x9c: {  	s6 =	simm.s32 $0x0;
	s20 =	sshll.u32 s4, $0x1;
	s4 =	sadd.s32 s21, s2  }
0x9d: {  	[timem:s6], [sflag:s22] =	dma.local [hbm:s4], s20  }
0x9e: {  	_ =	swait.ge [sflag:s22], s20  }
0x9f: {  	s3 =	ssub.s32 $0x0, s20;
	[sflag:s22] =	ssyncset.done $0x0  }
0xa0: {  	[sflag:s22] =	ssyncadd.s32 s3;
	_ =	sdelay $0x1  }
0xa1: {  	s23 =	simm.s32 $0x1B8B  }
0xa2: {  	_ =	swait.ge [sflag:s23], $0x1  }
0xa3: {  	[sflag:s23] =	ssyncset.done $0x0  }
0xa4: {  	s25 =	simm.s32 $0x1B8E;
	s24 =	sld [smem:$0x3FFE];
	[sflag:s23] =	ssyncadd.s32 $0xFFFFFFFF  }
0xa5: {  	s26 =	simm.s32 $execute0_lowered;
	[smem:$0x3FD2] =	sst s25  }
0xa6: {  	s4 =	sshll.u32 s26, $0x1;
	_ =	strace $0x80000049;
	[dreg:$0x1] =	wrdreg $0xFFFFFFFF  }
0xa7: {  	s28 =	simm.s32 $_size_execute0_lowered;
	s2 =	sadd.s32 s2, s4;
	[dreg:$0x0] =	wrdreg $0x0  }
0xa8: {  	s4 =	sshll.u32 s28, $0x1;
	[dreg:$0x2] =	wrdreg s2  }
0xa9: {  	[dreg:$0x3] =	wrdreg s4  }
0xaa: {  	[dreg:$0x4] =	wrdreg $0xC0  }
0xab: {  	_ =	task [dreg:s6], $0x5FFFF  }
0xac: {  	[dreg:$0x1] =	wrdreg $0xFFFFFFFF  }
0xad: {  	[dreg:$0x0] =	wrdreg $0x60  }
0xae: {  	[dreg:$0x2] =	wrdreg s24  }
0xaf: {  	[dreg:$0x3] =	wrdreg $0x1C000  }
0xb0: {  	[dreg:$0x4] =	wrdreg $0x9  }
0xb1: {  	_ =	task.clear_ibuf [dreg:s6], $0x5FFFF;
	_ =	strace $0x90000049  }
0xb2: {  	s29 =	simm.s32 $0x9;
	_ =	strace $0x8000004B  }
0xb3: {  	_ =	swait.ge [sflag:s29], $0x1  }
0xb4: {  	[sflag:s29] =	ssyncadd.s32 $0xFFFFFFFF  }
0xb5: {  	_ =	strace $0x9000004B  }
0xb6: {  	_ =	sfence  }
0xb7: {  	s30 =	sld [smem:$0x0];
	_ =	sdelay $0x2  }
0xb8: {  	s31 =	sshll.u32 s1, $0xD;
	s1 =	sshrl.u32 s1, $0x2  }
0xb9: {  	s3 =	sand.u32 $0x4000, s31;
	s1 =	sadd.s32 s1, s30  }
0xba: {  	s0 =	sor.u32 s3, s0;
	s1 =	sshll.u32 s1, $0x11  }
0xbb: {  	s0 =	sor.u32 s1, s0  }
0xbc: {  	s0 =	sadd.s32 $0x8F2B, s0  }
0xbd: {  	[sflag:s0] =	ssyncadd.remote.s32 $0x1  }
0xbe: {  	_ =	sfence.sel $0xFFFF  }
0xbf: {  	[dreg:$0x0] =	wrdreg $0xFFFFFFFF;
	(pc) =	sbr.abs _section_cstart, $3  }
0xc0: {  	[dreg:$0x1] =	wrdreg $0xFFFFFFFF  }
0xc1: {  	_ =	task.clear_ibuf [dreg:s6], $0x2FFFF;
	_ =	strace $0x9FFFFFFF  }
0xc2: {  	(tm) =	ssettm $0x7FFFFFFF  }
0xc3: {  	_ =	shalt  }
tec
execute0_lowered:
.L_overlay_start_1:
0x0: {  	(tag) =	ssettag $0x1  }
0x1: {  	s4 =	rddreg [dreg:$0x0]  }
0x2: {  	s0 =	stileid.u32;
	s1 =	srdreg.scid  }
0x3: {  	s2 =	rddreg [dreg:$0x1];
	s3 =	simm.s32 $0x0;
	s11 =	simm.s32 $0x3  }
0x4: {  	s5 =	sand.u32 $0x1, s1;
	s6 =	smul.u32 $0x1388, s0;
	s1 =	rddreg [dreg:$0x2]  }
0x5: {  	s12 =	simm.s32 $0x0;
	[smem:$0x7FF] =	sst s3;
	s7 =	smul.u32 $0x13880, s5  }
0x6: {  	s8 =	sshll.u32 s0, $0x8;
	_ =	strace $0x8000004A;
	s9 =	ssub.s32 $0x2, s5  }
0x7: {  	s8 =	sadd.s32 s8, s4;
	s10 =	sshll.u32 s5, $0x7;
	s7 =	sadd.s32 s6, s7  }
0x8: {  	s31 =	sshrl.u32 s9, $0x1;
	s5 =	sadd.s32 s6, s2;
	s7 =	sshrl.u32 s7, $0x3  }
0x9: {  	s10 =	sadd.s32 s10, s8;
	s9 =	ssub.s32 s9, s31;
	s7 =	sadd.s32 s7, s4  }
0xa: {  	s8 =	sadd.s32 $0x3BF800, s10;
	s4 =	sshll.u32 s0, $0x1;
	s6 =	sadd.s32 $0x2200, s7  }
0xb: {  	v0 =	vimm.f32 $0.0e+00;
	s7 =	smax.u32 s9, $0x1;
	s9 =	sadd.s32 $0x371600, s10;
	s10 =	simm.s32 $0x800  }
.LBB2_1:
0xc: {  	s13 =	simm.s32 $0x40;
	s14 =	simm.s32 $0x0  }
.LBB2_2:
0xd: {  	p0 =	sne.s32 s13, $0x4DC0;
	[tilespmem:s14+$0x800] =	vst v0;
	s14 =	smov.u32 s13;
	s13 =	sadd.s32 $0x40, s13  }
.Ltmp0:
0xe: {  	(pc) =	sbr.rel @p0 .LBB2_2-.Ltmp0, $2  }
0xf: {  	_ =	sdelay $0x2  }
0x10: {  	s14 =	sshra.s32 s14, $0x2  }
0x11: {  	[tilespmem:s14+$0x800] =	vst v0  }
0x12: {  	[tilespmem:$0x1B78] =	vst v0  }
0x13: {  	[spmem:s5] =	stream.linear.scatter [tilespmem:s10], [sflag:$0x3], $0x1388, $0x38;
	[tilespmem:$0x2F88] =	vst v63  }
0x14: {  	_ =	swait.ge [sflag:s11], $0x1388  }
0x15: {  	[sflag:s11] =	ssyncset.done $0x0  }
0x16: {  	p0 =	sgt.u32 s4, $0x9C3;
	[sflag:s11] =	ssyncadd.s32 $0xFFFFEC78  }
0x17: {  	s13 =	sadd.s32 @!p0 $0x0, s9;
	s14 =	simm.s32 @!p0 $0x0;
	[bflag:$0x0] =	sbarrier.arrive $0xFFFF  }
0x18: {  	[tilespmem:s14], [sflag:$0x1] =	stream.linear.gather @!p0 [hbm4b:s13+s14], $0x400, $0x38;
	[tilespmem:$0x2F88] =	vst v63  }
0x19: {  	s15 =	simm.s32 @!p0 $0x400;
	s16 =	simm.s32 @!p0 $0x1;
	s13 =	sadd.s32 @!p0 $0x0, s8  }
0x1a: {  	[tilespmem:s15], [sflag:$0x1] =	stream.linear.gather @!p0 [hbm4b:s13+s14], $0x400, $0x38;
	[tilespmem:$0x2F88] =	vst v63  }
0x1b: {  	_ =	swait.ge @!p0 [sflag:s16], $0x400  }
0x1c: {  	[sflag:s16] =	ssyncset.done @!p0 $0x0;
	p0 =	por p0, p0  }
0x1d: {  	[sflag:s16] =	ssyncadd.s32 @!p0 $0xFFFFFC00  }
0x1e: {  	_ =	swait.ge @!p0 [sflag:s16], $0x400  }
0x1f: {  	[sflag:s16] =	ssyncset.done @!p0 $0x0  }
0x20: {  	s13 =	simm.s32 @!p0 $0x80;
	[sflag:s16] =	ssyncadd.s32 @!p0 $0xFFFFFC00  }
0x21: {  	[spmem:s2] =	stream.indirect.scatter.add.f32 @!p0 [tilespmem:s15], [sflag:$0x2], $0x1, s14, s13, $0xb8;
	[tilespmem:$0x2F88] =	vst v63  }
0x22: {  	s14 =	simm.s32 @!p0 $0x480  }
0x23: {  	[spmem:s2] =	stream.indirect.scatter.add.f32 @!p0 [tilespmem:s14], [sflag:$0x2], $0x1, s13, s13, $0xb8;
	[tilespmem:$0x2F88] =	vst v63  }
0x24: {  	s15 =	simm.s32 @!p0 $0x500;
	s14 =	simm.s32 @!p0 $0x100  }
0x25: {  	[spmem:s2] =	stream.indirect.scatter.add.f32 @!p0 [tilespmem:s15], [sflag:$0x2], $0x1, s14, s13, $0xb8;
	[tilespmem:$0x2F88] =	vst v63  }
0x26: {  	s14 =	simm.s32 @!p0 $0x180;
	s15 =	simm.s32 @!p0 $0x580  }
0x27: {  	[spmem:s2] =	stream.indirect.scatter.add.f32 @!p0 [tilespmem:s15], [sflag:$0x2], $0x1, s14, s13, $0xb8;
	[tilespmem:$0x2F88] =	vst v63  }
0x28: {  	s14 =	simm.s32 @!p0 $0x200;
	s15 =	simm.s32 @!p0 $0x600  }
0x29: {  	[spmem:s2] =	stream.indirect.scatter.add.f32 @!p0 [tilespmem:s15], [sflag:$0x2], $0x1, s14, s13, $0xb8;
	[tilespmem:$0x2F88] =	vst v63  }
0x2a: {  	s14 =	simm.s32 @!p0 $0x280;
	s15 =	simm.s32 @!p0 $0x680  }
0x2b: {  	[spmem:s2] =	stream.indirect.scatter.add.f32 @!p0 [tilespmem:s15], [sflag:$0x2], $0x1, s14, s13, $0xb8;
	[tilespmem:$0x2F88] =	vst v63  }
0x2c: {  	s14 =	simm.s32 @!p0 $0x300;
	s15 =	simm.s32 @!p0 $0x700  }
0x2d: {  	[spmem:s2] =	stream.indirect.scatter.add.f32 @!p0 [tilespmem:s15], [sflag:$0x2], $0x1, s14, s13, $0xb8;
	[tilespmem:$0x2F88] =	vst v63  }
0x2e: {  	s16 =	simm.s32 @!p0 $0x2;
	s14 =	simm.s32 @!p0 $0x380;
	s15 =	simm.s32 @!p0 $0x780  }
0x2f: {  	[spmem:s2] =	stream.indirect.scatter.add.f32 @!p0 [tilespmem:s15], [sflag:$0x2], $0x1, s14, s13, $0xb8;
	[tilespmem:$0x2F88] =	vst v63  }
0x30: {  	_ =	swait.ge @!p0 [sflag:s16], $0x80  }
0x31: {  	[sflag:s16] =	ssyncset.done @!p0 $0x0  }
0x32: {  	[sflag:s16] =	ssyncadd.s32 @!p0 $0xFFFFFF80  }
0x33: {  	_ =	swait.ge @!p0 [sflag:s16], $0x80  }
0x34: {  	[sflag:s16] =	ssyncset.done @!p0 $0x0  }
0x35: {  	[sflag:s16] =	ssyncadd.s32 @!p0 $0xFFFFFF80  }
0x36: {  	_ =	swait.ge @!p0 [sflag:s16], $0x80  }
0x37: {  	[sflag:s16] =	ssyncset.done @!p0 $0x0  }
0x38: {  	[sflag:s16] =	ssyncadd.s32 @!p0 $0xFFFFFF80  }
0x39: {  	_ =	swait.ge @!p0 [sflag:s16], $0x80  }
0x3a: {  	[sflag:s16] =	ssyncset.done @!p0 $0x0  }
0x3b: {  	[sflag:s16] =	ssyncadd.s32 @!p0 $0xFFFFFF80  }
0x3c: {  	_ =	swait.ge @!p0 [sflag:s16], $0x80  }
0x3d: {  	[sflag:s16] =	ssyncset.done @!p0 $0x0  }
0x3e: {  	[sflag:s16] =	ssyncadd.s32 @!p0 $0xFFFFFF80  }
0x3f: {  	_ =	swait.ge @!p0 [sflag:s16], $0x80  }
0x40: {  	[sflag:s16] =	ssyncset.done @!p0 $0x0  }
0x41: {  	[sflag:s16] =	ssyncadd.s32 @!p0 $0xFFFFFF80  }
0x42: {  	_ =	swait.ge @!p0 [sflag:s16], $0x80  }
0x43: {  	[sflag:s16] =	ssyncset.done @!p0 $0x0  }
0x44: {  	[sflag:s16] =	ssyncadd.s32 @!p0 $0xFFFFFF80  }
0x45: {  	s13 =	simm.s32 $0x1000;
	s14 =	sadd.s32 $0x20, s4;
	_ =	swait.ge @!p0 [sflag:s16], $0x80  }
0x46: {  	s15 =	simm.s32 $0x2000;
	p2 =	sgt.u32 s14, $0x9C3;
	[sflag:s16] =	ssyncset.done @!p0 $0x0  }
.LBB2_4:
0x47: {  	s17 =	sadd.s32 @!p2 s13, s9;
	s18 =	simm.s32 @!p2 $0x0;
	[sflag:s16] =	ssyncadd.s32 @!p0 $0xFFFFFF80  }
0x48: {  	[tilespmem:s18], [sflag:$0x1] =	stream.linear.gather @!p2 [hbm4b:s17+s18], $0x400, $0x38;
	[tilespmem:$0x2F88] =	vst v63  }
0x49: {  	s13 =	sadd.s32 @!p2 s13, s8;
	s16 =	simm.s32 @!p2 $0x400;
	s17 =	simm.s32 @!p2 $0x1  }
0x4a: {  	[tilespmem:s16], [sflag:$0x1] =	stream.linear.gather @!p2 [hbm4b:s13+s18], $0x400, $0x38;
	[tilespmem:$0x2F88] =	vst v63  }
0x4b: {  	s13 =	smov.u32 s15;
	s15 =	sadd.s32 $0x1000, s15;
	_ =	swait.ge @!p2 [sflag:s17], $0x400  }
0x4c: {  	p0 =	por p2, p2;
	p1 =	sne.s32 s15, $0x4F000;
	[sflag:s17] =	ssyncset.done @!p2 $0x0  }
0x4d: {  	[sflag:s17] =	ssyncadd.s32 @!p0 $0xFFFFFC00  }
0x4e: {  	_ =	swait.ge @!p0 [sflag:s17], $0x400  }
0x4f: {  	[sflag:s17] =	ssyncset.done @!p0 $0x0  }
0x50: {  	[sflag:s17] =	ssyncadd.s32 @!p0 $0xFFFFFC00;
	s17 =	simm.s32 @!p0 $0x80  }
0x51: {  	[spmem:s2] =	stream.indirect.scatter.add.f32 @!p0 [tilespmem:s16], [sflag:$0x2], $0x1, s18, s17, $0xb8;
	[tilespmem:$0x2F88] =	vst v63  }
0x52: {  	s16 =	simm.s32 @!p0 $0x480  }
0x53: {  	[spmem:s2] =	stream.indirect.scatter.add.f32 @!p0 [tilespmem:s16], [sflag:$0x2], $0x1, s17, s17, $0xb8;
	[tilespmem:$0x2F88] =	vst v63  }
0x54: {  	s18 =	simm.s32 @!p0 $0x500;
	s16 =	simm.s32 @!p0 $0x100  }
0x55: {  	[spmem:s2] =	stream.indirect.scatter.add.f32 @!p0 [tilespmem:s18], [sflag:$0x2], $0x1, s16, s17, $0xb8;
	[tilespmem:$0x2F88] =	vst v63  }
0x56: {  	s16 =	simm.s32 @!p0 $0x180;
	s18 =	simm.s32 @!p0 $0x580  }
0x57: {  	[spmem:s2] =	stream.indirect.scatter.add.f32 @!p0 [tilespmem:s18], [sflag:$0x2], $0x1, s16, s17, $0xb8;
	[tilespmem:$0x2F88] =	vst v63  }
0x58: {  	s16 =	simm.s32 @!p0 $0x200;
	s18 =	simm.s32 @!p0 $0x600  }
0x59: {  	[spmem:s2] =	stream.indirect.scatter.add.f32 @!p0 [tilespmem:s18], [sflag:$0x2], $0x1, s16, s17, $0xb8;
	[tilespmem:$0x2F88] =	vst v63  }
0x5a: {  	s16 =	simm.s32 @!p0 $0x280;
	s18 =	simm.s32 @!p0 $0x680  }
0x5b: {  	[spmem:s2] =	stream.indirect.scatter.add.f32 @!p0 [tilespmem:s18], [sflag:$0x2], $0x1, s16, s17, $0xb8;
	[tilespmem:$0x2F88] =	vst v63  }
0x5c: {  	s16 =	simm.s32 @!p0 $0x300;
	s18 =	simm.s32 @!p0 $0x700  }
0x5d: {  	[spmem:s2] =	stream.indirect.scatter.add.f32 @!p0 [tilespmem:s18], [sflag:$0x2], $0x1, s16, s17, $0xb8;
	[tilespmem:$0x2F88] =	vst v63  }
0x5e: {  	s19 =	simm.s32 @!p0 $0x780;
	s18 =	simm.s32 @!p0 $0x380;
	s16 =	simm.s32 @!p0 $0x2  }
0x5f: {  	[spmem:s2] =	stream.indirect.scatter.add.f32 @!p0 [tilespmem:s19], [sflag:$0x2], $0x1, s18, s17, $0xb8;
	[tilespmem:$0x2F88] =	vst v63  }
0x60: {  	_ =	swait.ge @!p0 [sflag:s16], $0x80  }
0x61: {  	[sflag:s16] =	ssyncset.done @!p0 $0x0  }
0x62: {  	[sflag:s16] =	ssyncadd.s32 @!p0 $0xFFFFFF80  }
0x63: {  	_ =	swait.ge @!p0 [sflag:s16], $0x80  }
0x64: {  	[sflag:s16] =	ssyncset.done @!p0 $0x0  }
0x65: {  	[sflag:s16] =	ssyncadd.s32 @!p0 $0xFFFFFF80  }
0x66: {  	_ =	swait.ge @!p0 [sflag:s16], $0x80  }
0x67: {  	[sflag:s16] =	ssyncset.done @!p0 $0x0  }
0x68: {  	[sflag:s16] =	ssyncadd.s32 @!p0 $0xFFFFFF80  }
0x69: {  	_ =	swait.ge @!p0 [sflag:s16], $0x80  }
0x6a: {  	[sflag:s16] =	ssyncset.done @!p0 $0x0  }
0x6b: {  	[sflag:s16] =	ssyncadd.s32 @!p0 $0xFFFFFF80  }
0x6c: {  	_ =	swait.ge @!p0 [sflag:s16], $0x80  }
0x6d: {  	[sflag:s16] =	ssyncset.done @!p0 $0x0  }
0x6e: {  	[sflag:s16] =	ssyncadd.s32 @!p0 $0xFFFFFF80  }
0x6f: {  	_ =	swait.ge @!p0 [sflag:s16], $0x80  }
0x70: {  	[sflag:s16] =	ssyncset.done @!p0 $0x0  }
0x71: {  	[sflag:s16] =	ssyncadd.s32 @!p0 $0xFFFFFF80  }
.Ltmp1:
0x72: {  	_ =	swait.ge @!p0 [sflag:s16], $0x80;
	(pc) =	sbr.rel @p1 .LBB2_4-.Ltmp1, $4  }
0x73: {  	[sflag:s16] =	ssyncset.done @!p0 $0x0  }
0x74: {  	[sflag:s16] =	ssyncadd.s32 @!p0 $0xFFFFFF80  }
0x75: {  	s14 =	sadd.s32 $0x20, s14;
	_ =	swait.ge @!p0 [sflag:s16], $0x80  }
0x76: {  	p2 =	sgt.u32 s14, $0x9C3;
	[sflag:s16] =	ssyncset.done @!p0 $0x0  }
0x77: {  	s14 =	sadd.s32 @!p2 s13, s9;
	s15 =	simm.s32 @!p2 $0x0;
	[sflag:s16] =	ssyncadd.s32 @!p0 $0xFFFFFF80  }
0x78: {  	[tilespmem:s15], [sflag:$0x1] =	stream.linear.gather @!p2 [hbm4b:s14+s15], $0x400, $0x38;
	[tilespmem:$0x2F88] =	vst v63  }
0x79: {  	s13 =	sadd.s32 @!p2 s13, s8;
	s16 =	simm.s32 @!p2 $0x1;
	s14 =	simm.s32 @!p2 $0x400  }
0x7a: {  	[tilespmem:s14], [sflag:$0x1] =	stream.linear.gather @!p2 [hbm4b:s13+s15], $0x400, $0x38;
	[tilespmem:$0x2F88] =	vst v63  }
0x7b: {  	_ =	swait.ge @!p2 [sflag:s16], $0x400  }
0x7c: {  	p0 =	por p2, p2;
	[sflag:s16] =	ssyncset.done @!p2 $0x0  }
0x7d: {  	[sflag:s16] =	ssyncadd.s32 @!p0 $0xFFFFFC00  }
0x7e: {  	_ =	swait.ge @!p0 [sflag:s16], $0x400  }
0x7f: {  	[sflag:s16] =	ssyncset.done @!p0 $0x0  }
0x80: {  	s13 =	simm.s32 @!p0 $0x80;
	[sflag:s16] =	ssyncadd.s32 @!p0 $0xFFFFFC00  }
0x81: {  	[spmem:s2] =	stream.indirect.scatter.add.f32 @!p0 [tilespmem:s14], [sflag:$0x2], $0x1, s15, s13, $0xb8;
	[tilespmem:$0x2F88] =	vst v63  }
0x82: {  	s14 =	simm.s32 @!p0 $0x480  }
0x83: {  	[spmem:s2] =	stream.indirect.scatter.add.f32 @!p0 [tilespmem:s14], [sflag:$0x2], $0x1, s13, s13, $0xb8;
	[tilespmem:$0x2F88] =	vst v63  }
0x84: {  	s15 =	simm.s32 @!p0 $0x500;
	s14 =	simm.s32 @!p0 $0x100  }
0x85: {  	[spmem:s2] =	stream.indirect.scatter.add.f32 @!p0 [tilespmem:s15], [sflag:$0x2], $0x1, s14, s13, $0xb8;
	[tilespmem:$0x2F88] =	vst v63  }
0x86: {  	s14 =	simm.s32 @!p0 $0x180;
	s15 =	simm.s32 @!p0 $0x580  }
0x87: {  	[spmem:s2] =	stream.indirect.scatter.add.f32 @!p0 [tilespmem:s15], [sflag:$0x2], $0x1, s14, s13, $0xb8;
	[tilespmem:$0x2F88] =	vst v63  }
0x88: {  	s14 =	simm.s32 @!p0 $0x200;
	s15 =	simm.s32 @!p0 $0x600  }
0x89: {  	[spmem:s2] =	stream.indirect.scatter.add.f32 @!p0 [tilespmem:s15], [sflag:$0x2], $0x1, s14, s13, $0xb8;
	[tilespmem:$0x2F88] =	vst v63  }
0x8a: {  	s14 =	simm.s32 @!p0 $0x280;
	s15 =	simm.s32 @!p0 $0x680  }
0x8b: {  	[spmem:s2] =	stream.indirect.scatter.add.f32 @!p0 [tilespmem:s15], [sflag:$0x2], $0x1, s14, s13, $0xb8;
	[tilespmem:$0x2F88] =	vst v63  }
0x8c: {  	s14 =	simm.s32 @!p0 $0x300;
	s15 =	simm.s32 @!p0 $0x700  }
0x8d: {  	[spmem:s2] =	stream.indirect.scatter.add.f32 @!p0 [tilespmem:s15], [sflag:$0x2], $0x1, s14, s13, $0xb8;
	[tilespmem:$0x2F88] =	vst v63  }
0x8e: {  	s16 =	simm.s32 @!p0 $0x2;
	s14 =	simm.s32 @!p0 $0x380;
	s15 =	simm.s32 @!p0 $0x780  }
0x8f: {  	[spmem:s2] =	stream.indirect.scatter.add.f32 @!p0 [tilespmem:s15], [sflag:$0x2], $0x1, s14, s13, $0xb8;
	[tilespmem:$0x2F88] =	vst v63  }
0x90: {  	_ =	swait.ge @!p0 [sflag:s16], $0x80  }
0x91: {  	[sflag:s16] =	ssyncset.done @!p0 $0x0  }
0x92: {  	[sflag:s16] =	ssyncadd.s32 @!p0 $0xFFFFFF80  }
0x93: {  	_ =	swait.ge @!p0 [sflag:s16], $0x80  }
0x94: {  	[sflag:s16] =	ssyncset.done @!p0 $0x0  }
0x95: {  	[sflag:s16] =	ssyncadd.s32 @!p0 $0xFFFFFF80  }
0x96: {  	_ =	swait.ge @!p0 [sflag:s16], $0x80  }
0x97: {  	[sflag:s16] =	ssyncset.done @!p0 $0x0  }
0x98: {  	[sflag:s16] =	ssyncadd.s32 @!p0 $0xFFFFFF80  }
0x99: {  	_ =	swait.ge @!p0 [sflag:s16], $0x80  }
0x9a: {  	[sflag:s16] =	ssyncset.done @!p0 $0x0  }
0x9b: {  	[sflag:s16] =	ssyncadd.s32 @!p0 $0xFFFFFF80  }
0x9c: {  	_ =	swait.ge @!p0 [sflag:s16], $0x80  }
0x9d: {  	[sflag:s16] =	ssyncset.done @!p0 $0x0  }
0x9e: {  	[sflag:s16] =	ssyncadd.s32 @!p0 $0xFFFFFF80  }
0x9f: {  	_ =	swait.ge @!p0 [sflag:s16], $0x80  }
0xa0: {  	[sflag:s16] =	ssyncset.done @!p0 $0x0  }
0xa1: {  	[sflag:s16] =	ssyncadd.s32 @!p0 $0xFFFFFF80  }
0xa2: {  	_ =	swait.ge @!p0 [sflag:s16], $0x80  }
0xa3: {  	[sflag:s16] =	ssyncset.done @!p0 $0x0  }
0xa4: {  	[sflag:s16] =	ssyncadd.s32 @!p0 $0xFFFFFF80  }
0xa5: {  	_ =	swait.ge @!p0 [sflag:s16], $0x80  }
0xa6: {  	[sflag:s16] =	ssyncset.done @!p0 $0x0  }
0xa7: {  	[sflag:s16] =	ssyncadd.s32 @!p0 $0xFFFFFF80  }
0xa8: {  	[bflag:$0x0] =	sbarrier.arrive $0xFFFF  }
0xa9: {  	[tilespmem:s10], [sflag:$0x3] =	stream.linear.gather [spmem:s5], $0x1388, $0x38;
	[tilespmem:$0x2F88] =	vst v63  }
0xaa: {  	s12 =	sadd.s32 $0x1, s12;
	_ =	swait.ge [sflag:s11], $0x1388  }
0xab: {  	p0 =	sne.s32 s12, s7;
	[sflag:s11] =	ssyncset.done $0x0  }
.Ltmp2:
0xac: {  	[sflag:s11] =	ssyncadd.s32 $0xFFFFEC78;
	(pc) =	sbr.rel @p0 .LBB2_1-.Ltmp2, $4  }
0xad: {  	[hbm4b:s6+s3] =	stream.linear.scatter [tilespmem:s10], [sflag:$0x3], $0x1388, $0x38;
	[tilespmem:$0x2F88] =	vst v63  }
0xae: {  	_ =	swait.ge [sflag:s11], $0x1388  }
0xaf: {  	[sflag:s11] =	ssyncset.done $0x0  }
0xb0: {  	[sflag:s11] =	ssyncadd.s32 $0xFFFFEC78  }
0xb1: {  	_ =	sfence.sel $0x180000  }
0xb2: {  	[bflag:$0x0] =	sbarrier.arrive $0xFFFF  }
0xb3: {  	p0 =	sne.s32 s0, $0x0;
	_ =	strace $0x9000004A  }
0xb4: {  	s0 =	sadd.s32 @!p0 $0x100000, s1;
	[bflag:$0x2] =	sbarrier.arrive $0xFFFF  }
0xb5: {  	[sflag:s0] =	ssyncadd.tile.s32 @!p0 $0x1;
	_ =	shalt  }
.Lfunc_end2:
_tile_overlayer_lowered:
.L_overlay_start_2:
0xb6: {  	(tag) =	ssettag $0x2  }
0xb7: {  	s0 =	rddreg [dreg:$0x0];
	s2 =	stileid.u32  }
0xb8: {  	s1 =	rddreg [dreg:$0x1];
	p0 =	sne.s32 s2, $0x0  }
0xb9: {  	s3 =	rddreg [dreg:$0x2];
	[bflag:$0x3] =	sbarrier.arrive $0xFFFF;
	s2 =	simm.s32 @!p0 $0x1C03  }
0xba: {  	[timem:s3], [sflag:s2] =	dma.local @!p0 [hbm:s0], s1  }
0xbb: {  	s0 =	simm.s32 @!p0 $0x3  }
0xbc: {  	_ =	swait.ge @!p0 [sflag:s0], s1  }
0xbd: {  	s1 =	ssub.s32 @!p0 $0x0, s1;
	[sflag:s0] =	ssyncset.done @!p0 $0x0  }
0xbe: {  	[sflag:s0] =	ssyncadd.s32 @!p0 s1  }
0xbf: {  	[bflag:$0x3] =	sbarrier.arrive $0xFFFF  }
0xc0: {  	_ =	shalt  }

// kernel: kernel.7.cloned.1.call-start
scs
__scs_entry_jumppad:
0x0: {  	(pc) =	sbr.rel $0x88, $3  }
0x1: {  	(tag) =	ssettag $0x0;
	lr =	simm.s32 $0x1  }
0x2: {  	[smem:$0x3F93] =	sst lr;
	_ =	strace $0xD0000000  }
0x3: {  	_ = 	snop  }
0x4: {  	_ = 	snop  }
0x5: {  	_ = 	snop  }
0x6: {  	_ = 	snop  }
0x7: {  	_ = 	snop  }
__scs_overlays_trampoline_lowered:
0x8: {  	[smem:$0x3FA2] =	sst s0  }
0x9: {  	[smem:$0x3FA3] =	sst s1  }
0xa: {  	[smem:$0x3FA4] =	sst s2  }
0xb: {  	[smem:$0x3FA5] =	sst s3  }
0xc: {  	[smem:$0x3FA6] =	sst s4  }
0xd: {  	[smem:$0x3FA7] =	sst s5  }
0xe: {  	[smem:$0x3FA8] =	sst s6  }
0xf: {  	[smem:$0x3FA9] =	sst s7  }
0x10: {  	[smem:$0x3FAA] =	sst s8  }
0x11: {  	[smem:$0x3FAB] =	sst s9;
	s0 =	simm.s32 @!p0 $0x0  }
0x12: {  	s1 =	sld [smem:$0x3F91];
	s0 =	simm.s32 @p0 $0x1  }
0x13: {  	[smem:$0x3FAC] =	sst s0;
	s0 =	simm.s32 @!p1 $0x0  }
0x14: {  	s2 =	sld [smem:$0x3F90];
	s0 =	simm.s32 @p1 $0x1  }
0x15: {  	[smem:$0x3FAD] =	sst s0;
	s0 =	simm.s32 @!p2 $0x0  }
0x16: {  	s3 =	sld [smem:$0x3FDB];
	s0 =	simm.s32 @p2 $0x1  }
0x17: {  	s4 =	simm.s32 $0x1BF5;
	[smem:$0x3FAF] =	sst s0  }
0x18: {  	s0 =	sld [smem:$0x3F92];
	_ =	swait.ge [sflag:s4], $0x0  }
0x19: {  	s7 =	sld [smem:$0x3F93]  }
0x1a: {  	s8 =	sadd.s32 $0xFFFFE003, lr  }
0x1b: {  	s9 =	sadd.s32 $0xFFFFFEF7, lr;
	s5 =	simm.s32 $0xFFFFFFFF;
	p2 =	slt.u32 s8, $0xFFFFF086  }
0x1c: {  	p1 =	slt.u32 s9, $0xF7A;
	s5 =	simm.s32 @!p2 $0x0  }
0x1d: {  	s5 =	simm.s32 @p1 $0x1;
	p0 =	seq.s32 s7, s2  }
0x1e: {  	s7 =	smul.u32 @!p0 $0xF7A, s2;
	p2 =	seq.s32 @!p0 s5, $0x0  }
0x1f: {  	s9 =	smul.u32 $0xF7A, s1;
	s8 =	simm.s32 @!p0 $0x1BF5;
	p2 =	por !p2, p0  }
0x20: {  	[sflag:s8] =	ssyncset.s32 @!p0 $0xFFFFF086;
	s6 =	sadd.s32 @!p0 s3, s7;
	s7 =	simm.s32 @!p0 $0x108  }
0x21: {  	s3 =	sadd.s32 s3, s9;
	s6 =	sadd.s32 @!p0 $0x88, s6;
	s7 =	simm.s32 @p2 $0x1082  }
0x22: {  	[simem:s7], [sflag:s8] =	dma.local @!p0 [hbm:s6], $0xF7A  }
0x23: {  	s9 =	sor.u32 $0xD0000000, s2;
	s6 =	simm.s32 $0x108;
	_ =	swait.ge @!p0 [sflag:s8], $0x0  }
0x24: {  	s3 =	sadd.s32 $0x88, s3;
	s6 =	simm.s32 @!p1 $0x1082;
	[sflag:s4] =	ssyncset.s32 $0xFFFFF086  }
0x25: {  	[simem:s6], [sflag:s4] =	dma.local [hbm:s3], $0xF7A  }
0x26: {  	[smem:$0x3F93] =	sst s1;
	(tag) =	ssettag s2;
	_ =	strace s9  }
0x27: {  	s1 =	sld [smem:$0x3FA3]  }
0x28: {  	s2 =	sld [smem:$0x3FA4]  }
0x29: {  	s4 =	sld [smem:$0x3FA6]  }
0x2a: {  	p0 =	seq.s32 s5, $0x0;
	s5 =	sld [smem:$0x3FA7]  }
0x2b: {  	s6 =	sld [smem:$0x3FA8]  }
0x2c: {  	s7 =	sld [smem:$0x3FA9]  }
0x2d: {  	s3 =	simm.s32 $0x108;
	s8 =	sld [smem:$0x3FAA]  }
0x2e: {  	s3 =	simm.s32 @!p0 $0x1082;
	s9 =	sld [smem:$0x3FAB]  }
0x2f: {  	lr =	sadd.s32 s0, s3;
	s0 =	sld [smem:$0x3FA2]  }
0x30: {  	s3 =	sld [smem:$0x3FA5]  }
0x31: {  	[smem:$0x3FAE] =	sst s10  }
0x32: {  	s10 =	sld [smem:$0x3FAC];
	_ =	sdelay $0x3  }
0x33: {  	p0 =	seq.s32 s10, $0x1;
	s10 =	sld [smem:$0x3FAE];
	_ =	sdelay $0x3  }
0x34: {  	[smem:$0x3FAE] =	sst s10  }
0x35: {  	s10 =	sld [smem:$0x3FAD];
	_ =	sdelay $0x3  }
0x36: {  	p1 =	seq.s32 s10, $0x1;
	s10 =	sld [smem:$0x3FAE];
	_ =	sdelay $0x3  }
0x37: {  	[smem:$0x3FAE] =	sst s10  }
0x38: {  	s10 =	sld [smem:$0x3FAF]  }
0x39: {  	_ = 	snop;
	(pc) =	sbr.ind lr, $3  }
0x3a: {  	_ = 	snop  }
0x3b: {  	_ = 	snop  }
0x3c: {  	p2 =	seq.s32 s10, $0x1;
	s10 =	sld [smem:$0x3FAE]  }
0x3d: {  	_ =	shalt  }
0x3e: {  	_ =	shalt  }
0x3f: {  	_ =	shalt  }
0x40: {  	_ =	shalt  }
0x41: {  	_ =	shalt  }
0x42: {  	_ =	shalt  }
0x43: {  	_ =	shalt  }
0x44: {  	_ =	shalt  }
0x45: {  	_ =	shalt  }
0x46: {  	_ =	shalt  }
0x47: {  	_ =	shalt  }
0x48: {  	_ =	shalt  }
0x49: {  	_ =	shalt  }
0x4a: {  	_ =	shalt  }
0x4b: {  	_ =	shalt  }
0x4c: {  	_ =	shalt  }
0x4d: {  	_ =	shalt  }
0x4e: {  	_ =	shalt  }
0x4f: {  	_ =	shalt  }
0x50: {  	_ =	shalt  }
0x51: {  	_ =	shalt  }
0x52: {  	_ =	shalt  }
0x53: {  	_ =	shalt  }
0x54: {  	_ =	shalt  }
0x55: {  	_ =	shalt  }
0x56: {  	_ =	shalt  }
0x57: {  	_ =	shalt  }
0x58: {  	_ =	shalt  }
0x59: {  	_ =	shalt  }
0x5a: {  	_ =	shalt  }
0x5b: {  	_ =	shalt  }
0x5c: {  	_ =	shalt  }
0x5d: {  	_ =	shalt  }
0x5e: {  	_ =	shalt  }
0x5f: {  	_ =	shalt  }
0x60: {  	_ =	shalt  }
0x61: {  	_ =	shalt  }
0x62: {  	_ =	shalt  }
0x63: {  	_ =	shalt  }
0x64: {  	_ =	shalt  }
0x65: {  	_ =	shalt  }
0x66: {  	_ =	shalt  }
0x67: {  	_ =	shalt  }
0x68: {  	_ =	shalt  }
0x69: {  	_ =	shalt  }
0x6a: {  	_ =	shalt  }
0x6b: {  	_ =	shalt  }
0x6c: {  	_ =	shalt  }
0x6d: {  	_ =	shalt  }
0x6e: {  	_ =	shalt  }
0x6f: {  	_ =	shalt  }
0x70: {  	_ =	shalt  }
0x71: {  	_ =	shalt  }
0x72: {  	_ =	shalt  }
0x73: {  	_ =	shalt  }
0x74: {  	_ =	shalt  }
0x75: {  	_ =	shalt  }
0x76: {  	_ =	shalt  }
0x77: {  	_ =	shalt  }
0x78: {  	_ =	shalt  }
0x79: {  	_ =	shalt  }
0x7a: {  	_ =	shalt  }
0x7b: {  	_ =	shalt  }
0x7c: {  	_ =	shalt  }
0x7d: {  	_ =	shalt  }
0x7e: {  	_ =	shalt  }
0x7f: {  	_ =	shalt  }
0x80: {  	_ =	shalt  }
0x81: {  	_ =	shalt  }
0x82: {  	_ =	shalt  }
0x83: {  	_ =	shalt  }
0x84: {  	_ =	shalt  }
0x85: {  	_ =	shalt  }
0x86: {  	_ =	shalt  }
0x87: {  	_ =	shalt  }
.Lfunc_end0:
.L_simem_size_0:
called_computation_lowered:
.L_overlay_start_0:
0x88: {  	s2 =	sld [smem:$0x3FD9]  }
0x89: {  	s3 =	sld [smem:$0x3FFE];
	_ =	sdelay $0x1  }
0x8a: {  	s1 =	srdreg.scid  }
0x8b: {  	s0 =	sand.u32 $0x1, s1  }
0x8c: {  	s17 =	sshll.u32 s0, $0xA;
	s2 =	sadd.s32 s3, s2  }
0x8d: {  	s2 =	sadd.s32 s2, s17  }
0x8e: {  	[smem:$0x3FBA] =	sst s2  }
0x8f: {  	_ = 	snop  }
0x90: {  	s2 =	sld [smem:$0x3FD0];
	(tm) =	ssettm $0x1  }
0x91: {  	s18 =	sld [smem:$0x3FFB];
	_ =	sdelay $0x3  }
0x92: {  	_ =	strace s18  }
0x93: {  	s3 =	sld [smem:$0x3FFC];
	_ =	sdelay $0x3  }
0x94: {  	_ =	strace s3  }
0x95: {  	s3 =	sld [smem:$0x3FFD];
	_ =	sdelay $0x3  }
0x96: {  	_ =	strace s3  }
0x97: {  	_ =	strace $0x8FFFFFFF  }
0x98: {  	s19 =	sld [smem:$0x3FDB];
	_ =	sdelay $0x1  }
0x99: {  	s4 =	simm.s32 $_scs_section_size  }
0x9a: {  	s5 =	simm.s32 $_size__tile_overlayer_lowered;
	s6 =	simm.s32 $_tile_overlayer_lowered  }
0x9b: {  	s22 =	simm.s32 $0x1BFF;
	s21 =	sshll.u32 s6, $0x1;
	s3 =	sadd.s32 s4, s19  }
0x9c: {  	s7 =	simm.s32 $0x0;
	s20 =	sshll.u32 s5, $0x1;
	s5 =	sadd.s32 s21, s3  }
0x9d: {  	[timem:s7], [sflag:s22] =	dma.local [hbm:s5], s20  }
0x9e: {  	_ =	swait.ge [sflag:s22], s20  }
0x9f: {  	s4 =	ssub.s32 $0x0, s20;
	[sflag:s22] =	ssyncset.done $0x0  }
0xa0: {  	[sflag:s22] =	ssyncadd.s32 s4;
	_ =	sdelay $0x1  }
0xa1: {  	s23 =	simm.s32 $0x1B8B  }
0xa2: {  	_ =	swait.ge [sflag:s23], $0x1  }
0xa3: {  	[sflag:s23] =	ssyncset.done $0x0  }
0xa4: {  	s25 =	simm.s32 $0x1B8E;
	s24 =	sld [smem:$0x3FFE];
	[sflag:s23] =	ssyncadd.s32 $0xFFFFFFFF  }
0xa5: {  	s26 =	simm.s32 $execute0_lowered;
	[smem:$0x3FD2] =	sst s25  }
0xa6: {  	s5 =	sshll.u32 s26, $0x1;
	_ =	strace $0x80000046;
	[dreg:$0x1] =	wrdreg $0xFFFFFFFF  }
0xa7: {  	s28 =	simm.s32 $_size_execute0_lowered;
	s3 =	sadd.s32 s3, s5;
	[dreg:$0x0] =	wrdreg $0x0  }
0xa8: {  	s5 =	sshll.u32 s28, $0x1;
	[dreg:$0x2] =	wrdreg s3  }
0xa9: {  	[dreg:$0x3] =	wrdreg s5  }
0xaa: {  	[dreg:$0x4] =	wrdreg $0xC0  }
0xab: {  	_ =	task [dreg:s7], $0x5FFFF  }
0xac: {  	[dreg:$0x1] =	wrdreg $0xFFFFFFFF  }
0xad: {  	[dreg:$0x0] =	wrdreg $0x60  }
0xae: {  	[dreg:$0x2] =	wrdreg s24  }
0xaf: {  	[dreg:$0x3] =	wrdreg s2  }
0xb0: {  	[dreg:$0x4] =	wrdreg $0x9  }
0xb1: {  	_ =	task.clear_ibuf [dreg:s7], $0x5FFFF;
	_ =	strace $0x90000046  }
0xb2: {  	s29 =	simm.s32 $0x9;
	_ =	strace $0x80000048  }
0xb3: {  	_ =	swait.ge [sflag:s29], $0x1  }
0xb4: {  	[sflag:s29] =	ssyncadd.s32 $0xFFFFFFFF  }
0xb5: {  	_ =	strace $0x90000048  }
0xb6: {  	_ =	sfence  }
0xb7: {  	s30 =	sld [smem:$0x0];
	_ =	sdelay $0x2  }
0xb8: {  	s31 =	sshll.u32 s1, $0xD;
	s1 =	sshrl.u32 s1, $0x2  }
0xb9: {  	s3 =	sand.u32 $0x4000, s31;
	s1 =	sadd.s32 s1, s30  }
0xba: {  	s0 =	sor.u32 s3, s0;
	s1 =	sshll.u32 s1, $0x11  }
0xbb: {  	s0 =	sor.u32 s1, s0  }
0xbc: {  	s0 =	sadd.s32 $0x8F2B, s0  }
0xbd: {  	[sflag:s0] =	ssyncadd.remote.s32 $0x1  }
0xbe: {  	_ =	sfence.sel $0xFFFF  }
0xbf: {  	[dreg:$0x0] =	wrdreg $0xFFFFFFFF;
	(pc) =	sbr.abs _section_cstart, $3  }
0xc0: {  	[dreg:$0x1] =	wrdreg $0xFFFFFFFF  }
0xc1: {  	_ =	task.clear_ibuf [dreg:s7], $0x2FFFF;
	_ =	strace $0x9FFFFFFF  }
0xc2: {  	(tm) =	ssettm $0x7FFFFFFF  }
0xc3: {  	_ =	shalt  }
tec
execute0_lowered:
.L_overlay_start_1:
0x0: {  	(tag) =	ssettag $0x1  }
0x1: {  	s0 =	rddreg [dreg:$0x0];
	s2 =	simm.s32 $0x0;
	s1 =	srdreg.scid  }
0x2: {  	s3 =	stileid.u32;
	s18 =	simm.s32 $0x10400;
	s20 =	simm.s32 $0x80  }
0x3: {  	s21 =	simm.s32 $0x100;
	s29 =	simm.s32 $0x40;
	s30 =	simm.s32 $0x200  }
0x4: {  	s17 =	simm.s32 $0x17980;
	s19 =	simm.s32 $0x1;
	s28 =	simm.s32 $0x8200  }
0x5: {  	s31 =	simm.s32 $0x8280;
	[smem:$0x7FF] =	sst s2;
	s4 =	sadd.s32 $0x77800, s0  }
0x6: {  	s5 =	sadd.s32 $0x2200, s0;
	s1 =	sand.u32 $0x1, s1;
	s3 =	sshll.u32 s3, $0x1  }
0x7: {  	s6 =	sadd.s32 $0x29400, s0;
	s7 =	sadd.s32 $0x50600, s0;
	s9 =	sadd.s32 $0x9EA00, s0  }
0x8: {  	s10 =	sadd.s32 $0x100600, s0;
	s12 =	sadd.s32 $0xB2400, s0;
	s8 =	sor.u32 s1, s3  }
0x9: {  	_ =	strace $0x80000047;
	s1 =	ssub.s32 $0x2, s1;
	s3 =	sshll.u32 s8, $0x3  }
0xa: {  	v0 =	vlaneseq.u32;
	s11 =	sshrl.u32 s1, $0x1;
	s26 =	sor.u32 $0x40, s8;
	s3 =	sadd.s32 s9, s3  }
0xb: {  	v0 =	vmul.u32 $0x10, v0;
	s22 =	ssub.s32 s1, s11;
	[dreg:$0x7] =	wrdreg s26;
	s1 =	simm.s32 $0x8400  }
.Ltmp0:
0xc: {  	s23 =	sadd.s32 $0x4E20, s3;
	[dreg:$0x3] =	wrdreg s3;
	(pc) =	sbr.rel .LBB2_1-.Ltmp0, $4  }
0xd: {  	v1 =	vimm.f32 $0.0e+00;
	v2 =	vor.u32 $0x1, v0;
	v3 =	vor.u32 $0x2, v0;
	s11 =	simm.s32 $0x4;
	s24 =	sadd.s32 $0x9C40, s3;
	[dreg:$0x4] =	wrdreg s23  }
0xe: {  	v4 =	vor.u32 $0x100, v0;
	v5 =	vor.u32 $0x101, v0;
	v6 =	vor.u32 $0x102, v0;
	s25 =	sadd.s32 $0xEA60, s3;
	s0 =	smax.u32 s22, $0x1;
	[dreg:$0x5] =	wrdreg s24  }
0xf: {  	v7 =	vor.u32 $0x200, v0;
	v8 =	vor.u32 $0x201, v0;
	v9 =	vor.u32 $0x202, v0;
	s22 =	simm.s32 $0x180;
	s3 =	simm.s32 $0x6200;
	[dreg:$0x6] =	wrdreg s25  }
0x10: {  	v10 =	vor.u32 $0x300, v0;
	v11 =	vor.u32 $0x301, v0;
	v12 =	vor.u32 $0x302, v0;
	[dreg:$0x8] =	wrdreg s0;
	s23 =	simm.s32 $0x2;
	s0 =	simm.s32 $0x0  }
.LBB2_16:
0x11: {  	s0 =	rddreg [dreg:$0x9]  }
0x12: {  	s13 =	rddreg [dreg:$0x8];
	s0 =	sadd.s32 $0x1, s0  }
0x13: {  	p0 =	sne.s32 s0, s13  }
.Ltmp1:
0x14: {  	_ = 	snop;
	(pc) =	sbr.rel @!p0 .LBB2_17-.Ltmp1, $1  }
0x15: {  	_ =	sdelay $0x3  }
.LBB2_1:
0x16: {  	[dreg:$0x9] =	wrdreg s0  }
0x17: {  	s13 =	rddreg [dreg:$0x1];
	s26 =	simm.s32 $0x3  }
0x18: {  	[tilespmem:s18], [sflag:$0x3] =	stream.linear.gather [hbm4b:s13+s2], $0x7580, $0x38;
	[tilespmem:$0x17D80] =	vst v63  }
0x19: {  	_ =	swait.ge [sflag:s26], $0x7580  }
0x1a: {  	[sflag:s26] =	ssyncset.done $0x0  }
0x1b: {  	s14 =	simm.s32 $0x0;
	s13 =	simm.s32 $0x40;
	[sflag:s26] =	ssyncadd.s32 $0xFFFF8A80  }
.LBB2_2:
0x1c: {  	p0 =	sne.s32 s13, $0xFC0;
	[tilespmem:s14+$0x17980] =	vst v1;
	s14 =	smov.u32 s13;
	s13 =	sadd.s32 $0x40, s13  }
.Ltmp2:
0x1d: {  	(pc) =	sbr.rel @p0 .LBB2_2-.Ltmp2, $2  }
0x1e: {  	_ =	sdelay $0x2  }
0x1f: {  	s14 =	sshra.s32 s14, $0x2  }
0x20: {  	[tilespmem:s14+$0x17980] =	vst v1;
	s14 =	simm.s32 $0x0;
	s13 =	rddreg [dreg:$0x3]  }
0x21: {  	[tilespmem:s14], [sflag:$0x2] =	stream.linear.gather [hbm4b:s13+s14], $0x40, $0x38;
	[tilespmem:$0x17D80] =	vst v63  }
0x22: {  	s24 =	rddreg [dreg:$0x4]  }
0x23: {  	[tilespmem:s20], [sflag:$0x2] =	stream.linear.gather [hbm4b:s24+s14], $0x40, $0x38;
	[tilespmem:$0x17D80] =	vst v63  }
.Ltmp3:
0x24: {  	_ = 	snop;
	(pc) =	sbr.rel .LBB2_4-.Ltmp3, $4  }
0x25: {  	s25 =	rddreg [dreg:$0x5]  }
0x26: {  	[tilespmem:s21], [sflag:$0x2] =	stream.linear.gather [hbm4b:s25+s14], $0x40, $0x38;
	[tilespmem:$0x17D80] =	vst v63  }
0x27: {  	s26 =	rddreg [dreg:$0x6]  }
0x28: {  	[tilespmem:s22], [sflag:$0x2] =	stream.linear.gather [hbm4b:s26+s14], $0x40, $0x38;
	[tilespmem:$0x17D80] =	vst v63  }
.LBB2_13:
0x29: {  	v34 =	vld [tilespmem:s15+$0x270];
	v18 =	vadd.f32 v18, v30;
	v22 =	vadd.f32 v22, v31  }
0x2a: {  	v53 =	vld [tilespmem:s15+$0x4260];
	v17 =	vadd.f32 v17, v32;
	v21 =	vadd.f32 v21, v33  }
0x2b: {  	v54 =	vld [tilespmem:s15+$0x4270];
	v55 =	vadd.f32 v25, v28;
	v57 =	vadd.f32 v23, v29  }
0x2c: {  	v56 =	vld [tilespmem:s15+$0x6260];
	v59 =	vadd.f32 v26, v27;
	v16 =	vadd.f32 v16, v22  }
0x2d: {  	v60 =	vld [tilespmem:s15+$0x6270];
	v15 =	vadd.f32 v15, v21;
	[tilespmem:s15+$0x200] =	vst v18;
	v58 =	vadd.f32 v20, v55  }
0x2e: {  	[tilespmem:s15+$0x210] =	vst v17;
	v61 =	vadd.f32 v19, v57;
	v62 =	vadd.f32 v24, v34  }
0x2f: {  	[tilespmem:s15+$0x220] =	vst v16;
	v14 =	vadd.f32 v14, v58;
	v63 =	vadd.f32 v53, v59  }
0x30: {  	[tilespmem:s15+$0x230] =	vst v15;
	v13 =	vadd.f32 v13, v61;
	v15 =	vadd.f32 v54, v62  }
0x31: {  	[tilespmem:s15+$0x240] =	vst v14;
	v14 =	vadd.f32 v56, v63  }
0x32: {  	[tilespmem:s15+$0x250] =	vst v13;
	v13 =	vadd.f32 v60, v15  }
0x33: {  	s13 =	sshll.u32 s13, $0xA;
	[tilespmem:s15+$0x260] =	vst v14  }
0x34: {  	s13 =	sadd.s32 s10, s13;
	[tilespmem:s15+$0x270] =	vst v13  }
0x35: {  	[hbm4b:s13+s2] =	stream.linear.scatter [tilespmem:s30], [sflag:$0x3], $0x2000, $0x38;
	[tilespmem:$0x17D80] =	vst v63  }
0x36: {  	s13 =	simm.s32 $0x3  }
.LBB2_14:
0x37: {  	_ =	swait.ge [sflag:s13], $0x2000  }
0x38: {  	[sflag:s13] =	ssyncset.done $0x0  }
0x39: {  	[sflag:s13] =	ssyncadd.s32 $0xFFFFE000  }
.LBB2_15:
0x3a: {  	s14 =	sadd.s32 $0x1, s14  }
0x3b: {  	p0 =	sne.s32 s14, $0x28  }
.Ltmp4:
0x3c: {  	_ = 	snop;
	(pc) =	sbr.rel @!p0 .LBB2_16-.Ltmp4, $1  }
0x3d: {  	_ =	sdelay $0x3  }
.LBB2_4:
0x3e: {  	s16 =	sshll.u32 s14, $0x6  }
0x3f: {  	s13 =	sor.u32 s8, s16  }
0x40: {  	p0 =	sgt.u32 s13, $0x9C3  }
.Ltmp5:
0x41: {  	_ = 	snop;
	(pc) =	sbr.rel @p0 .LBB2_15-.Ltmp5, $1  }
0x42: {  	_ =	sdelay $0x3  }
0x43: {  	_ =	swait.ge [sflag:s23], $0x40  }
0x44: {  	[sflag:s23] =	ssyncset.done $0x0  }
0x45: {  	[sflag:s23] =	ssyncadd.s32 $0xFFFFFFC0  }
0x46: {  	_ =	swait.ge [sflag:s23], $0x40  }
0x47: {  	[sflag:s23] =	ssyncset.done $0x0  }
0x48: {  	s15 =	sor.u32 $0x20, s13;
	[sflag:s23] =	ssyncadd.s32 $0xFFFFFFC0  }
0x49: {  	p0 =	sgt.u32 s15, $0x9C3;
	_ =	swait.ge [sflag:s23], $0x40  }
.Ltmp6:
0x4a: {  	[sflag:s23] =	ssyncset.done $0x0;
	(pc) =	sbr.rel @p0 .LBB2_11-.Ltmp6, $4  }
0x4b: {  	[sflag:s23] =	ssyncadd.s32 $0xFFFFFFC0  }
0x4c: {  	_ =	swait.ge [sflag:s23], $0x40  }
0x4d: {  	[sflag:s23] =	ssyncset.done $0x0  }
0x4e: {  	[sflag:s23] =	ssyncadd.s32 $0xFFFFFFC0  }
0x4f: {  	s25 =	sshll.u32 s15, $0x3  }
0x50: {  	s24 =	simm.s32 $0x0;
	s26 =	sadd.s32 s9, s25;
	s25 =	sand.u32 $0x1FFFFFF8, s25  }
0x51: {  	[tilespmem:s28], [sflag:$0x2] =	stream.linear.gather [hbm4b:s26+s24], $0x40, $0x38;
	[tilespmem:$0x17D80] =	vst v63  }
0x52: {  	s25 =	sadd.s32 s9, s25  }
0x53: {  	s0 =	sadd.s32 $0x4E20, s25  }
0x54: {  	[tilespmem:s31], [sflag:$0x2] =	stream.linear.gather [hbm4b:s0+s24], $0x40, $0x38;
	[tilespmem:$0x17D80] =	vst v63  }
0x55: {  	s26 =	sadd.s32 $0x9C40, s25;
	s0 =	simm.s32 $0x8300  }
0x56: {  	[tilespmem:s0], [sflag:$0x2] =	stream.linear.gather [hbm4b:s26+s24], $0x40, $0x38;
	[tilespmem:$0x17D80] =	vst v63  }
0x57: {  	s25 =	sadd.s32 $0xEA60, s25;
	s26 =	simm.s32 $0x8380  }
0x58: {  	[tilespmem:s26], [sflag:$0x2] =	stream.linear.gather [hbm4b:s25+s24], $0x40, $0x38;
	[tilespmem:$0x17D80] =	vst v63  }
0x59: {  	_ =	swait.ge [sflag:s23], $0x40  }
0x5a: {  	[sflag:s23] =	ssyncset.done $0x0  }
0x5b: {  	[sflag:s23] =	ssyncadd.s32 $0xFFFFFFC0  }
0x5c: {  	_ =	swait.ge [sflag:s23], $0x40  }
0x5d: {  	[sflag:s23] =	ssyncset.done $0x0  }
0x5e: {  	[sflag:s23] =	ssyncadd.s32 $0xFFFFFFC0  }
0x5f: {  	_ =	swait.ge [sflag:s23], $0x40  }
0x60: {  	[sflag:s23] =	ssyncset.done $0x0  }
0x61: {  	[sflag:s23] =	ssyncadd.s32 $0xFFFFFFC0  }
0x62: {  	_ =	swait.ge [sflag:s23], $0x40  }
0x63: {  	[sflag:s23] =	ssyncset.done $0x0  }
0x64: {  	[sflag:s23] =	ssyncadd.s32 $0xFFFFFFC0  }
0x65: {  	[tilespmem:s30], [sflag:$0x1] =	stream.indirect.gather [hbm4b:s4+s29], $0x80, s24, s29, $0xb8;
	[tilespmem:$0x17D80] =	vst v63  }
0x66: {  	s25 =	simm.s32 $0x2200  }
0x67: {  	[tilespmem:s25], [sflag:$0x1] =	stream.indirect.gather [hbm4b:s5+s29], $0x80, s20, s29, $0xb8;
	[tilespmem:$0x17D80] =	vst v63  }
0x68: {  	s25 =	simm.s32 $0x4200  }
0x69: {  	[tilespmem:s25], [sflag:$0x1] =	stream.indirect.gather [hbm4b:s6+s29], $0x80, s21, s29, $0xb8;
	[tilespmem:$0x17D80] =	vst v63  }
0x6a: {  	_ = 	snop  }
0x6b: {  	[tilespmem:s3], [sflag:$0x1] =	stream.indirect.gather [hbm4b:s7+s29], $0x80, s22, s29, $0xb8;
	[tilespmem:$0x17D80] =	vst v63  }
0x6c: {  	_ = 	snop  }
0x6d: {  	[tilespmem:s1], [sflag:$0x1] =	stream.indirect.gather [hbm4b:s4+s29], $0x80, s28, s29, $0xb8;
	[tilespmem:$0x17D80] =	vst v63  }
0x6e: {  	s25 =	simm.s32 $0xA400  }
0x6f: {  	[tilespmem:s25], [sflag:$0x1] =	stream.indirect.gather [hbm4b:s5+s29], $0x80, s31, s29, $0xb8;
	[tilespmem:$0x17D80] =	vst v63  }
0x70: {  	s25 =	simm.s32 $0xC400  }
0x71: {  	[tilespmem:s25], [sflag:$0x1] =	stream.indirect.gather [hbm4b:s6+s29], $0x80, s0, s29, $0xb8;
	[tilespmem:$0x17D80] =	vst v63  }
0x72: {  	s25 =	simm.s32 $0xE400  }
0x73: {  	[tilespmem:s25], [sflag:$0x1] =	stream.indirect.gather [hbm4b:s7+s29], $0x80, s26, s29, $0xb8;
	[tilespmem:$0x17D80] =	vst v63  }
0x74: {  	v13 =	vld [tilespmem:$0x0]  }
0x75: {  	v14 =	vld [tilespmem:$0x100];
	_ =	sdelay $0x6  }
0x76: {  	v15 =	vld.idx.msk [tilespmem:v13+s18+$0x0], $0xffff  }
0x77: {  	v16 =	vld.idx.msk [tilespmem:v14+s18+$0x0], $0xffff;
	_ =	sdelay $0x2  }
0x78: {  	v17 =	vadd.s32 $0x2710, v13  }
0x79: {  	v18 =	vadd.s32 $0x2710, v14  }
0x7a: {  	v15 =	vsub.f32 v15, v16;
	_ =	sdelay $0x1  }
0x7b: {  	[tilespmem:v0+s17+$0x0] =	vst.idx.msk $0xffff, v15  }
0x7c: {  	v15 =	vld.idx.msk [tilespmem:v17+s18+$0x0], $0xffff  }
0x7d: {  	v16 =	vld.idx.msk [tilespmem:v18+s18+$0x0], $0xffff;
	_ =	sdelay $0x2  }
0x7e: {  	v13 =	vadd.s32 $0x4E20, v13  }
0x7f: {  	v14 =	vadd.s32 $0x4E20, v14  }
0x80: {  	v15 =	vsub.f32 v15, v16;
	_ =	sdelay $0x1  }
0x81: {  	[tilespmem:v2+s17+$0x0] =	vst.idx.msk $0xffff, v15  }
0x82: {  	v13 =	vld.idx.msk [tilespmem:v13+s18+$0x0], $0xffff  }
0x83: {  	v14 =	vld.idx.msk [tilespmem:v14+s18+$0x0], $0xffff;
	_ =	sdelay $0x4  }
0x84: {  	v13 =	vsub.f32 v13, v14;
	_ =	sdelay $0x1  }
0x85: {  	[tilespmem:v3+s17+$0x0] =	vst.idx.msk $0xffff, v13  }
0x86: {  	v13 =	vld [tilespmem:$0x10]  }
0x87: {  	v14 =	vld [tilespmem:$0x110];
	_ =	sdelay $0x6  }
0x88: {  	v15 =	vld.idx.msk [tilespmem:v13+s18+$0x0], $0xffff  }
0x89: {  	v16 =	vld.idx.msk [tilespmem:v14+s18+$0x0], $0xffff;
	_ =	sdelay $0x2  }
0x8a: {  	v17 =	vadd.s32 $0x2710, v13  }
0x8b: {  	v18 =	vadd.s32 $0x2710, v14  }
0x8c: {  	v15 =	vsub.f32 v15, v16;
	_ =	sdelay $0x1  }
0x8d: {  	[tilespmem:v4+s17+$0x0] =	vst.idx.msk $0xffff, v15  }
0x8e: {  	v15 =	vld.idx.msk [tilespmem:v17+s18+$0x0], $0xffff  }
0x8f: {  	v16 =	vld.idx.msk [tilespmem:v18+s18+$0x0], $0xffff;
	_ =	sdelay $0x2  }
0x90: {  	v13 =	vadd.s32 $0x4E20, v13  }
0x91: {  	v14 =	vadd.s32 $0x4E20, v14  }
0x92: {  	v15 =	vsub.f32 v15, v16;
	_ =	sdelay $0x1  }
0x93: {  	[tilespmem:v5+s17+$0x0] =	vst.idx.msk $0xffff, v15  }
0x94: {  	v13 =	vld.idx.msk [tilespmem:v13+s18+$0x0], $0xffff  }
0x95: {  	v14 =	vld.idx.msk [tilespmem:v14+s18+$0x0], $0xffff;
	_ =	sdelay $0x4  }
0x96: {  	v13 =	vsub.f32 v13, v14;
	_ =	sdelay $0x1  }
0x97: {  	[tilespmem:v6+s17+$0x0] =	vst.idx.msk $0xffff, v13  }
0x98: {  	v13 =	vld [tilespmem:$0x20]  }
0x99: {  	v14 =	vld [tilespmem:$0x120];
	_ =	sdelay $0x6  }
0x9a: {  	v15 =	vld.idx.msk [tilespmem:v13+s18+$0x0], $0xffff  }
0x9b: {  	v16 =	vld.idx.msk [tilespmem:v14+s18+$0x0], $0xffff;
	_ =	sdelay $0x2  }
0x9c: {  	v17 =	vadd.s32 $0x2710, v13  }
0x9d: {  	v18 =	vadd.s32 $0x2710, v14  }
0x9e: {  	v15 =	vsub.f32 v15, v16;
	_ =	sdelay $0x1  }
0x9f: {  	[tilespmem:v7+s17+$0x0] =	vst.idx.msk $0xffff, v15  }
0xa0: {  	v15 =	vld.idx.msk [tilespmem:v17+s18+$0x0], $0xffff  }
0xa1: {  	v16 =	vld.idx.msk [tilespmem:v18+s18+$0x0], $0xffff;
	_ =	sdelay $0x2  }
0xa2: {  	v13 =	vadd.s32 $0x4E20, v13  }
0xa3: {  	v14 =	vadd.s32 $0x4E20, v14  }
0xa4: {  	v15 =	vsub.f32 v15, v16;
	_ =	sdelay $0x1  }
0xa5: {  	[tilespmem:v8+s17+$0x0] =	vst.idx.msk $0xffff, v15  }
0xa6: {  	v13 =	vld.idx.msk [tilespmem:v13+s18+$0x0], $0xffff  }
0xa7: {  	v14 =	vld.idx.msk [tilespmem:v14+s18+$0x0], $0xffff;
	_ =	sdelay $0x4  }
0xa8: {  	v13 =	vsub.f32 v13, v14;
	_ =	sdelay $0x1  }
0xa9: {  	[tilespmem:v9+s17+$0x0] =	vst.idx.msk $0xffff, v13  }
0xaa: {  	v13 =	vld [tilespmem:$0x30]  }
0xab: {  	v14 =	vld [tilespmem:$0x130];
	_ =	sdelay $0x6  }
0xac: {  	v15 =	vld.idx.msk [tilespmem:v13+s18+$0x0], $0xffff  }
0xad: {  	v16 =	vld.idx.msk [tilespmem:v14+s18+$0x0], $0xffff;
	_ =	sdelay $0x2  }
0xae: {  	v17 =	vadd.s32 $0x2710, v13  }
0xaf: {  	v18 =	vadd.s32 $0x2710, v14  }
0xb0: {  	v15 =	vsub.f32 v15, v16;
	_ =	sdelay $0x1  }
0xb1: {  	[tilespmem:v10+s17+$0x0] =	vst.idx.msk $0xffff, v15  }
0xb2: {  	v15 =	vld.idx.msk [tilespmem:v17+s18+$0x0], $0xffff  }
0xb3: {  	v16 =	vld.idx.msk [tilespmem:v18+s18+$0x0], $0xffff;
	_ =	sdelay $0x2  }
0xb4: {  	v13 =	vadd.s32 $0x4E20, v13  }
0xb5: {  	v14 =	vadd.s32 $0x4E20, v14  }
0xb6: {  	v15 =	vsub.f32 v15, v16;
	_ =	sdelay $0x1  }
0xb7: {  	[tilespmem:v11+s17+$0x0] =	vst.idx.msk $0xffff, v15  }
0xb8: {  	v13 =	vld.idx.msk [tilespmem:v13+s18+$0x0], $0xffff  }
0xb9: {  	v14 =	vld.idx.msk [tilespmem:v14+s18+$0x0], $0xffff;
	_ =	sdelay $0x4  }
0xba: {  	v13 =	vsub.f32 v13, v14  }
0xbb: {  	s26 =	sshll.u32 s13, $0x7  }
0xbc: {  	s25 =	sadd.s32 s12, s26;
	[tilespmem:v12+s17+$0x0] =	vst.idx.msk $0xffff, v13  }
0xbd: {  	[hbm4b:s25+s24] =	stream.linear.scatter [tilespmem:s17], [sflag:$0x4], $0x400, $0x38;
	[tilespmem:$0x17D80] =	vst v63  }
0xbe: {  	_ =	swait.ge [sflag:s11], $0x400  }
0xbf: {  	[sflag:s11] =	ssyncset.done $0x0  }
0xc0: {  	[sflag:s11] =	ssyncadd.s32 $0xFFFFFC00  }
0xc1: {  	_ =	swait.ge [sflag:s19], $0x2000  }
0xc2: {  	[sflag:s19] =	ssyncset.done $0x0  }
0xc3: {  	[sflag:s19] =	ssyncadd.s32 $0xFFFFE000  }
0xc4: {  	_ =	swait.ge [sflag:s19], $0x2000  }
0xc5: {  	[sflag:s19] =	ssyncset.done $0x0  }
0xc6: {  	[sflag:s19] =	ssyncadd.s32 $0xFFFFE000  }
0xc7: {  	_ =	swait.ge [sflag:s19], $0x2000  }
0xc8: {  	[sflag:s19] =	ssyncset.done $0x0  }
0xc9: {  	[sflag:s19] =	ssyncadd.s32 $0xFFFFE000  }
0xca: {  	_ =	swait.ge [sflag:s19], $0x2000  }
0xcb: {  	[sflag:s19] =	ssyncset.done $0x0  }
0xcc: {  	s24 =	simm.s32 $0x0;
	[sflag:s19] =	ssyncadd.s32 $0xFFFFE000  }
0xcd: {  	v18 =	vld [tilespmem:s24+$0x6200]  }
0xce: {  	v17 =	vld [tilespmem:s24+$0x6210]  }
0xcf: {  	v16 =	vld [tilespmem:s24+$0x6220]  }
0xd0: {  	v15 =	vld [tilespmem:s24+$0x6230]  }
0xd1: {  	v14 =	vld [tilespmem:s24+$0x6240]  }
0xd2: {  	v13 =	vld [tilespmem:s24+$0x6250]  }
0xd3: {  	v27 =	vld [tilespmem:s24+$0x4200]  }
0xd4: {  	v32 =	vld [tilespmem:s24+$0x4210]  }
0xd5: {  	v22 =	vld [tilespmem:s24+$0x4220]  }
0xd6: {  	v21 =	vld [tilespmem:s24+$0x4230]  }
0xd7: {  	v20 =	vld [tilespmem:s24+$0x4240]  }
0xd8: {  	v19 =	vld [tilespmem:s24+$0x4250]  }
0xd9: {  	v24 =	vld [tilespmem:s24+$0x2200]  }
0xda: {  	v28 =	vld [tilespmem:s24+$0x2210]  }
0xdb: {  	v29 =	vld [tilespmem:s24+$0x2220]  }
0xdc: {  	v33 =	vld [tilespmem:s24+$0x2230]  }
0xdd: {  	v25 =	vld [tilespmem:s24+$0x2240]  }
0xde: {  	v23 =	vld [tilespmem:s24+$0x2250]  }
0xdf: {  	v30 =	vld [tilespmem:s24+$0x200]  }
0xe0: {  	v31 =	vld [tilespmem:s24+$0x210]  }
0xe1: {  	v34 =	vld [tilespmem:s24+$0x220]  }
0xe2: {  	v35 =	vld [tilespmem:s24+$0x230]  }
0xe3: {  	v26 =	vld [tilespmem:s24+$0x2260]  }
0xe4: {  	v30 =	vadd.f32 v24, v30;
	v24 =	vld [tilespmem:s24+$0x2270]  }
0xe5: {  	v36 =	vadd.f32 v28, v31;
	v28 =	vld [tilespmem:s24+$0x240]  }
0xe6: {  	v31 =	vadd.f32 v29, v34;
	v29 =	vld [tilespmem:s24+$0x250];
	v30 =	vadd.f32 v27, v30  }
0xe7: {  	s25 =	simm.s32 $0x200;
	v33 =	vadd.f32 v33, v35;
	v32 =	vadd.f32 v32, v36;
	v27 =	vld [tilespmem:s24+$0x260]  }
.LBB2_7:
0xe8: {  	p0 =	sne.s32 s25, $0x7E00;
	v18 =	vadd.f32 v18, v30;
	v22 =	vadd.f32 v22, v31;
	v30 =	vld [tilespmem:s24+$0x270]  }
0xe9: {  	v17 =	vadd.f32 v17, v32;
	v21 =	vadd.f32 v21, v33;
	v31 =	vld [tilespmem:s24+$0x4260]  }
0xea: {  	v16 =	vadd.f32 v16, v22;
	v22 =	vadd.f32 v25, v28;
	v25 =	vld [tilespmem:s24+$0x4270]  }
0xeb: {  	v15 =	vadd.f32 v15, v21;
	v21 =	vadd.f32 v23, v29;
	v23 =	vld [tilespmem:s24+$0x6260]  }
0xec: {  	s26 =	sshra.s32 s25, $0x2;
	[tilespmem:s24+$0x200] =	vst v18;
	v20 =	vadd.f32 v20, v22;
	v22 =	vadd.f32 v26, v27;
	v26 =	vld [tilespmem:s24+$0x6270]  }
0xed: {  	v18 =	vld [tilespmem:s26+$0x6200];
	[tilespmem:s24+$0x210] =	vst v17;
	v19 =	vadd.f32 v19, v21;
	v21 =	vadd.f32 v24, v30  }
0xee: {  	v17 =	vld [tilespmem:s26+$0x6210];
	[tilespmem:s24+$0x220] =	vst v16;
	v14 =	vadd.f32 v14, v20;
	v20 =	vadd.f32 v31, v22  }
0xef: {  	v16 =	vld [tilespmem:s26+$0x6220];
	[tilespmem:s24+$0x230] =	vst v15;
	v13 =	vadd.f32 v13, v19;
	v19 =	vadd.f32 v25, v21  }
0xf0: {  	v15 =	vld [tilespmem:s26+$0x6230];
	[tilespmem:s24+$0x240] =	vst v14;
	v20 =	vadd.f32 v23, v20  }
0xf1: {  	v14 =	vld [tilespmem:s26+$0x6240];
	[tilespmem:s24+$0x250] =	vst v13;
	v19 =	vadd.f32 v26, v19  }
0xf2: {  	v13 =	vld [tilespmem:s26+$0x6250];
	[tilespmem:s24+$0x260] =	vst v20  }
0xf3: {  	v27 =	vld [tilespmem:s26+$0x4200];
	[tilespmem:s24+$0x270] =	vst v19;
	s24 =	smov.u32 s26  }
0xf4: {  	v32 =	vld [tilespmem:s24+$0x4210]  }
0xf5: {  	v22 =	vld [tilespmem:s24+$0x4220]  }
0xf6: {  	v21 =	vld [tilespmem:s24+$0x4230]  }
0xf7: {  	v20 =	vld [tilespmem:s24+$0x4240]  }
0xf8: {  	v19 =	vld [tilespmem:s24+$0x4250]  }
0xf9: {  	v24 =	vld [tilespmem:s24+$0x2200]  }
0xfa: {  	v28 =	vld [tilespmem:s24+$0x2210]  }
0xfb: {  	v29 =	vld [tilespmem:s24+$0x2220]  }
0xfc: {  	v33 =	vld [tilespmem:s24+$0x2230]  }
0xfd: {  	v25 =	vld [tilespmem:s24+$0x2240]  }
0xfe: {  	v23 =	vld [tilespmem:s24+$0x2250]  }
0xff: {  	v30 =	vld [tilespmem:s24+$0x200]  }
0x100: {  	v31 =	vld [tilespmem:s24+$0x210]  }
0x101: {  	v34 =	vld [tilespmem:s24+$0x220]  }
0x102: {  	v35 =	vld [tilespmem:s24+$0x230]  }
.Ltmp7:
0x103: {  	v26 =	vld [tilespmem:s24+$0x2260];
	(pc) =	sbr.rel @p0 .LBB2_7-.Ltmp7, $4  }
0x104: {  	v30 =	vadd.f32 v24, v30;
	v24 =	vld [tilespmem:s24+$0x2270]  }
0x105: {  	v36 =	vadd.f32 v28, v31;
	v28 =	vld [tilespmem:s24+$0x240]  }
0x106: {  	v30 =	vadd.f32 v27, v30;
	v31 =	vadd.f32 v29, v34;
	v29 =	vld [tilespmem:s24+$0x250]  }
0x107: {  	s25 =	sadd.s32 $0x200, s25;
	v32 =	vadd.f32 v32, v36;
	v33 =	vadd.f32 v33, v35;
	v27 =	vld [tilespmem:s24+$0x260]  }
0x108: {  	v34 =	vld [tilespmem:s24+$0x270];
	v18 =	vadd.f32 v18, v30;
	v22 =	vadd.f32 v22, v31  }
0x109: {  	v30 =	vld [tilespmem:s24+$0x4260];
	v17 =	vadd.f32 v17, v32;
	v21 =	vadd.f32 v21, v33  }
0x10a: {  	v31 =	vld [tilespmem:s24+$0x4270];
	v16 =	vadd.f32 v16, v22;
	v22 =	vadd.f32 v25, v28  }
0x10b: {  	v25 =	vld [tilespmem:s24+$0x6260];
	v15 =	vadd.f32 v15, v21;
	v21 =	vadd.f32 v23, v29  }
0x10c: {  	[tilespmem:s24+$0x200] =	vst v18;
	v18 =	vadd.f32 v20, v22;
	v20 =	vadd.f32 v26, v27;
	v22 =	vld [tilespmem:s24+$0x6270]  }
0x10d: {  	[tilespmem:s24+$0x210] =	vst v17;
	v17 =	vadd.f32 v19, v21;
	v19 =	vadd.f32 v24, v34  }
0x10e: {  	[tilespmem:s24+$0x220] =	vst v16;
	v14 =	vadd.f32 v14, v18;
	v16 =	vadd.f32 v30, v20  }
0x10f: {  	[tilespmem:s24+$0x230] =	vst v15;
	v13 =	vadd.f32 v13, v17;
	v15 =	vadd.f32 v31, v19  }
0x110: {  	[tilespmem:s24+$0x240] =	vst v14;
	v14 =	vadd.f32 v25, v16  }
0x111: {  	[tilespmem:s24+$0x250] =	vst v13;
	v13 =	vadd.f32 v22, v15  }
0x112: {  	s13 =	sshll.u32 s13, $0xA;
	[tilespmem:s24+$0x260] =	vst v14  }
0x113: {  	s13 =	sadd.s32 s10, s13;
	[tilespmem:s24+$0x270] =	vst v13;
	s24 =	rddreg [dreg:$0x7]  }
0x114: {  	[hbm4b:s13+s2] =	stream.linear.scatter [tilespmem:s30], [sflag:$0x4], $0x2000, $0x38;
	[tilespmem:$0x17D80] =	vst v63  }
0x115: {  	s13 =	sadd.s32 s24, s16  }
0x116: {  	_ =	swait.ge [sflag:s11], $0x2000;
	p0 =	sgt.u32 s13, $0x9C3  }
0x117: {  	[sflag:s11] =	ssyncset.done $0x0;
	s13 =	sshll.u32 @!p0 s13, $0x3;
	s24 =	simm.s32 @!p0 $0x0  }
0x118: {  	[sflag:s11] =	ssyncadd.s32 $0xFFFFE000;
	s16 =	sadd.s32 @!p0 s9, s13;
	s13 =	sand.u32 @!p0 $0x1FFFFFF8, s13  }
0x119: {  	[tilespmem:s24], [sflag:$0x2] =	stream.linear.gather @!p0 [hbm4b:s16+s24], $0x40, $0x38;
	[tilespmem:$0x17D80] =	vst v63  }
0x11a: {  	s13 =	sadd.s32 @!p0 s9, s13  }
0x11b: {  	s25 =	simm.s32 @!p0 $0x80;
	s16 =	sadd.s32 @!p0 $0x4E20, s13  }
0x11c: {  	[tilespmem:s25], [sflag:$0x2] =	stream.linear.gather @!p0 [hbm4b:s16+s24], $0x40, $0x38;
	[tilespmem:$0x17D80] =	vst v63  }
0x11d: {  	s16 =	sadd.s32 @!p0 $0x9C40, s13;
	s25 =	simm.s32 @!p0 $0x100  }
0x11e: {  	[tilespmem:s25], [sflag:$0x2] =	stream.linear.gather @!p0 [hbm4b:s16+s24], $0x40, $0x38;
	[tilespmem:$0x17D80] =	vst v63  }
0x11f: {  	s13 =	sadd.s32 @!p0 $0xEA60, s13;
	s16 =	simm.s32 @!p0 $0x180  }
0x120: {  	[tilespmem:s16], [sflag:$0x2] =	stream.linear.gather @!p0 [hbm4b:s13+s24], $0x40, $0x38;
	[tilespmem:$0x17D80] =	vst v63  }
0x121: {  	v13 =	vld [tilespmem:$0x8200]  }
0x122: {  	v14 =	vld [tilespmem:$0x8300];
	_ =	sdelay $0x6  }
0x123: {  	v15 =	vld.idx.msk [tilespmem:v13+s18+$0x0], $0xffff  }
0x124: {  	v16 =	vld.idx.msk [tilespmem:v14+s18+$0x0], $0xffff;
	_ =	sdelay $0x2  }
0x125: {  	v17 =	vadd.s32 $0x2710, v13  }
0x126: {  	v18 =	vadd.s32 $0x2710, v14  }
0x127: {  	v15 =	vsub.f32 v15, v16;
	_ =	sdelay $0x1  }
0x128: {  	[tilespmem:v0+s17+$0x0] =	vst.idx.msk $0xffff, v15  }
0x129: {  	v15 =	vld.idx.msk [tilespmem:v17+s18+$0x0], $0xffff  }
0x12a: {  	v16 =	vld.idx.msk [tilespmem:v18+s18+$0x0], $0xffff;
	_ =	sdelay $0x2  }
0x12b: {  	v13 =	vadd.s32 $0x4E20, v13  }
0x12c: {  	v14 =	vadd.s32 $0x4E20, v14  }
0x12d: {  	v15 =	vsub.f32 v15, v16;
	_ =	sdelay $0x1  }
0x12e: {  	[tilespmem:v2+s17+$0x0] =	vst.idx.msk $0xffff, v15  }
0x12f: {  	v13 =	vld.idx.msk [tilespmem:v13+s18+$0x0], $0xffff  }
0x130: {  	v14 =	vld.idx.msk [tilespmem:v14+s18+$0x0], $0xffff;
	_ =	sdelay $0x4  }
0x131: {  	v13 =	vsub.f32 v13, v14;
	_ =	sdelay $0x1  }
0x132: {  	[tilespmem:v3+s17+$0x0] =	vst.idx.msk $0xffff, v13  }
0x133: {  	v13 =	vld [tilespmem:$0x8210]  }
0x134: {  	v14 =	vld [tilespmem:$0x8310];
	_ =	sdelay $0x6  }
0x135: {  	v15 =	vld.idx.msk [tilespmem:v13+s18+$0x0], $0xffff  }
0x136: {  	v16 =	vld.idx.msk [tilespmem:v14+s18+$0x0], $0xffff;
	_ =	sdelay $0x2  }
0x137: {  	v17 =	vadd.s32 $0x2710, v13  }
0x138: {  	v18 =	vadd.s32 $0x2710, v14  }
0x139: {  	v15 =	vsub.f32 v15, v16;
	_ =	sdelay $0x1  }
0x13a: {  	[tilespmem:v4+s17+$0x0] =	vst.idx.msk $0xffff, v15  }
0x13b: {  	v15 =	vld.idx.msk [tilespmem:v17+s18+$0x0], $0xffff  }
0x13c: {  	v16 =	vld.idx.msk [tilespmem:v18+s18+$0x0], $0xffff;
	_ =	sdelay $0x2  }
0x13d: {  	v13 =	vadd.s32 $0x4E20, v13  }
0x13e: {  	v14 =	vadd.s32 $0x4E20, v14  }
0x13f: {  	v15 =	vsub.f32 v15, v16;
	_ =	sdelay $0x1  }
0x140: {  	[tilespmem:v5+s17+$0x0] =	vst.idx.msk $0xffff, v15  }
0x141: {  	v13 =	vld.idx.msk [tilespmem:v13+s18+$0x0], $0xffff  }
0x142: {  	v14 =	vld.idx.msk [tilespmem:v14+s18+$0x0], $0xffff;
	_ =	sdelay $0x4  }
0x143: {  	v13 =	vsub.f32 v13, v14;
	_ =	sdelay $0x1  }
0x144: {  	[tilespmem:v6+s17+$0x0] =	vst.idx.msk $0xffff, v13  }
0x145: {  	v13 =	vld [tilespmem:$0x8220]  }
0x146: {  	v14 =	vld [tilespmem:$0x8320];
	_ =	sdelay $0x6  }
0x147: {  	v15 =	vld.idx.msk [tilespmem:v13+s18+$0x0], $0xffff  }
0x148: {  	v16 =	vld.idx.msk [tilespmem:v14+s18+$0x0], $0xffff;
	_ =	sdelay $0x2  }
0x149: {  	v17 =	vadd.s32 $0x2710, v13  }
0x14a: {  	v18 =	vadd.s32 $0x2710, v14  }
0x14b: {  	v15 =	vsub.f32 v15, v16;
	_ =	sdelay $0x1  }
0x14c: {  	[tilespmem:v7+s17+$0x0] =	vst.idx.msk $0xffff, v15  }
0x14d: {  	v15 =	vld.idx.msk [tilespmem:v17+s18+$0x0], $0xffff  }
0x14e: {  	v16 =	vld.idx.msk [tilespmem:v18+s18+$0x0], $0xffff;
	_ =	sdelay $0x2  }
0x14f: {  	v13 =	vadd.s32 $0x4E20, v13  }
0x150: {  	v14 =	vadd.s32 $0x4E20, v14  }
0x151: {  	v15 =	vsub.f32 v15, v16;
	_ =	sdelay $0x1  }
0x152: {  	[tilespmem:v8+s17+$0x0] =	vst.idx.msk $0xffff, v15  }
0x153: {  	v13 =	vld.idx.msk [tilespmem:v13+s18+$0x0], $0xffff  }
0x154: {  	v14 =	vld.idx.msk [tilespmem:v14+s18+$0x0], $0xffff;
	_ =	sdelay $0x4  }
0x155: {  	v13 =	vsub.f32 v13, v14;
	_ =	sdelay $0x1  }
0x156: {  	[tilespmem:v9+s17+$0x0] =	vst.idx.msk $0xffff, v13  }
0x157: {  	v13 =	vld [tilespmem:$0x8230]  }
0x158: {  	v14 =	vld [tilespmem:$0x8330];
	_ =	sdelay $0x6  }
0x159: {  	v15 =	vld.idx.msk [tilespmem:v13+s18+$0x0], $0xffff  }
0x15a: {  	v16 =	vld.idx.msk [tilespmem:v14+s18+$0x0], $0xffff;
	_ =	sdelay $0x2  }
0x15b: {  	v17 =	vadd.s32 $0x2710, v13  }
0x15c: {  	v18 =	vadd.s32 $0x2710, v14  }
0x15d: {  	v15 =	vsub.f32 v15, v16;
	_ =	sdelay $0x1  }
0x15e: {  	[tilespmem:v10+s17+$0x0] =	vst.idx.msk $0xffff, v15  }
0x15f: {  	v15 =	vld.idx.msk [tilespmem:v17+s18+$0x0], $0xffff  }
0x160: {  	v16 =	vld.idx.msk [tilespmem:v18+s18+$0x0], $0xffff;
	_ =	sdelay $0x2  }
0x161: {  	v13 =	vadd.s32 $0x4E20, v13  }
0x162: {  	v14 =	vadd.s32 $0x4E20, v14  }
0x163: {  	v15 =	vsub.f32 v15, v16;
	_ =	sdelay $0x1  }
0x164: {  	[tilespmem:v11+s17+$0x0] =	vst.idx.msk $0xffff, v15  }
0x165: {  	v13 =	vld.idx.msk [tilespmem:v13+s18+$0x0], $0xffff  }
0x166: {  	v14 =	vld.idx.msk [tilespmem:v14+s18+$0x0], $0xffff;
	_ =	sdelay $0x4  }
0x167: {  	v13 =	vsub.f32 v13, v14  }
0x168: {  	s25 =	sshll.u32 s15, $0x7  }
0x169: {  	s26 =	simm.s32 $0x0;
	s13 =	sadd.s32 s12, s25;
	[tilespmem:v12+s17+$0x0] =	vst.idx.msk $0xffff, v13  }
0x16a: {  	[hbm4b:s13+s26] =	stream.linear.scatter [tilespmem:s17], [sflag:$0x4], $0x400, $0x38;
	[tilespmem:$0x17D80] =	vst v63  }
0x16b: {  	_ =	swait.ge [sflag:s11], $0x400  }
0x16c: {  	[sflag:s11] =	ssyncset.done $0x0  }
0x16d: {  	[sflag:s11] =	ssyncadd.s32 $0xFFFFFC00  }
0x16e: {  	_ =	swait.ge [sflag:s19], $0x2000  }
0x16f: {  	[sflag:s19] =	ssyncset.done $0x0  }
0x170: {  	[sflag:s19] =	ssyncadd.s32 $0xFFFFE000  }
0x171: {  	_ =	swait.ge [sflag:s19], $0x2000  }
0x172: {  	[sflag:s19] =	ssyncset.done $0x0  }
0x173: {  	[sflag:s19] =	ssyncadd.s32 $0xFFFFE000  }
0x174: {  	_ =	swait.ge [sflag:s19], $0x2000  }
0x175: {  	[sflag:s19] =	ssyncset.done $0x0  }
0x176: {  	[sflag:s19] =	ssyncadd.s32 $0xFFFFE000  }
0x177: {  	_ =	swait.ge [sflag:s19], $0x2000  }
0x178: {  	[sflag:s19] =	ssyncset.done $0x0  }
0x179: {  	s13 =	simm.s32 $0x0;
	[sflag:s19] =	ssyncadd.s32 $0xFFFFE000  }
0x17a: {  	v18 =	vld [tilespmem:s13+$0xE400]  }
0x17b: {  	v17 =	vld [tilespmem:s13+$0xE410]  }
0x17c: {  	v16 =	vld [tilespmem:s13+$0xE420]  }
0x17d: {  	v15 =	vld [tilespmem:s13+$0xE430]  }
0x17e: {  	v14 =	vld [tilespmem:s13+$0xE440]  }
0x17f: {  	v13 =	vld [tilespmem:s13+$0xE450]  }
0x180: {  	v27 =	vld [tilespmem:s13+$0xC400]  }
0x181: {  	v61 =	vld [tilespmem:s13+$0xC410]  }
0x182: {  	v22 =	vld [tilespmem:s13+$0xC420]  }
0x183: {  	v21 =	vld [tilespmem:s13+$0xC430]  }
0x184: {  	v20 =	vld [tilespmem:s13+$0xC440]  }
0x185: {  	v19 =	vld [tilespmem:s13+$0xC450]  }
0x186: {  	v24 =	vld [tilespmem:s13+$0xA400]  }
0x187: {  	v28 =	vld [tilespmem:s13+$0xA410]  }
0x188: {  	v29 =	vld [tilespmem:s13+$0xA420]  }
0x189: {  	v62 =	vld [tilespmem:s13+$0xA430]  }
0x18a: {  	v25 =	vld [tilespmem:s13+$0xA440]  }
0x18b: {  	v23 =	vld [tilespmem:s13+$0xA450]  }
0x18c: {  	v30 =	vld [tilespmem:s13+$0x8400]  }
0x18d: {  	v31 =	vld [tilespmem:s13+$0x8410]  }
0x18e: {  	v63 =	vld [tilespmem:s13+$0x8420]  }
0x18f: {  	v35 =	vld [tilespmem:s13+$0x8430]  }
0x190: {  	v26 =	vld [tilespmem:s13+$0xA460]  }
0x191: {  	v30 =	vadd.f32 v24, v30;
	v24 =	vld [tilespmem:s13+$0xA470]  }
0x192: {  	v36 =	vadd.f32 v28, v31;
	v28 =	vld [tilespmem:s13+$0x8440]  }
0x193: {  	v31 =	vadd.f32 v29, v63;
	v29 =	vld [tilespmem:s13+$0x8450];
	v30 =	vadd.f32 v27, v30  }
0x194: {  	s16 =	simm.s32 $0x200;
	v33 =	vadd.f32 v62, v35;
	v32 =	vadd.f32 v61, v36;
	v27 =	vld [tilespmem:s13+$0x8460]  }
.LBB2_9:
0x195: {  	p0 =	sne.s32 s16, $0x7E00;
	v18 =	vadd.f32 v18, v30;
	v22 =	vadd.f32 v22, v31;
	v30 =	vld [tilespmem:s13+$0x8470]  }
0x196: {  	v17 =	vadd.f32 v17, v32;
	v21 =	vadd.f32 v21, v33;
	v31 =	vld [tilespmem:s13+$0xC460]  }
0x197: {  	v16 =	vadd.f32 v16, v22;
	v22 =	vadd.f32 v25, v28;
	v25 =	vld [tilespmem:s13+$0xC470]  }
0x198: {  	v15 =	vadd.f32 v15, v21;
	v21 =	vadd.f32 v23, v29;
	v23 =	vld [tilespmem:s13+$0xE460]  }
0x199: {  	s24 =	sshra.s32 s16, $0x2;
	[tilespmem:s13+$0x8400] =	vst v18;
	v20 =	vadd.f32 v20, v22;
	v22 =	vadd.f32 v26, v27;
	v26 =	vld [tilespmem:s13+$0xE470]  }
0x19a: {  	v18 =	vld [tilespmem:s24+$0xE400];
	[tilespmem:s13+$0x8410] =	vst v17;
	v19 =	vadd.f32 v19, v21;
	v21 =	vadd.f32 v24, v30  }
0x19b: {  	v17 =	vld [tilespmem:s24+$0xE410];
	[tilespmem:s13+$0x8420] =	vst v16;
	v14 =	vadd.f32 v14, v20;
	v20 =	vadd.f32 v31, v22  }
0x19c: {  	v16 =	vld [tilespmem:s24+$0xE420];
	[tilespmem:s13+$0x8430] =	vst v15;
	v13 =	vadd.f32 v13, v19;
	v19 =	vadd.f32 v25, v21  }
0x19d: {  	v15 =	vld [tilespmem:s24+$0xE430];
	[tilespmem:s13+$0x8440] =	vst v14;
	v20 =	vadd.f32 v23, v20  }
0x19e: {  	v14 =	vld [tilespmem:s24+$0xE440];
	[tilespmem:s13+$0x8450] =	vst v13;
	v19 =	vadd.f32 v26, v19  }
0x19f: {  	v13 =	vld [tilespmem:s24+$0xE450];
	[tilespmem:s13+$0x8460] =	vst v20  }
0x1a0: {  	v27 =	vld [tilespmem:s24+$0xC400];
	[tilespmem:s13+$0x8470] =	vst v19;
	s13 =	smov.u32 s24  }
0x1a1: {  	v32 =	vld [tilespmem:s13+$0xC410]  }
0x1a2: {  	v22 =	vld [tilespmem:s13+$0xC420]  }
0x1a3: {  	v21 =	vld [tilespmem:s13+$0xC430]  }
0x1a4: {  	v20 =	vld [tilespmem:s13+$0xC440]  }
0x1a5: {  	v19 =	vld [tilespmem:s13+$0xC450]  }
0x1a6: {  	v24 =	vld [tilespmem:s13+$0xA400]  }
0x1a7: {  	v28 =	vld [tilespmem:s13+$0xA410]  }
0x1a8: {  	v29 =	vld [tilespmem:s13+$0xA420]  }
0x1a9: {  	v33 =	vld [tilespmem:s13+$0xA430]  }
0x1aa: {  	v25 =	vld [tilespmem:s13+$0xA440]  }
0x1ab: {  	v23 =	vld [tilespmem:s13+$0xA450]  }
0x1ac: {  	v30 =	vld [tilespmem:s13+$0x8400]  }
0x1ad: {  	v31 =	vld [tilespmem:s13+$0x8410]  }
0x1ae: {  	v34 =	vld [tilespmem:s13+$0x8420]  }
0x1af: {  	v35 =	vld [tilespmem:s13+$0x8430]  }
.Ltmp8:
0x1b0: {  	v26 =	vld [tilespmem:s13+$0xA460];
	(pc) =	sbr.rel @p0 .LBB2_9-.Ltmp8, $4  }
0x1b1: {  	v30 =	vadd.f32 v24, v30;
	v24 =	vld [tilespmem:s13+$0xA470]  }
0x1b2: {  	v36 =	vadd.f32 v28, v31;
	v28 =	vld [tilespmem:s13+$0x8440]  }
0x1b3: {  	v30 =	vadd.f32 v27, v30;
	v31 =	vadd.f32 v29, v34;
	v29 =	vld [tilespmem:s13+$0x8450]  }
0x1b4: {  	s16 =	sadd.s32 $0x200, s16;
	v32 =	vadd.f32 v32, v36;
	v33 =	vadd.f32 v33, v35;
	v27 =	vld [tilespmem:s13+$0x8460]  }
0x1b5: {  	v34 =	vld [tilespmem:s13+$0x8470];
	v18 =	vadd.f32 v18, v30;
	v22 =	vadd.f32 v22, v31  }
0x1b6: {  	v53 =	vld [tilespmem:s13+$0xC460];
	v17 =	vadd.f32 v17, v32;
	v21 =	vadd.f32 v21, v33  }
0x1b7: {  	v54 =	vld [tilespmem:s13+$0xC470];
	v16 =	vadd.f32 v16, v22;
	v55 =	vadd.f32 v25, v28  }
0x1b8: {  	v56 =	vld [tilespmem:s13+$0xE460];
	v15 =	vadd.f32 v15, v21;
	v57 =	vadd.f32 v23, v29  }
0x1b9: {  	v60 =	vld [tilespmem:s13+$0xE470];
	[tilespmem:s13+$0x8400] =	vst v18;
	v58 =	vadd.f32 v20, v55;
	v59 =	vadd.f32 v26, v27  }
0x1ba: {  	[tilespmem:s13+$0x8410] =	vst v17;
	v61 =	vadd.f32 v19, v57;
	v62 =	vadd.f32 v24, v34  }
0x1bb: {  	[tilespmem:s13+$0x8420] =	vst v16;
	v14 =	vadd.f32 v14, v58;
	v63 =	vadd.f32 v53, v59  }
0x1bc: {  	[tilespmem:s13+$0x8430] =	vst v15;
	v13 =	vadd.f32 v13, v61;
	v15 =	vadd.f32 v54, v62  }
.Ltmp9:
0x1bd: {  	[tilespmem:s13+$0x8440] =	vst v14;
	v14 =	vadd.f32 v56, v63;
	(pc) =	sbr.rel .LBB2_14-.Ltmp9, $4  }
0x1be: {  	[tilespmem:s13+$0x8450] =	vst v13;
	v13 =	vadd.f32 v60, v15  }
0x1bf: {  	s15 =	sshll.u32 s15, $0xA;
	[tilespmem:s13+$0x8460] =	vst v14  }
0x1c0: {  	s26 =	sadd.s32 s10, s15;
	[tilespmem:s13+$0x8470] =	vst v13;
	s13 =	simm.s32 $0x4  }
0x1c1: {  	[hbm4b:s26+s2] =	stream.linear.scatter [tilespmem:s1], [sflag:$0x4], $0x2000, $0x38;
	[tilespmem:$0x17D80] =	vst v63  }
.LBB2_11:
0x1c2: {  	s15 =	simm.s32 $0x0  }
0x1c3: {  	[tilespmem:s30], [sflag:$0x1] =	stream.indirect.gather [hbm4b:s4+s29], $0x80, s15, s29, $0xb8;
	[tilespmem:$0x17D80] =	vst v63  }
0x1c4: {  	s0 =	simm.s32 $0x2200  }
0x1c5: {  	[tilespmem:s0], [sflag:$0x1] =	stream.indirect.gather [hbm4b:s5+s29], $0x80, s20, s29, $0xb8;
	[tilespmem:$0x17D80] =	vst v63  }
0x1c6: {  	s26 =	simm.s32 $0x4200  }
0x1c7: {  	[tilespmem:s26], [sflag:$0x1] =	stream.indirect.gather [hbm4b:s6+s29], $0x80, s21, s29, $0xb8;
	[tilespmem:$0x17D80] =	vst v63  }
0x1c8: {  	_ = 	snop  }
0x1c9: {  	[tilespmem:s3], [sflag:$0x1] =	stream.indirect.gather [hbm4b:s7+s29], $0x80, s22, s29, $0xb8;
	[tilespmem:$0x17D80] =	vst v63  }
0x1ca: {  	v13 =	vld [tilespmem:$0x0]  }
0x1cb: {  	v14 =	vld [tilespmem:$0x100];
	_ =	sdelay $0x6  }
0x1cc: {  	v15 =	vld.idx.msk [tilespmem:v13+s18+$0x0], $0xffff  }
0x1cd: {  	v16 =	vld.idx.msk [tilespmem:v14+s18+$0x0], $0xffff;
	_ =	sdelay $0x2  }
0x1ce: {  	v17 =	vadd.s32 $0x2710, v13  }
0x1cf: {  	v18 =	vadd.s32 $0x2710, v14  }
0x1d0: {  	v15 =	vsub.f32 v15, v16;
	_ =	sdelay $0x1  }
0x1d1: {  	[tilespmem:v0+s17+$0x0] =	vst.idx.msk $0xffff, v15  }
0x1d2: {  	v15 =	vld.idx.msk [tilespmem:v17+s18+$0x0], $0xffff  }
0x1d3: {  	v16 =	vld.idx.msk [tilespmem:v18+s18+$0x0], $0xffff;
	_ =	sdelay $0x2  }
0x1d4: {  	v13 =	vadd.s32 $0x4E20, v13  }
0x1d5: {  	v14 =	vadd.s32 $0x4E20, v14  }
0x1d6: {  	v15 =	vsub.f32 v15, v16;
	_ =	sdelay $0x1  }
0x1d7: {  	[tilespmem:v2+s17+$0x0] =	vst.idx.msk $0xffff, v15  }
0x1d8: {  	v13 =	vld.idx.msk [tilespmem:v13+s18+$0x0], $0xffff  }
0x1d9: {  	v14 =	vld.idx.msk [tilespmem:v14+s18+$0x0], $0xffff;
	_ =	sdelay $0x4  }
0x1da: {  	v13 =	vsub.f32 v13, v14;
	_ =	sdelay $0x1  }
0x1db: {  	[tilespmem:v3+s17+$0x0] =	vst.idx.msk $0xffff, v13  }
0x1dc: {  	v13 =	vld [tilespmem:$0x10]  }
0x1dd: {  	v14 =	vld [tilespmem:$0x110];
	_ =	sdelay $0x6  }
0x1de: {  	v15 =	vld.idx.msk [tilespmem:v13+s18+$0x0], $0xffff  }
0x1df: {  	v16 =	vld.idx.msk [tilespmem:v14+s18+$0x0], $0xffff;
	_ =	sdelay $0x2  }
0x1e0: {  	v17 =	vadd.s32 $0x2710, v13  }
0x1e1: {  	v18 =	vadd.s32 $0x2710, v14  }
0x1e2: {  	v15 =	vsub.f32 v15, v16;
	_ =	sdelay $0x1  }
0x1e3: {  	[tilespmem:v4+s17+$0x0] =	vst.idx.msk $0xffff, v15  }
0x1e4: {  	v15 =	vld.idx.msk [tilespmem:v17+s18+$0x0], $0xffff  }
0x1e5: {  	v16 =	vld.idx.msk [tilespmem:v18+s18+$0x0], $0xffff;
	_ =	sdelay $0x2  }
0x1e6: {  	v13 =	vadd.s32 $0x4E20, v13  }
0x1e7: {  	v14 =	vadd.s32 $0x4E20, v14  }
0x1e8: {  	v15 =	vsub.f32 v15, v16;
	_ =	sdelay $0x1  }
0x1e9: {  	[tilespmem:v5+s17+$0x0] =	vst.idx.msk $0xffff, v15  }
0x1ea: {  	v13 =	vld.idx.msk [tilespmem:v13+s18+$0x0], $0xffff  }
0x1eb: {  	v14 =	vld.idx.msk [tilespmem:v14+s18+$0x0], $0xffff;
	_ =	sdelay $0x4  }
0x1ec: {  	v13 =	vsub.f32 v13, v14;
	_ =	sdelay $0x1  }
0x1ed: {  	[tilespmem:v6+s17+$0x0] =	vst.idx.msk $0xffff, v13  }
0x1ee: {  	v13 =	vld [tilespmem:$0x20]  }
0x1ef: {  	v14 =	vld [tilespmem:$0x120];
	_ =	sdelay $0x6  }
0x1f0: {  	v15 =	vld.idx.msk [tilespmem:v13+s18+$0x0], $0xffff  }
0x1f1: {  	v16 =	vld.idx.msk [tilespmem:v14+s18+$0x0], $0xffff;
	_ =	sdelay $0x2  }
0x1f2: {  	v17 =	vadd.s32 $0x2710, v13  }
0x1f3: {  	v18 =	vadd.s32 $0x2710, v14  }
0x1f4: {  	v15 =	vsub.f32 v15, v16;
	_ =	sdelay $0x1  }
0x1f5: {  	[tilespmem:v7+s17+$0x0] =	vst.idx.msk $0xffff, v15  }
0x1f6: {  	v15 =	vld.idx.msk [tilespmem:v17+s18+$0x0], $0xffff  }
0x1f7: {  	v16 =	vld.idx.msk [tilespmem:v18+s18+$0x0], $0xffff;
	_ =	sdelay $0x2  }
0x1f8: {  	v13 =	vadd.s32 $0x4E20, v13  }
0x1f9: {  	v14 =	vadd.s32 $0x4E20, v14  }
0x1fa: {  	v15 =	vsub.f32 v15, v16;
	_ =	sdelay $0x1  }
0x1fb: {  	[tilespmem:v8+s17+$0x0] =	vst.idx.msk $0xffff, v15  }
0x1fc: {  	v13 =	vld.idx.msk [tilespmem:v13+s18+$0x0], $0xffff  }
0x1fd: {  	v14 =	vld.idx.msk [tilespmem:v14+s18+$0x0], $0xffff;
	_ =	sdelay $0x4  }
0x1fe: {  	v13 =	vsub.f32 v13, v14;
	_ =	sdelay $0x1  }
0x1ff: {  	[tilespmem:v9+s17+$0x0] =	vst.idx.msk $0xffff, v13  }
0x200: {  	v13 =	vld [tilespmem:$0x30]  }
0x201: {  	v14 =	vld [tilespmem:$0x130];
	_ =	sdelay $0x6  }
0x202: {  	v15 =	vld.idx.msk [tilespmem:v13+s18+$0x0], $0xffff  }
0x203: {  	v16 =	vld.idx.msk [tilespmem:v14+s18+$0x0], $0xffff;
	_ =	sdelay $0x2  }
0x204: {  	v17 =	vadd.s32 $0x2710, v13  }
0x205: {  	v18 =	vadd.s32 $0x2710, v14  }
0x206: {  	v15 =	vsub.f32 v15, v16;
	_ =	sdelay $0x1  }
0x207: {  	[tilespmem:v10+s17+$0x0] =	vst.idx.msk $0xffff, v15  }
0x208: {  	v15 =	vld.idx.msk [tilespmem:v17+s18+$0x0], $0xffff  }
0x209: {  	v16 =	vld.idx.msk [tilespmem:v18+s18+$0x0], $0xffff;
	_ =	sdelay $0x2  }
0x20a: {  	v13 =	vadd.s32 $0x4E20, v13  }
0x20b: {  	v14 =	vadd.s32 $0x4E20, v14  }
0x20c: {  	v15 =	vsub.f32 v15, v16;
	_ =	sdelay $0x1  }
0x20d: {  	[tilespmem:v11+s17+$0x0] =	vst.idx.msk $0xffff, v15  }
0x20e: {  	v13 =	vld.idx.msk [tilespmem:v13+s18+$0x0], $0xffff  }
0x20f: {  	v14 =	vld.idx.msk [tilespmem:v14+s18+$0x0], $0xffff;
	_ =	sdelay $0x4  }
0x210: {  	v13 =	vsub.f32 v13, v14  }
0x211: {  	s16 =	sshll.u32 s13, $0x7  }
0x212: {  	s16 =	sadd.s32 s12, s16;
	[tilespmem:v12+s17+$0x0] =	vst.idx.msk $0xffff, v13  }
0x213: {  	[hbm4b:s16+s15] =	stream.linear.scatter [tilespmem:s17], [sflag:$0x4], $0x400, $0x38;
	[tilespmem:$0x17D80] =	vst v63  }
0x214: {  	_ =	swait.ge [sflag:s11], $0x400  }
0x215: {  	[sflag:s11] =	ssyncset.done $0x0  }
0x216: {  	[sflag:s11] =	ssyncadd.s32 $0xFFFFFC00  }
0x217: {  	_ =	swait.ge [sflag:s19], $0x2000  }
0x218: {  	[sflag:s19] =	ssyncset.done $0x0  }
0x219: {  	[sflag:s19] =	ssyncadd.s32 $0xFFFFE000  }
0x21a: {  	_ =	swait.ge [sflag:s19], $0x2000  }
0x21b: {  	[sflag:s19] =	ssyncset.done $0x0  }
0x21c: {  	[sflag:s19] =	ssyncadd.s32 $0xFFFFE000  }
0x21d: {  	_ =	swait.ge [sflag:s19], $0x2000  }
0x21e: {  	[sflag:s19] =	ssyncset.done $0x0  }
0x21f: {  	[sflag:s19] =	ssyncadd.s32 $0xFFFFE000  }
0x220: {  	_ =	swait.ge [sflag:s19], $0x2000  }
0x221: {  	[sflag:s19] =	ssyncset.done $0x0  }
0x222: {  	s15 =	simm.s32 $0x0;
	[sflag:s19] =	ssyncadd.s32 $0xFFFFE000  }
0x223: {  	v18 =	vld [tilespmem:s15+$0x6200]  }
0x224: {  	v17 =	vld [tilespmem:s15+$0x6210]  }
0x225: {  	v16 =	vld [tilespmem:s15+$0x6220]  }
0x226: {  	v15 =	vld [tilespmem:s15+$0x6230]  }
0x227: {  	v14 =	vld [tilespmem:s15+$0x6240]  }
0x228: {  	v13 =	vld [tilespmem:s15+$0x6250]  }
0x229: {  	v27 =	vld [tilespmem:s15+$0x4200]  }
0x22a: {  	v32 =	vld [tilespmem:s15+$0x4210]  }
0x22b: {  	v22 =	vld [tilespmem:s15+$0x4220]  }
0x22c: {  	v21 =	vld [tilespmem:s15+$0x4230]  }
0x22d: {  	v20 =	vld [tilespmem:s15+$0x4240]  }
0x22e: {  	v19 =	vld [tilespmem:s15+$0x4250]  }
0x22f: {  	v24 =	vld [tilespmem:s15+$0x2200]  }
0x230: {  	v28 =	vld [tilespmem:s15+$0x2210]  }
0x231: {  	v29 =	vld [tilespmem:s15+$0x2220]  }
0x232: {  	v33 =	vld [tilespmem:s15+$0x2230]  }
0x233: {  	v25 =	vld [tilespmem:s15+$0x2240]  }
0x234: {  	v23 =	vld [tilespmem:s15+$0x2250]  }
0x235: {  	v30 =	vld [tilespmem:s15+$0x200]  }
0x236: {  	v31 =	vld [tilespmem:s15+$0x210]  }
0x237: {  	v34 =	vld [tilespmem:s15+$0x220]  }
0x238: {  	v35 =	vld [tilespmem:s15+$0x230]  }
0x239: {  	v26 =	vld [tilespmem:s15+$0x2260]  }
0x23a: {  	v30 =	vadd.f32 v24, v30;
	v24 =	vld [tilespmem:s15+$0x2270]  }
0x23b: {  	v36 =	vadd.f32 v28, v31;
	v28 =	vld [tilespmem:s15+$0x240]  }
0x23c: {  	v31 =	vadd.f32 v29, v34;
	v29 =	vld [tilespmem:s15+$0x250];
	v30 =	vadd.f32 v27, v30  }
0x23d: {  	s16 =	simm.s32 $0x200;
	v33 =	vadd.f32 v33, v35;
	v32 =	vadd.f32 v32, v36;
	v27 =	vld [tilespmem:s15+$0x260]  }
.LBB2_12:
0x23e: {  	p0 =	sne.s32 s16, $0x7E00;
	v18 =	vadd.f32 v18, v30;
	v22 =	vadd.f32 v22, v31;
	v30 =	vld [tilespmem:s15+$0x270]  }
0x23f: {  	v17 =	vadd.f32 v17, v32;
	v21 =	vadd.f32 v21, v33;
	v31 =	vld [tilespmem:s15+$0x4260]  }
0x240: {  	v16 =	vadd.f32 v16, v22;
	v22 =	vadd.f32 v25, v28;
	v25 =	vld [tilespmem:s15+$0x4270]  }
0x241: {  	v15 =	vadd.f32 v15, v21;
	v21 =	vadd.f32 v23, v29;
	v23 =	vld [tilespmem:s15+$0x6260]  }
0x242: {  	s24 =	sshra.s32 s16, $0x2;
	[tilespmem:s15+$0x200] =	vst v18;
	v20 =	vadd.f32 v20, v22;
	v22 =	vadd.f32 v26, v27;
	v26 =	vld [tilespmem:s15+$0x6270]  }
0x243: {  	v19 =	vadd.f32 v19, v21;
	v18 =	vld [tilespmem:s24+$0x6200];
	[tilespmem:s15+$0x210] =	vst v17;
	v21 =	vadd.f32 v24, v30  }
0x244: {  	v17 =	vld [tilespmem:s24+$0x6210];
	[tilespmem:s15+$0x220] =	vst v16;
	v14 =	vadd.f32 v14, v20;
	v20 =	vadd.f32 v31, v22  }
0x245: {  	v13 =	vadd.f32 v13, v19;
	v16 =	vld [tilespmem:s24+$0x6220];
	[tilespmem:s15+$0x230] =	vst v15;
	v19 =	vadd.f32 v25, v21  }
0x246: {  	v15 =	vld [tilespmem:s24+$0x6230];
	[tilespmem:s15+$0x240] =	vst v14;
	v20 =	vadd.f32 v23, v20  }
0x247: {  	v14 =	vld [tilespmem:s24+$0x6240];
	[tilespmem:s15+$0x250] =	vst v13;
	v19 =	vadd.f32 v26, v19  }
0x248: {  	v13 =	vld [tilespmem:s24+$0x6250];
	[tilespmem:s15+$0x260] =	vst v20  }
0x249: {  	v27 =	vld [tilespmem:s24+$0x4200];
	[tilespmem:s15+$0x270] =	vst v19;
	s15 =	smov.u32 s24  }
0x24a: {  	v32 =	vld [tilespmem:s15+$0x4210]  }
0x24b: {  	v22 =	vld [tilespmem:s15+$0x4220]  }
0x24c: {  	v21 =	vld [tilespmem:s15+$0x4230]  }
0x24d: {  	v20 =	vld [tilespmem:s15+$0x4240]  }
0x24e: {  	v19 =	vld [tilespmem:s15+$0x4250]  }
0x24f: {  	v24 =	vld [tilespmem:s15+$0x2200]  }
0x250: {  	v28 =	vld [tilespmem:s15+$0x2210]  }
0x251: {  	v29 =	vld [tilespmem:s15+$0x2220]  }
0x252: {  	v33 =	vld [tilespmem:s15+$0x2230]  }
0x253: {  	v25 =	vld [tilespmem:s15+$0x2240]  }
0x254: {  	v23 =	vld [tilespmem:s15+$0x2250]  }
0x255: {  	v30 =	vld [tilespmem:s15+$0x200]  }
0x256: {  	v31 =	vld [tilespmem:s15+$0x210]  }
0x257: {  	v34 =	vld [tilespmem:s15+$0x220]  }
0x258: {  	v35 =	vld [tilespmem:s15+$0x230]  }
.Ltmp10:
0x259: {  	v26 =	vld [tilespmem:s15+$0x2260];
	(pc) =	sbr.rel @p0 .LBB2_12-.Ltmp10, $4  }
0x25a: {  	v30 =	vadd.f32 v24, v30;
	v24 =	vld [tilespmem:s15+$0x2270]  }
0x25b: {  	v36 =	vadd.f32 v28, v31;
	v28 =	vld [tilespmem:s15+$0x240]  }
0x25c: {  	v30 =	vadd.f32 v27, v30;
	v31 =	vadd.f32 v29, v34;
	v29 =	vld [tilespmem:s15+$0x250]  }
0x25d: {  	s16 =	sadd.s32 $0x200, s16;
	v32 =	vadd.f32 v32, v36;
	v33 =	vadd.f32 v33, v35;
	v27 =	vld [tilespmem:s15+$0x260]  }
.Ltmp11:
0x25e: {  	_ = 	snop;
	(pc) =	sbr.rel .LBB2_13-.Ltmp11, $1  }
0x25f: {  	_ =	sdelay $0x3  }
.LBB2_17:
0x260: {  	_ =	sfence.sel $0x180000  }
0x261: {  	[bflag:$0x0] =	sbarrier.arrive $0xFFFF  }
0x262: {  	_ =	strace $0x90000047  }
0x263: {  	s0 =	stileid.u32;
	[bflag:$0x2] =	sbarrier.arrive $0xFFFF  }
0x264: {  	p0 =	sne.s32 s0, $0x0;
	s0 =	rddreg [dreg:$0x2]  }
0x265: {  	s0 =	sadd.s32 @!p0 $0x100000, s0  }
0x266: {  	[sflag:s0] =	ssyncadd.tile.s32 @!p0 $0x1;
	_ =	shalt  }
.Lfunc_end2:
_tile_overlayer_lowered:
.L_overlay_start_2:
0x267: {  	(tag) =	ssettag $0x2  }
0x268: {  	s0 =	rddreg [dreg:$0x0];
	s2 =	stileid.u32  }
0x269: {  	s1 =	rddreg [dreg:$0x1];
	p0 =	sne.s32 s2, $0x0  }
0x26a: {  	s3 =	rddreg [dreg:$0x2];
	[bflag:$0x3] =	sbarrier.arrive $0xFFFF;
	s2 =	simm.s32 @!p0 $0x1C03  }
0x26b: {  	[timem:s3], [sflag:s2] =	dma.local @!p0 [hbm:s0], s1  }
0x26c: {  	s0 =	simm.s32 @!p0 $0x3  }
0x26d: {  	_ =	swait.ge @!p0 [sflag:s0], s1  }
0x26e: {  	s1 =	ssub.s32 @!p0 $0x0, s1;
	[sflag:s0] =	ssyncset.done @!p0 $0x0  }
0x26f: {  	[sflag:s0] =	ssyncadd.s32 @!p0 s1  }
0x270: {  	[bflag:$0x3] =	sbarrier.arrive $0xFFFF  }
0x271: {  	_ =	shalt  }

</sc_bundles>
